<compile_context>
chip_gen: v7x
topology: tpu7x:2x2x1
jax: 0.10.2.dev20260603
libtpu: 0.0.44.dev20260713+nightly
codegen_flags: <defaults>
</compile_context>

<pallas_src>
import functools

import jax
import jax.numpy as jnp
from jax import lax
from jax.experimental import pallas as pl
from jax.experimental.pallas import tpu as pltpu
from jax.experimental.pallas import tpu_sc as plsc

NC = 2
NS = 16
NW = NC * NS
LANES = 16

N = 10000
E = 320000
D = 128
OUT = 64

C = 120
KC = -(-E // (NW * C))
KC = ((KC + 2) // 3) * 3
EPW = KC * C
EP = EPW * NW
N_PAD = ((N + 1 + 255) // 256) * 256
ROWS_PER = N_PAD // NS
ZROWS = ((ROWS_PER + LANES - 1) // LANES) * LANES


def _mesh():
    return plsc.VectorSubcoreMesh(
        core_axis_name="c", subcore_axis_name="s",
        num_cores=NC, num_subcores=NS)


@functools.cache
def _sc_degrees_call():
    return functools.partial(
        pl.kernel,
        out_type=[
            jax.ShapeDtypeStruct((NC * N_PAD,), jnp.float32),
            jax.ShapeDtypeStruct((NC * N_PAD,), jnp.float32),
        ],
        mesh=_mesh(),
        scratch_types=[
            pltpu.VMEM((KC, C), jnp.int32),
            pltpu.VMEM((KC, C), jnp.int32),
            pltpu.VMEM((C,), jnp.float32),
            pltpu.VMEM((ZROWS,), jnp.float32),
            pltpu.VMEM_SHARED((N_PAD,), jnp.float32),
            pltpu.VMEM_SHARED((N_PAD,), jnp.float32),
        ],
    )(_sc_degrees_body)


def _sc_degrees_body(src_hbm, dst_hbm, outs, outd, src_v, dst_v, ones_v,
                     zero_v, accs, accd):
    c = lax.axis_index("c")
    s = lax.axis_index("s")
    wid = s * NC + c

    for i in range(C // LANES):
        ones_v[pl.ds(i * LANES, LANES)] = jnp.ones((LANES,), jnp.float32)
    if C % LANES:
        ones_v[pl.ds(C - LANES, LANES)] = jnp.ones((LANES,), jnp.float32)
    nz = ZROWS // LANES
    for i in range(nz):
        zero_v[pl.ds(i * LANES, LANES)] = jnp.zeros((LANES,), jnp.float32)
    base = s * ROWS_PER
    pltpu.sync_copy(zero_v.at[pl.ds(0, ROWS_PER)], accs.at[pl.ds(base, ROWS_PER)])
    pltpu.sync_copy(zero_v.at[pl.ds(0, ROWS_PER)], accd.at[pl.ds(base, ROWS_PER)])

    pltpu.sync_copy(src_hbm.at[wid], src_v)
    pltpu.sync_copy(dst_hbm.at[wid], dst_v)
    plsc.subcore_barrier()

    @pl.loop(0, KC)
    def _(j):
        pltpu.sync_copy(ones_v, accs.at[src_v.at[j]], add=True)
        pltpu.sync_copy(ones_v, accd.at[dst_v.at[j]], add=True)

    plsc.subcore_barrier()
    obase = c * N_PAD + base
    pltpu.sync_copy(accs.at[pl.ds(base, ROWS_PER)], zero_v.at[pl.ds(0, ROWS_PER)])
    pltpu.sync_copy(zero_v.at[pl.ds(0, ROWS_PER)], outs.at[pl.ds(obase, ROWS_PER)])
    pltpu.sync_copy(accd.at[pl.ds(base, ROWS_PER)], zero_v.at[pl.ds(0, ROWS_PER)])
    pltpu.sync_copy(zero_v.at[pl.ds(0, ROWS_PER)], outd.at[pl.ds(obase, ROWS_PER)])


@functools.cache
def _sc_segsum_call():
    return functools.partial(
        pl.kernel,
        out_type=jax.ShapeDtypeStruct((NC, N_PAD, D), jnp.float32),
        mesh=_mesh(),
        scratch_types=[
            pltpu.VMEM((C,), jnp.int32) for _ in range(3)
        ] + [
            pltpu.VMEM((C,), jnp.int32) for _ in range(3)
        ] + [
            pltpu.VMEM((C, D), jnp.float32) for _ in range(3)
        ] + [
            pltpu.VMEM_SHARED((N_PAD, D), jnp.float32),
        ] + [pltpu.SemaphoreType.DMA] * 12,
    )(_sc_segsum_body)


def _sc_segsum_body(x_hbm, src_hbm, dst_hbm, out, s0, s1, s2, d0, d1, d2,
                    r0, r1, r2, acc, *sems):
    c = lax.axis_index("c")
    s = lax.axis_index("s")
    wid = s * NC + c
    sidx = (s0, s1, s2)
    didx = (d0, d1, d2)
    rows = (r0, r1, r2)
    isems = sems[0:3]
    dsems = sems[3:6]
    rsems = sems[6:9]
    ssems = sems[9:12]

    @pl.loop(0, C)
    def _(r):
        for i in range(D // LANES):
            r0[r, pl.ds(i * LANES, LANES)] = jnp.zeros((LANES,), jnp.float32)
    base = s * ROWS_PER
    nfull = ROWS_PER // C
    for t in range(nfull):
        pltpu.sync_copy(r0, acc.at[pl.ds(base + t * C, C)])
    rem = ROWS_PER - nfull * C
    if rem:
        pltpu.sync_copy(r0.at[pl.ds(0, rem)],
                        acc.at[pl.ds(base + nfull * C, rem)])
    plsc.subcore_barrier()

    for k in range(3):
        pltpu.async_copy(src_hbm.at[wid, k], sidx[k], isems[k])
    for k in range(2):
        pltpu.async_copy(dst_hbm.at[wid, k], didx[k], dsems[k])
    for k in range(2):
        pltpu.make_async_copy(src_hbm.at[wid, k], sidx[k], isems[k]).wait()
        pltpu.async_copy(x_hbm.at[sidx[k]], rows[k], rsems[k])

    @pl.loop(0, KC, step=3)
    def _(j0):
        for b in range(3):
            j = j0 + b
            pltpu.make_async_copy(
                x_hbm.at[sidx[b]], rows[b], rsems[b]).wait()
            @pl.when(j + 3 < KC)
            def _():
                pltpu.async_copy(src_hbm.at[wid, j + 3], sidx[b], isems[b])
            def _drain(bb=b):
                pltpu.make_async_copy(
                    rows[(bb + 2) % 3], acc.at[didx[(bb + 2) % 3]],
                    ssems[(bb + 2) % 3]).wait()
            if b == 0:
                @pl.when(j0 > 0)
                def _():
                    _drain()
            else:
                _drain()

            @pl.when(j + 2 < KC)
            def _():
                pltpu.make_async_copy(
                    src_hbm.at[wid, j + 2], sidx[(b + 2) % 3],
                    isems[(b + 2) % 3]).wait()
                pltpu.async_copy(x_hbm.at[sidx[(b + 2) % 3]],
                                 rows[(b + 2) % 3], rsems[(b + 2) % 3])
                pltpu.async_copy(dst_hbm.at[wid, j + 2], didx[(b + 2) % 3],
                                 dsems[(b + 2) % 3])

            pltpu.make_async_copy(
                dst_hbm.at[wid, j], didx[b], dsems[b]).wait()
            pltpu.async_copy(rows[b], acc.at[didx[b]], ssems[b],
                             add=True)

    pltpu.make_async_copy(
        rows[(KC - 1) % 3], acc.at[didx[(KC - 1) % 3]],
        ssems[(KC - 1) % 3]).wait()
    plsc.subcore_barrier()
    pltpu.sync_copy(acc.at[pl.ds(base, ROWS_PER)],
                    out.at[c, pl.ds(base, ROWS_PER)])


def _rs(deg_ref):
    d = deg_ref[0] + deg_ref[1]
    return lax.rsqrt(jnp.maximum(d, 1.0))[:N]


def _tc_mm0(h_ref, w0_ref, out_ref):
    out_ref[...] = jnp.dot(h_ref[...], w0_ref[...],
                           preferred_element_type=jnp.float32)


def _tc_scale0(p_ref, degs_ref, p0_ref):
    p0_ref[:N, :] = p_ref[...] * _rs(degs_ref)
    p0_ref[N:, :] = jnp.zeros((N_PAD - N, D), jnp.float32)


def _bn_relu(x, gamma, beta):
    mu = jnp.mean(x, axis=0, keepdims=True)
    var = jnp.mean((x - mu) ** 2, axis=0, keepdims=True)
    return jnp.maximum(gamma * (x - mu) * lax.rsqrt(var + 1e-3) + beta, 0.0)


def _tc_mid(q0_ref, degd_ref, degs_ref, b0_ref, g0_ref, be0_ref, w1_ref,
            h1_ref, p1_ref):
    rs_in = _rs(degd_ref)
    q0 = q0_ref[0, :N, :] + q0_ref[1, :N, :]
    x = q0 * rs_in + b0_ref[...]
    h1 = _bn_relu(x, g0_ref[...], be0_ref[...])
    h1_ref[...] = h1
    rs_out = _rs(degs_ref)
    p1 = jnp.dot(h1, w1_ref[...], preferred_element_type=jnp.float32)
    p1_ref[:N, :] = p1 * rs_out
    p1_ref[N:, :] = jnp.zeros((N_PAD - N, D), jnp.float32)


def _tc_final(q1_ref, degd_ref, b1_ref, g1_ref, be1_ref, h1_ref, wp_ref,
              bp_ref, out_ref):
    rs_in = _rs(degd_ref)
    q1 = q1_ref[0, :N, :] + q1_ref[1, :N, :]
    x = q1 * rs_in + b1_ref[...]
    h2 = _bn_relu(x, g1_ref[...], be1_ref[...]) + h1_ref[...]
    pooled = jnp.mean(h2, axis=0, keepdims=True)
    out_ref[...] = (
        jnp.dot(pooled, wp_ref[...], preferred_element_type=jnp.float32)
        + bp_ref[...])


_mm0 = pl.pallas_call(
    _tc_mm0,
    out_shape=jax.ShapeDtypeStruct((N, D), jnp.float32))
_scale0 = pl.pallas_call(
    _tc_scale0,
    out_shape=jax.ShapeDtypeStruct((N_PAD, D), jnp.float32))
_mid = pl.pallas_call(
    _tc_mid,
    out_shape=[jax.ShapeDtypeStruct((N, D), jnp.float32),
               jax.ShapeDtypeStruct((N_PAD, D), jnp.float32)])
_final = pl.pallas_call(
    _tc_final,
    out_shape=jax.ShapeDtypeStruct((1, OUT), jnp.float32))


def kernel(h, edge_index, W0, b0, gamma0, beta0, W1, b1, gamma1, beta1, Wp, bp):
    src = edge_index[0].astype(jnp.int32)
    dst = edge_index[1].astype(jnp.int32)
    padr = N + (jnp.arange(EP - E, dtype=jnp.int32) % (N_PAD - N))
    srcp = jnp.concatenate([src, padr]).reshape(NW, KC, C)
    dstp = jnp.concatenate([dst, padr]).reshape(NW, KC, C)

    degs_p, degd_p = _sc_degrees_call()(srcp, dstp)
    degs_c = degs_p.reshape(NC, N_PAD, 1)
    degd_c = degd_p.reshape(NC, N_PAD, 1)

    b0r = b0.reshape(1, D)
    g0r = gamma0.reshape(1, D)
    be0r = beta0.reshape(1, D)
    b1r = b1.reshape(1, D)
    g1r = gamma1.reshape(1, D)
    be1r = beta1.reshape(1, D)
    bpr = bp.reshape(1, OUT)

    p0 = _scale0(_mm0(h, W0), degs_c)
    segsum = _sc_segsum_call()
    q0p = segsum(p0, srcp, dstp)
    h1, p1 = _mid(q0p, degd_c, degs_c, b0r, g0r, be0r, W1)
    q1p = segsum(p1, srcp, dstp)
    return _final(q1p, degd_c, b1r, g1r, be1r, h1, Wp, bpr)

# --- scband reference (transcript-rebuilt; emitter-appended) ---
"""Pipeline reference for scband-gcn-89515708383722 (READ-ONLY COPY).

The authoritative reference and input builder live on the scoring server;
editing this copy changes nothing except your own understanding.
"""

import jax, jax.numpy as jnp
import numpy as np

N = 10000
E = 320000
D = 128
OUT = 64


def setup_inputs(seed: int = 0) -> dict:
    key = jax.random.key(seed)
    ks = jax.random.split(key, 14)
    h = jax.random.normal(ks[0], (N, D), dtype=jnp.float32)
    edge_index = jax.random.randint(ks[1], (2, E), 0, N)
    s = 1.0 / np.sqrt(D)
    W0 = jax.random.uniform(ks[2], (D, D), jnp.float32, -s, s)
    b0 = jax.random.uniform(ks[3], (D,), jnp.float32, -s, s)
    gamma0 = jnp.ones((D,), jnp.float32)
    beta0 = jnp.zeros((D,), jnp.float32)
    W1 = jax.random.uniform(ks[4], (D, D), jnp.float32, -s, s)
    b1 = jax.random.uniform(ks[5], (D,), jnp.float32, -s, s)
    gamma1 = jnp.ones((D,), jnp.float32)
    beta1 = jnp.zeros((D,), jnp.float32)
    Wp = jax.random.uniform(ks[6], (D, OUT), jnp.float32, -s, s)
    bp = jax.random.uniform(ks[7], (OUT,), jnp.float32, -s, s)
    return {"h": h, "edge_index": edge_index, "W0": W0, "b0": b0,
            "gamma0": gamma0, "beta0": beta0, "W1": W1, "b1": b1,
            "gamma1": gamma1, "beta1": beta1, "Wp": Wp, "bp": bp}


def _graph_conv(h, W, b, src, dst):
    # DGL GraphConv with norm='both', allow_zero_in_degree=True
    ones = jnp.ones(src.shape[0], dtype=h.dtype)
    out_deg = jnp.clip(jax.ops.segment_sum(ones, src, num_segments=N), 1.0)
    in_deg = jnp.clip(jax.ops.segment_sum(ones, dst, num_segments=N), 1.0)
    hn = h * (out_deg ** -0.5)[:, None]
    agg = jax.ops.segment_sum(hn[src], dst, num_segments=N)
    agg = agg * (in_deg ** -0.5)[:, None]
    return agg @ W + b


def _bn(x, gamma, beta):
    # BatchNorm1d in training mode (batch stats), eps=0.001, biased variance
    mu = jnp.mean(x, axis=0)
    var = jnp.mean((x - mu) ** 2, axis=0)
    return gamma * (x - mu) / jnp.sqrt(var + 1e-3) + beta


def reference(h, edge_index, W0, b0, gamma0, beta0, W1, b1, gamma1, beta1, Wp, bp):
    src = edge_index[0]
    dst = edge_index[1]
    # layer 0
    h1 = _graph_conv(h, W0, b0, src, dst)
    h1 = _bn(h1, gamma0, beta0)
    h1 = jax.nn.relu(h1)
    # layer 1 with residual
    h2 = _graph_conv(h1, W1, b1, src, dst)
    h2 = _bn(h2, gamma1, beta1)
    h2 = jax.nn.relu(h2) + h1
    # mean pooling over the single graph's nodes -> [1, D]
    pooled = jnp.mean(h2, axis=0, keepdims=True)
    # prediction head (training=False: no dropout)
    return pooled @ Wp + bp

if __name__ == "__main__":
    import jax
    _d = setup_inputs()
    print(jax.jit(kernel)(*tuple(_d.values())))

</pallas_src>

<mosaic_0001>
#map = affine_map<(d0, d1) -> (0, 0)>
#map1 = affine_map<(d0, d1) -> (0, 0, 0)>
module attributes {stable_mosaic.version = 14 : i64} {
  func.func @_sc_segsum_body(%arg0: i32, %arg1: i32, %arg2: memref<10240x128xf32, #tpu.memory_space<hbm>>, %arg3: memref<32x84x120xi32, #tpu.memory_space<hbm>>, %arg4: memref<32x84x120xi32, #tpu.memory_space<hbm>>, %arg5: memref<2x10240x128xf32, #tpu.memory_space<hbm>>, %arg6: memref<120xi32, #tpu.memory_space<vmem>>, %arg7: memref<120xi32, #tpu.memory_space<vmem>>, %arg8: memref<120xi32, #tpu.memory_space<vmem>>, %arg9: memref<120xi32, #tpu.memory_space<vmem>>, %arg10: memref<120xi32, #tpu.memory_space<vmem>>, %arg11: memref<120xi32, #tpu.memory_space<vmem>>, %arg12: memref<120x128xf32, #tpu.memory_space<vmem>>, %arg13: memref<120x128xf32, #tpu.memory_space<vmem>>, %arg14: memref<120x128xf32, #tpu.memory_space<vmem>>, %arg15: memref<10240x128xf32, #tpu.memory_space<vmem_shared>>, %arg16: memref<!tpu.dma_semaphore, #tpu.memory_space<semaphore_mem>>, %arg17: memref<!tpu.dma_semaphore, #tpu.memory_space<semaphore_mem>>, %arg18: memref<!tpu.dma_semaphore, #tpu.memory_space<semaphore_mem>>, %arg19: memref<!tpu.dma_semaphore, #tpu.memory_space<semaphore_mem>>, %arg20: memref<!tpu.dma_semaphore, #tpu.memory_space<semaphore_mem>>, %arg21: memref<!tpu.dma_semaphore, #tpu.memory_space<semaphore_mem>>, %arg22: memref<!tpu.dma_semaphore, #tpu.memory_space<semaphore_mem>>, %arg23: memref<!tpu.dma_semaphore, #tpu.memory_space<semaphore_mem>>, %arg24: memref<!tpu.dma_semaphore, #tpu.memory_space<semaphore_mem>>, %arg25: memref<!tpu.dma_semaphore, #tpu.memory_space<semaphore_mem>>, %arg26: memref<!tpu.dma_semaphore, #tpu.memory_space<semaphore_mem>>, %arg27: memref<!tpu.dma_semaphore, #tpu.memory_space<semaphore_mem>>) attributes {dimension_semantics = [#tpu.dimension_semantics<core_parallel>, #tpu.dimension_semantics<subcore_parallel>], iteration_bounds = array<i64: 2, 16>, scalar_prefetch = 0 : i64, scratch_operands = 22 : i64, tpu.core_type = #tpu.core_type<sc_vector_subcore>, window_params = [{transform_indices = #map}, {transform_indices = #map1}, {transform_indices = #map1}, {transform_indices = #map1}]} {
    %mul3A = arith.constant 2 : i32
    %mul3A_0 = arith.muli %arg1, %mul3A : i32
    %add3A = arith.addi %mul3A_0, %arg0 : i32
    %scan3A = arith.constant 0 : i32
    %scan3A_1 = arith.constant 120 : i32
    %scan3A_2 = arith.addi %scan3A, %scan3A_1 : i32
    %scan3A_3 = arith.constant 1 : i32
    scf.for %scan3A_81 = %scan3A to %scan3A_2 step %scan3A_3  : i32 {
      %mul3A_82 = arith.constant 1 : i32
      %mul3A_83 = arith.muli %scan3A_81, %mul3A_82 : i32
      %add3A_84 = arith.constant 0 : i32
      %add3A_85 = arith.addi %add3A_84, %mul3A_83 : i32
      %broadcast_in_dim3A = arith.constant 0.000000e+00 : f32
      %broadcast_in_dim3A_86 = vector.broadcast %broadcast_in_dim3A : f32 to vector<16xf32>
      %swap3A = arith.index_cast %add3A_85 : i32 to index
      %swap3A_87 = arith.constant 0 : index
      %swap3A_88 = tpu.vector_load %arg12[%swap3A, %swap3A_87] {strides = array<i32>} : memref<120x128xf32, #tpu.memory_space<vmem>>, vector<1x16xf32>,
      %swap3A_89 = vector.shape_cast %swap3A_88 : vector<1x16xf32> to vector<16xf32>
      %swap3A_90 = vector.shape_cast %broadcast_in_dim3A_86 : vector<16xf32> to vector<1x16xf32>
      tpu.vector_store %arg12[%swap3A, %swap3A_87], %swap3A_90 {strides = array<i32>} : memref<120x128xf32, #tpu.memory_space<vmem>>, vector<1x16xf32>,
      %broadcast_in_dim3A_91 = arith.constant 0.000000e+00 : f32
      %broadcast_in_dim3A_92 = vector.broadcast %broadcast_in_dim3A_91 : f32 to vector<16xf32>
      %swap3A_93 = arith.index_cast %add3A_85 : i32 to index
      %swap3A_94 = arith.constant 16 : index
      %swap3A_95 = tpu.vector_load %arg12[%swap3A_93, %swap3A_94] {strides = array<i32>} : memref<120x128xf32, #tpu.memory_space<vmem>>, vector<1x16xf32>,
      %swap3A_96 = vector.shape_cast %swap3A_95 : vector<1x16xf32> to vector<16xf32>
      %swap3A_97 = vector.shape_cast %broadcast_in_dim3A_92 : vector<16xf32> to vector<1x16xf32>
      tpu.vector_store %arg12[%swap3A_93, %swap3A_94], %swap3A_97 {strides = array<i32>} : memref<120x128xf32, #tpu.memory_space<vmem>>, vector<1x16xf32>,
      %broadcast_in_dim3A_98 = arith.constant 0.000000e+00 : f32
      %broadcast_in_dim3A_99 = vector.broadcast %broadcast_in_dim3A_98 : f32 to vector<16xf32>
      %swap3A_100 = arith.index_cast %add3A_85 : i32 to index
      %swap3A_101 = arith.constant 32 : index
      %swap3A_102 = tpu.vector_load %arg12[%swap3A_100, %swap3A_101] {strides = array<i32>} : memref<120x128xf32, #tpu.memory_space<vmem>>, vector<1x16xf32>,
      %swap3A_103 = vector.shape_cast %swap3A_102 : vector<1x16xf32> to vector<16xf32>
      %swap3A_104 = vector.shape_cast %broadcast_in_dim3A_99 : vector<16xf32> to vector<1x16xf32>
      tpu.vector_store %arg12[%swap3A_100, %swap3A_101], %swap3A_104 {strides = array<i32>} : memref<120x128xf32, #tpu.memory_space<vmem>>, vector<1x16xf32>,
      %broadcast_in_dim3A_105 = arith.constant 0.000000e+00 : f32
      %broadcast_in_dim3A_106 = vector.broadcast %broadcast_in_dim3A_105 : f32 to vector<16xf32>
      %swap3A_107 = arith.index_cast %add3A_85 : i32 to index
      %swap3A_108 = arith.constant 48 : index
      %swap3A_109 = tpu.vector_load %arg12[%swap3A_107, %swap3A_108] {strides = array<i32>} : memref<120x128xf32, #tpu.memory_space<vmem>>, vector<1x16xf32>,
      %swap3A_110 = vector.shape_cast %swap3A_109 : vector<1x16xf32> to vector<16xf32>
      %swap3A_111 = vector.shape_cast %broadcast_in_dim3A_106 : vector<16xf32> to vector<1x16xf32>
      tpu.vector_store %arg12[%swap3A_107, %swap3A_108], %swap3A_111 {strides = array<i32>} : memref<120x128xf32, #tpu.memory_space<vmem>>, vector<1x16xf32>,
      %broadcast_in_dim3A_112 = arith.constant 0.000000e+00 : f32
      %broadcast_in_dim3A_113 = vector.broadcast %broadcast_in_dim3A_112 : f32 to vector<16xf32>
      %swap3A_114 = arith.index_cast %add3A_85 : i32 to index
      %swap3A_115 = arith.constant 64 : index
      %swap3A_116 = tpu.vector_load %arg12[%swap3A_114, %swap3A_115] {strides = array<i32>} : memref<120x128xf32, #tpu.memory_space<vmem>>, vector<1x16xf32>,
      %swap3A_117 = vector.shape_cast %swap3A_116 : vector<1x16xf32> to vector<16xf32>
      %swap3A_118 = vector.shape_cast %broadcast_in_dim3A_113 : vector<16xf32> to vector<1x16xf32>
      tpu.vector_store %arg12[%swap3A_114, %swap3A_115], %swap3A_118 {strides = array<i32>} : memref<120x128xf32, #tpu.memory_space<vmem>>, vector<1x16xf32>,
      %broadcast_in_dim3A_119 = arith.constant 0.000000e+00 : f32
      %broadcast_in_dim3A_120 = vector.broadcast %broadcast_in_dim3A_119 : f32 to vector<16xf32>
      %swap3A_121 = arith.index_cast %add3A_85 : i32 to index
      %swap3A_122 = arith.constant 80 : index
      %swap3A_123 = tpu.vector_load %arg12[%swap3A_121, %swap3A_122] {strides = array<i32>} : memref<120x128xf32, #tpu.memory_space<vmem>>, vector<1x16xf32>,
      %swap3A_124 = vector.shape_cast %swap3A_123 : vector<1x16xf32> to vector<16xf32>
      %swap3A_125 = vector.shape_cast %broadcast_in_dim3A_120 : vector<16xf32> to vector<1x16xf32>
      tpu.vector_store %arg12[%swap3A_121, %swap3A_122], %swap3A_125 {strides = array<i32>} : memref<120x128xf32, #tpu.memory_space<vmem>>, vector<1x16xf32>,
      %broadcast_in_dim3A_126 = arith.constant 0.000000e+00 : f32
      %broadcast_in_dim3A_127 = vector.broadcast %broadcast_in_dim3A_126 : f32 to vector<16xf32>
      %swap3A_128 = arith.index_cast %add3A_85 : i32 to index
      %swap3A_129 = arith.constant 96 : index
      %swap3A_130 = tpu.vector_load %arg12[%swap3A_128, %swap3A_129] {strides = array<i32>} : memref<120x128xf32, #tpu.memory_space<vmem>>, vector<1x16xf32>,
      %swap3A_131 = vector.shape_cast %swap3A_130 : vector<1x16xf32> to vector<16xf32>
      %swap3A_132 = vector.shape_cast %broadcast_in_dim3A_127 : vector<16xf32> to vector<1x16xf32>
      tpu.vector_store %arg12[%swap3A_128, %swap3A_129], %swap3A_132 {strides = array<i32>} : memref<120x128xf32, #tpu.memory_space<vmem>>, vector<1x16xf32>,
      %broadcast_in_dim3A_133 = arith.constant 0.000000e+00 : f32
      %broadcast_in_dim3A_134 = vector.broadcast %broadcast_in_dim3A_133 : f32 to vector<16xf32>
      %swap3A_135 = arith.index_cast %add3A_85 : i32 to index
      %swap3A_136 = arith.constant 112 : index
      %swap3A_137 = tpu.vector_load %arg12[%swap3A_135, %swap3A_136] {strides = array<i32>} : memref<120x128xf32, #tpu.memory_space<vmem>>, vector<1x16xf32>,
      %swap3A_138 = vector.shape_cast %swap3A_137 : vector<1x16xf32> to vector<16xf32>
      %swap3A_139 = vector.shape_cast %broadcast_in_dim3A_134 : vector<16xf32> to vector<1x16xf32>
      tpu.vector_store %arg12[%swap3A_135, %swap3A_136], %swap3A_139 {strides = array<i32>} : memref<120x128xf32, #tpu.memory_space<vmem>>, vector<1x16xf32>,
    }
    %scan3A_4 = arith.constant 120 : i32
    %mul3A_5 = arith.constant 640 : i32
    %mul3A_6 = arith.muli %arg1, %mul3A_5 : i32
    %add3A_7 = arith.constant 0 : i32
    %add3A_8 = arith.addi %mul3A_6, %add3A_7 : i32
    "tpu.region"() ({
      %run_scoped3A = tpu.sem_alloc : memref<!tpu.dma_semaphore, #tpu.memory_space<semaphore_mem>>
      %dma_start3A_81 = arith.constant 0 : i32
      %dma_start3A_82 = tpu.memref_slice %arg15[%add3A_8, %dma_start3A_81] : memref<10240x128xf32, #tpu.memory_space<vmem_shared>> -> memref<120x128xf32, #tpu.memory_space<vmem_shared>>
      %dma_start3A_83 = arith.constant 0 : i32
      %dma_start3A_84 = tpu.memref_slice %arg15[%add3A_8, %dma_start3A_83] : memref<10240x128xf32, #tpu.memory_space<vmem_shared>> -> memref<120x128xf32, #tpu.memory_space<vmem_shared>>
      tpu.enqueue_dma source(%arg12 : memref<120x128xf32, #tpu.memory_space<vmem>>) target(%dma_start3A_84 : memref<120x128xf32, #tpu.memory_space<vmem_shared>>) target_semaphore(%run_scoped3A : memref<!tpu.dma_semaphore, #tpu.memory_space<semaphore_mem>>)
      %dma_wait3A_85 = arith.constant 0 : i32
      %dma_wait3A_86 = tpu.memref_slice %arg15[%add3A_8, %dma_wait3A_85] : memref<10240x128xf32, #tpu.memory_space<vmem_shared>> -> memref<120x128xf32, #tpu.memory_space<vmem_shared>>
      %dma_wait3A_87 = arith.constant 0 : i32
      %dma_wait3A_88 = tpu.memref_slice %arg15[%add3A_8, %dma_wait3A_87] : memref<10240x128xf32, #tpu.memory_space<vmem_shared>> -> memref<120x128xf32, #tpu.memory_space<vmem_shared>>
      tpu.wait_dma2 semaphore(%run_scoped3A : memref<!tpu.dma_semaphore, #tpu.memory_space<semaphore_mem>>) src(%arg12 : memref<120x128xf32, #tpu.memory_space<vmem>>) dst(%dma_wait3A_88 : memref<120x128xf32, #tpu.memory_space<vmem_shared>>)
      tpu.yield
    }) : () -> ()
    %add3A_9 = arith.constant 120 : i32
    %add3A_10 = arith.addi %mul3A_6, %add3A_9 : i32
    "tpu.region"() ({
      %run_scoped3A = tpu.sem_alloc : memref<!tpu.dma_semaphore, #tpu.memory_space<semaphore_mem>>
      %dma_start3A_81 = arith.constant 0 : i32
      %dma_start3A_82 = tpu.memref_slice %arg15[%add3A_10, %dma_start3A_81] : memref<10240x128xf32, #tpu.memory_space<vmem_shared>> -> memref<120x128xf32, #tpu.memory_space<vmem_shared>>
      %dma_start3A_83 = arith.constant 0 : i32
      %dma_start3A_84 = tpu.memref_slice %arg15[%add3A_10, %dma_start3A_83] : memref<10240x128xf32, #tpu.memory_space<vmem_shared>> -> memref<120x128xf32, #tpu.memory_space<vmem_shared>>
      tpu.enqueue_dma source(%arg12 : memref<120x128xf32, #tpu.memory_space<vmem>>) target(%dma_start3A_84 : memref<120x128xf32, #tpu.memory_space<vmem_shared>>) target_semaphore(%run_scoped3A : memref<!tpu.dma_semaphore, #tpu.memory_space<semaphore_mem>>)
      %dma_wait3A_85 = arith.constant 0 : i32
      %dma_wait3A_86 = tpu.memref_slice %arg15[%add3A_10, %dma_wait3A_85] : memref<10240x128xf32, #tpu.memory_space<vmem_shared>> -> memref<120x128xf32, #tpu.memory_space<vmem_shared>>
      %dma_wait3A_87 = arith.constant 0 : i32
      %dma_wait3A_88 = tpu.memref_slice %arg15[%add3A_10, %dma_wait3A_87] : memref<10240x128xf32, #tpu.memory_space<vmem_shared>> -> memref<120x128xf32, #tpu.memory_space<vmem_shared>>
      tpu.wait_dma2 semaphore(%run_scoped3A : memref<!tpu.dma_semaphore, #tpu.memory_space<semaphore_mem>>) src(%arg12 : memref<120x128xf32, #tpu.memory_space<vmem>>) dst(%dma_wait3A_88 : memref<120x128xf32, #tpu.memory_space<vmem_shared>>)
      tpu.yield
    }) : () -> ()
    %add3A_11 = arith.constant 240 : i32
    %add3A_12 = arith.addi %mul3A_6, %add3A_11 : i32
    "tpu.region"() ({
      %run_scoped3A = tpu.sem_alloc : memref<!tpu.dma_semaphore, #tpu.memory_space<semaphore_mem>>
      %dma_start3A_81 = arith.constant 0 : i32
      %dma_start3A_82 = tpu.memref_slice %arg15[%add3A_12, %dma_start3A_81] : memref<10240x128xf32, #tpu.memory_space<vmem_shared>> -> memref<120x128xf32, #tpu.memory_space<vmem_shared>>
      %dma_start3A_83 = arith.constant 0 : i32
      %dma_start3A_84 = tpu.memref_slice %arg15[%add3A_12, %dma_start3A_83] : memref<10240x128xf32, #tpu.memory_space<vmem_shared>> -> memref<120x128xf32, #tpu.memory_space<vmem_shared>>
      tpu.enqueue_dma source(%arg12 : memref<120x128xf32, #tpu.memory_space<vmem>>) target(%dma_start3A_84 : memref<120x128xf32, #tpu.memory_space<vmem_shared>>) target_semaphore(%run_scoped3A : memref<!tpu.dma_semaphore, #tpu.memory_space<semaphore_mem>>)
      %dma_wait3A_85 = arith.constant 0 : i32
      %dma_wait3A_86 = tpu.memref_slice %arg15[%add3A_12, %dma_wait3A_85] : memref<10240x128xf32, #tpu.memory_space<vmem_shared>> -> memref<120x128xf32, #tpu.memory_space<vmem_shared>>
      %dma_wait3A_87 = arith.constant 0 : i32
      %dma_wait3A_88 = tpu.memref_slice %arg15[%add3A_12, %dma_wait3A_87] : memref<10240x128xf32, #tpu.memory_space<vmem_shared>> -> memref<120x128xf32, #tpu.memory_space<vmem_shared>>
      tpu.wait_dma2 semaphore(%run_scoped3A : memref<!tpu.dma_semaphore, #tpu.memory_space<semaphore_mem>>) src(%arg12 : memref<120x128xf32, #tpu.memory_space<vmem>>) dst(%dma_wait3A_88 : memref<120x128xf32, #tpu.memory_space<vmem_shared>>)
      tpu.yield
    }) : () -> ()
    %add3A_13 = arith.constant 360 : i32
    %add3A_14 = arith.addi %mul3A_6, %add3A_13 : i32
    "tpu.region"() ({
      %run_scoped3A = tpu.sem_alloc : memref<!tpu.dma_semaphore, #tpu.memory_space<semaphore_mem>>
      %dma_start3A_81 = arith.constant 0 : i32
      %dma_start3A_82 = tpu.memref_slice %arg15[%add3A_14, %dma_start3A_81] : memref<10240x128xf32, #tpu.memory_space<vmem_shared>> -> memref<120x128xf32, #tpu.memory_space<vmem_shared>>
      %dma_start3A_83 = arith.constant 0 : i32
      %dma_start3A_84 = tpu.memref_slice %arg15[%add3A_14, %dma_start3A_83] : memref<10240x128xf32, #tpu.memory_space<vmem_shared>> -> memref<120x128xf32, #tpu.memory_space<vmem_shared>>
      tpu.enqueue_dma source(%arg12 : memref<120x128xf32, #tpu.memory_space<vmem>>) target(%dma_start3A_84 : memref<120x128xf32, #tpu.memory_space<vmem_shared>>) target_semaphore(%run_scoped3A : memref<!tpu.dma_semaphore, #tpu.memory_space<semaphore_mem>>)
      %dma_wait3A_85 = arith.constant 0 : i32
      %dma_wait3A_86 = tpu.memref_slice %arg15[%add3A_14, %dma_wait3A_85] : memref<10240x128xf32, #tpu.memory_space<vmem_shared>> -> memref<120x128xf32, #tpu.memory_space<vmem_shared>>
      %dma_wait3A_87 = arith.constant 0 : i32
      %dma_wait3A_88 = tpu.memref_slice %arg15[%add3A_14, %dma_wait3A_87] : memref<10240x128xf32, #tpu.memory_space<vmem_shared>> -> memref<120x128xf32, #tpu.memory_space<vmem_shared>>
      tpu.wait_dma2 semaphore(%run_scoped3A : memref<!tpu.dma_semaphore, #tpu.memory_space<semaphore_mem>>) src(%arg12 : memref<120x128xf32, #tpu.memory_space<vmem>>) dst(%dma_wait3A_88 : memref<120x128xf32, #tpu.memory_space<vmem_shared>>)
      tpu.yield
    }) : () -> ()
    %add3A_15 = arith.constant 480 : i32
    %add3A_16 = arith.addi %mul3A_6, %add3A_15 : i32
    "tpu.region"() ({
      %run_scoped3A = tpu.sem_alloc : memref<!tpu.dma_semaphore, #tpu.memory_space<semaphore_mem>>
      %dma_start3A_81 = arith.constant 0 : i32
      %dma_start3A_82 = tpu.memref_slice %arg15[%add3A_16, %dma_start3A_81] : memref<10240x128xf32, #tpu.memory_space<vmem_shared>> -> memref<120x128xf32, #tpu.memory_space<vmem_shared>>
      %dma_start3A_83 = arith.constant 0 : i32
      %dma_start3A_84 = tpu.memref_slice %arg15[%add3A_16, %dma_start3A_83] : memref<10240x128xf32, #tpu.memory_space<vmem_shared>> -> memref<120x128xf32, #tpu.memory_space<vmem_shared>>
      tpu.enqueue_dma source(%arg12 : memref<120x128xf32, #tpu.memory_space<vmem>>) target(%dma_start3A_84 : memref<120x128xf32, #tpu.memory_space<vmem_shared>>) target_semaphore(%run_scoped3A : memref<!tpu.dma_semaphore, #tpu.memory_space<semaphore_mem>>)
      %dma_wait3A_85 = arith.constant 0 : i32
      %dma_wait3A_86 = tpu.memref_slice %arg15[%add3A_16, %dma_wait3A_85] : memref<10240x128xf32, #tpu.memory_space<vmem_shared>> -> memref<120x128xf32, #tpu.memory_space<vmem_shared>>
      %dma_wait3A_87 = arith.constant 0 : i32
      %dma_wait3A_88 = tpu.memref_slice %arg15[%add3A_16, %dma_wait3A_87] : memref<10240x128xf32, #tpu.memory_space<vmem_shared>> -> memref<120x128xf32, #tpu.memory_space<vmem_shared>>
      tpu.wait_dma2 semaphore(%run_scoped3A : memref<!tpu.dma_semaphore, #tpu.memory_space<semaphore_mem>>) src(%arg12 : memref<120x128xf32, #tpu.memory_space<vmem>>) dst(%dma_wait3A_88 : memref<120x128xf32, #tpu.memory_space<vmem_shared>>)
      tpu.yield
    }) : () -> ()
    %add3A_17 = arith.constant 600 : i32
    %add3A_18 = arith.addi %mul3A_6, %add3A_17 : i32
    "tpu.region"() ({
      %run_scoped3A = tpu.sem_alloc : memref<!tpu.dma_semaphore, #tpu.memory_space<semaphore_mem>>
      %dma_start3A_81 = arith.constant 0 : i32
      %dma_start3A_82 = arith.constant 0 : i32
      %dma_start3A_83 = tpu.memref_slice %arg12[%dma_start3A_81, %dma_start3A_82] : memref<120x128xf32, #tpu.memory_space<vmem>> -> memref<40x128xf32, #tpu.memory_space<vmem>>
      %dma_start3A_84 = arith.constant 0 : i32
      %dma_start3A_85 = tpu.memref_slice %arg15[%add3A_18, %dma_start3A_84] : memref<10240x128xf32, #tpu.memory_space<vmem_shared>> -> memref<40x128xf32, #tpu.memory_space<vmem_shared>>
      %dma_start3A_86 = arith.constant 0 : i32
      %dma_start3A_87 = tpu.memref_slice %arg15[%add3A_18, %dma_start3A_86] : memref<10240x128xf32, #tpu.memory_space<vmem_shared>> -> memref<40x128xf32, #tpu.memory_space<vmem_shared>>
      %dma_start3A_88 = arith.constant 0 : i32
      %dma_start3A_89 = arith.constant 0 : i32
      %dma_start3A_90 = tpu.memref_slice %arg12[%dma_start3A_88, %dma_start3A_89] : memref<120x128xf32, #tpu.memory_space<vmem>> -> memref<40x128xf32, #tpu.memory_space<vmem>>
      tpu.enqueue_dma source(%dma_start3A_90 : memref<40x128xf32, #tpu.memory_space<vmem>>) target(%dma_start3A_87 : memref<40x128xf32, #tpu.memory_space<vmem_shared>>) target_semaphore(%run_scoped3A : memref<!tpu.dma_semaphore, #tpu.memory_space<semaphore_mem>>)
      %dma_wait3A_91 = arith.constant 0 : i32
      %dma_wait3A_92 = arith.constant 0 : i32
      %dma_wait3A_93 = tpu.memref_slice %arg12[%dma_wait3A_91, %dma_wait3A_92] : memref<120x128xf32, #tpu.memory_space<vmem>> -> memref<40x128xf32, #tpu.memory_space<vmem>>
      %dma_wait3A_94 = arith.constant 0 : i32
      %dma_wait3A_95 = tpu.memref_slice %arg15[%add3A_18, %dma_wait3A_94] : memref<10240x128xf32, #tpu.memory_space<vmem_shared>> -> memref<40x128xf32, #tpu.memory_space<vmem_shared>>
      %dma_wait3A_96 = arith.constant 0 : i32
      %dma_wait3A_97 = tpu.memref_slice %arg15[%add3A_18, %dma_wait3A_96] : memref<10240x128xf32, #tpu.memory_space<vmem_shared>> -> memref<40x128xf32, #tpu.memory_space<vmem_shared>>
      %dma_wait3A_98 = arith.constant 0 : i32
      %dma_wait3A_99 = arith.constant 0 : i32
      %dma_wait3A_100 = tpu.memref_slice %arg12[%dma_wait3A_98, %dma_wait3A_99] : memref<120x128xf32, #tpu.memory_space<vmem>> -> memref<40x128xf32, #tpu.memory_space<vmem>>
      tpu.wait_dma2 semaphore(%run_scoped3A : memref<!tpu.dma_semaphore, #tpu.memory_space<semaphore_mem>>) src(%dma_wait3A_100 : memref<40x128xf32, #tpu.memory_space<vmem>>) dst(%dma_wait3A_97 : memref<40x128xf32, #tpu.memory_space<vmem_shared>>)
      tpu.yield
    }) : () -> ()
    %barrier3A = arith.constant 0 : index
    tpu.barrier barrier_id(%barrier3A)
    %dma_start3A = arith.constant 0 : i32
    %dma_start3A_19 = arith.constant 0 : i32
    %dma_start3A_20 = tpu.memref_slice %arg3[%add3A, %dma_start3A, %dma_start3A_19] : memref<32x84x120xi32, #tpu.memory_space<hbm>> -> memref<1x1x120xi32, #tpu.memory_space<hbm>>
    %dma_start3A_21 = tpu.memref_squeeze %dma_start3A_20 : memref<1x1x120xi32, #tpu.memory_space<hbm>> -> memref<120xi32, #tpu.memory_space<hbm>>
    %dma_start3A_22 = arith.constant 0 : i32
    %dma_start3A_23 = tpu.memref_slice %arg3[%add3A, %dma_start3A, %dma_start3A_22] : memref<32x84x120xi32, #tpu.memory_space<hbm>> -> memref<1x1x120xi32, #tpu.memory_space<hbm>>
    %dma_start3A_24 = tpu.memref_squeeze %dma_start3A_23 : memref<1x1x120xi32, #tpu.memory_space<hbm>> -> memref<120xi32, #tpu.memory_space<hbm>>
    tpu.enqueue_dma source(%dma_start3A_24 : memref<120xi32, #tpu.memory_space<hbm>>) target(%arg6 : memref<120xi32, #tpu.memory_space<vmem>>) target_semaphore(%arg16 : memref<!tpu.dma_semaphore, #tpu.memory_space<semaphore_mem>>)
    %dma_start3A_25 = arith.constant 1 : i32
    %dma_start3A_26 = arith.constant 0 : i32
    %dma_start3A_27 = tpu.memref_slice %arg3[%add3A, %dma_start3A_25, %dma_start3A_26] : memref<32x84x120xi32, #tpu.memory_space<hbm>> -> memref<1x1x120xi32, #tpu.memory_space<hbm>>
    %dma_start3A_28 = tpu.memref_squeeze %dma_start3A_27 : memref<1x1x120xi32, #tpu.memory_space<hbm>> -> memref<120xi32, #tpu.memory_space<hbm>>
    %dma_start3A_29 = arith.constant 0 : i32
    %dma_start3A_30 = tpu.memref_slice %arg3[%add3A, %dma_start3A_25, %dma_start3A_29] : memref<32x84x120xi32, #tpu.memory_space<hbm>> -> memref<1x1x120xi32, #tpu.memory_space<hbm>>
    %dma_start3A_31 = tpu.memref_squeeze %dma_start3A_30 : memref<1x1x120xi32, #tpu.memory_space<hbm>> -> memref<120xi32, #tpu.memory_space<hbm>>
    tpu.enqueue_dma source(%dma_start3A_31 : memref<120xi32, #tpu.memory_space<hbm>>) target(%arg7 : memref<120xi32, #tpu.memory_space<vmem>>) target_semaphore(%arg17 : memref<!tpu.dma_semaphore, #tpu.memory_space<semaphore_mem>>)
    %dma_start3A_32 = arith.constant 2 : i32
    %dma_start3A_33 = arith.constant 0 : i32
    %dma_start3A_34 = tpu.memref_slice %arg3[%add3A, %dma_start3A_32, %dma_start3A_33] : memref<32x84x120xi32, #tpu.memory_space<hbm>> -> memref<1x1x120xi32, #tpu.memory_space<hbm>>
    %dma_start3A_35 = tpu.memref_squeeze %dma_start3A_34 : memref<1x1x120xi32, #tpu.memory_space<hbm>> -> memref<120xi32, #tpu.memory_space<hbm>>
    %dma_start3A_36 = arith.constant 0 : i32
    %dma_start3A_37 = tpu.memref_slice %arg3[%add3A, %dma_start3A_32, %dma_start3A_36] : memref<32x84x120xi32, #tpu.memory_space<hbm>> -> memref<1x1x120xi32, #tpu.memory_space<hbm>>
    %dma_start3A_38 = tpu.memref_squeeze %dma_start3A_37 : memref<1x1x120xi32, #tpu.memory_space<hbm>> -> memref<120xi32, #tpu.memory_space<hbm>>
    tpu.enqueue_dma source(%dma_start3A_38 : memref<120xi32, #tpu.memory_space<hbm>>) target(%arg8 : memref<120xi32, #tpu.memory_space<vmem>>) target_semaphore(%arg18 : memref<!tpu.dma_semaphore, #tpu.memory_space<semaphore_mem>>)
    %dma_start3A_39 = arith.constant 0 : i32
    %dma_start3A_40 = arith.constant 0 : i32
    %dma_start3A_41 = tpu.memref_slice %arg4[%add3A, %dma_start3A_39, %dma_start3A_40] : memref<32x84x120xi32, #tpu.memory_space<hbm>> -> memref<1x1x120xi32, #tpu.memory_space<hbm>>
    %dma_start3A_42 = tpu.memref_squeeze %dma_start3A_41 : memref<1x1x120xi32, #tpu.memory_space<hbm>> -> memref<120xi32, #tpu.memory_space<hbm>>
    %dma_start3A_43 = arith.constant 0 : i32
    %dma_start3A_44 = tpu.memref_slice %arg4[%add3A, %dma_start3A_39, %dma_start3A_43] : memref<32x84x120xi32, #tpu.memory_space<hbm>> -> memref<1x1x120xi32, #tpu.memory_space<hbm>>
    %dma_start3A_45 = tpu.memref_squeeze %dma_start3A_44 : memref<1x1x120xi32, #tpu.memory_space<hbm>> -> memref<120xi32, #tpu.memory_space<hbm>>
    tpu.enqueue_dma source(%dma_start3A_45 : memref<120xi32, #tpu.memory_space<hbm>>) target(%arg9 : memref<120xi32, #tpu.memory_space<vmem>>) target_semaphore(%arg19 : memref<!tpu.dma_semaphore, #tpu.memory_space<semaphore_mem>>)
    %dma_start3A_46 = arith.constant 1 : i32
    %dma_start3A_47 = arith.constant 0 : i32
    %dma_start3A_48 = tpu.memref_slice %arg4[%add3A, %dma_start3A_46, %dma_start3A_47] : memref<32x84x120xi32, #tpu.memory_space<hbm>> -> memref<1x1x120xi32, #tpu.memory_space<hbm>>
    %dma_start3A_49 = tpu.memref_squeeze %dma_start3A_48 : memref<1x1x120xi32, #tpu.memory_space<hbm>> -> memref<120xi32, #tpu.memory_space<hbm>>
    %dma_start3A_50 = arith.constant 0 : i32
    %dma_start3A_51 = tpu.memref_slice %arg4[%add3A, %dma_start3A_46, %dma_start3A_50] : memref<32x84x120xi32, #tpu.memory_space<hbm>> -> memref<1x1x120xi32, #tpu.memory_space<hbm>>
    %dma_start3A_52 = tpu.memref_squeeze %dma_start3A_51 : memref<1x1x120xi32, #tpu.memory_space<hbm>> -> memref<120xi32, #tpu.memory_space<hbm>>
    tpu.enqueue_dma source(%dma_start3A_52 : memref<120xi32, #tpu.memory_space<hbm>>) target(%arg10 : memref<120xi32, #tpu.memory_space<vmem>>) target_semaphore(%arg20 : memref<!tpu.dma_semaphore, #tpu.memory_space<semaphore_mem>>)
    %dma_wait3A = arith.constant 0 : i32
    %dma_wait3A_53 = arith.constant 0 : i32
    %dma_wait3A_54 = tpu.memref_slice %arg3[%add3A, %dma_wait3A, %dma_wait3A_53] : memref<32x84x120xi32, #tpu.memory_space<hbm>> -> memref<1x1x120xi32, #tpu.memory_space<hbm>>
    %dma_wait3A_55 = tpu.memref_squeeze %dma_wait3A_54 : memref<1x1x120xi32, #tpu.memory_space<hbm>> -> memref<120xi32, #tpu.memory_space<hbm>>
    %dma_wait3A_56 = arith.constant 0 : i32
    %dma_wait3A_57 = tpu.memref_slice %arg3[%add3A, %dma_wait3A, %dma_wait3A_56] : memref<32x84x120xi32, #tpu.memory_space<hbm>> -> memref<1x1x120xi32, #tpu.memory_space<hbm>>
    %dma_wait3A_58 = tpu.memref_squeeze %dma_wait3A_57 : memref<1x1x120xi32, #tpu.memory_space<hbm>> -> memref<120xi32, #tpu.memory_space<hbm>>
    tpu.wait_dma2 semaphore(%arg16 : memref<!tpu.dma_semaphore, #tpu.memory_space<semaphore_mem>>) src(%dma_wait3A_58 : memref<120xi32, #tpu.memory_space<hbm>>) dst(%arg6 : memref<120xi32, #tpu.memory_space<vmem>>)
    %dma_start3A_59 = arith.constant 0 : i32
    %dma_start3A_60 = arith.constant 0 : i32
    %dma_start3A_61 = tpu.memref_slice %arg2[%dma_start3A_59, %dma_start3A_60] : memref<10240x128xf32, #tpu.memory_space<hbm>> -> memref<10240x128xf32, #tpu.memory_space<hbm>>
    tpu.enqueue_indirect_dma source(%dma_start3A_61 : memref<10240x128xf32, #tpu.memory_space<hbm>>) target(%arg12 : memref<120x128xf32, #tpu.memory_space<vmem>>) offsets(%arg6 : memref<120xi32, #tpu.memory_space<vmem>>) semaphore(%arg22 : memref<!tpu.dma_semaphore, #tpu.memory_space<semaphore_mem>>)
    %dma_wait3A_62 = arith.constant 1 : i32
    %dma_wait3A_63 = arith.constant 0 : i32
    %dma_wait3A_64 = tpu.memref_slice %arg3[%add3A, %dma_wait3A_62, %dma_wait3A_63] : memref<32x84x120xi32, #tpu.memory_space<hbm>> -> memref<1x1x120xi32, #tpu.memory_space<hbm>>
    %dma_wait3A_65 = tpu.memref_squeeze %dma_wait3A_64 : memref<1x1x120xi32, #tpu.memory_space<hbm>> -> memref<120xi32, #tpu.memory_space<hbm>>
    %dma_wait3A_66 = arith.constant 0 : i32
    %dma_wait3A_67 = tpu.memref_slice %arg3[%add3A, %dma_wait3A_62, %dma_wait3A_66] : memref<32x84x120xi32, #tpu.memory_space<hbm>> -> memref<1x1x120xi32, #tpu.memory_space<hbm>>
    %dma_wait3A_68 = tpu.memref_squeeze %dma_wait3A_67 : memref<1x1x120xi32, #tpu.memory_space<hbm>> -> memref<120xi32, #tpu.memory_space<hbm>>
    tpu.wait_dma2 semaphore(%arg17 : memref<!tpu.dma_semaphore, #tpu.memory_space<semaphore_mem>>) src(%dma_wait3A_68 : memref<120xi32, #tpu.memory_space<hbm>>) dst(%arg7 : memref<120xi32, #tpu.memory_space<vmem>>)
    %dma_start3A_69 = arith.constant 0 : i32
    %dma_start3A_70 = arith.constant 0 : i32
    %dma_start3A_71 = tpu.memref_slice %arg2[%dma_start3A_69, %dma_start3A_70] : memref<10240x128xf32, #tpu.memory_space<hbm>> -> memref<10240x128xf32, #tpu.memory_space<hbm>>
    tpu.enqueue_indirect_dma source(%dma_start3A_71 : memref<10240x128xf32, #tpu.memory_space<hbm>>) target(%arg13 : memref<120x128xf32, #tpu.memory_space<vmem>>) offsets(%arg7 : memref<120xi32, #tpu.memory_space<vmem>>) semaphore(%arg23 : memref<!tpu.dma_semaphore, #tpu.memory_space<semaphore_mem>>)
    %scan3A_72 = arith.constant 0 : i32
    %scan3A_73 = arith.constant 28 : i32
    %scan3A_74 = arith.addi %scan3A_72, %scan3A_73 : i32
    %scan3A_75 = arith.constant 1 : i32
    scf.for %scan3A_81 = %scan3A_72 to %scan3A_74 step %scan3A_75  : i32 {
      %mul3A_82 = arith.constant 3 : i32
      %mul3A_83 = arith.muli %scan3A_81, %mul3A_82 : i32
      %add3A_84 = arith.constant 0 : i32
      %add3A_85 = arith.addi %add3A_84, %mul3A_83 : i32
      %add3A_86 = arith.constant 0 : i32
      %add3A_87 = arith.addi %add3A_85, %add3A_86 : i32
      %dma_wait3A_88 = arith.constant 0 : i32
      %dma_wait3A_89 = arith.constant 0 : i32
      %dma_wait3A_90 = tpu.memref_slice %arg2[%dma_wait3A_88, %dma_wait3A_89] : memref<10240x128xf32, #tpu.memory_space<hbm>> -> memref<10240x128xf32, #tpu.memory_space<hbm>>
      tpu.wait_indirect_dma semaphore(%arg22 : memref<!tpu.dma_semaphore, #tpu.memory_space<semaphore_mem>>) src(%dma_wait3A_90 : memref<10240x128xf32, #tpu.memory_space<hbm>>) dst(%arg12 : memref<120x128xf32, #tpu.memory_space<vmem>>)
      %add3A_91 = arith.constant 3 : i32
      %add3A_92 = arith.addi %add3A_87, %add3A_91 : i32
      %lt3A = arith.constant 84 : i32
      %lt3A_93 = arith.cmpi slt, %add3A_92, %lt3A : i32
      %convert_element_type3A = arith.extui %lt3A_93 : i1 to i32
      %cond3A = arith.constant 0 : i32
      %cond3A_94 = arith.cmpi ne, %convert_element_type3A, %cond3A : i32
      scf.if %cond3A_94 {
        %add3A_177 = arith.constant 3 : i32
        %add3A_178 = arith.addi %add3A_87, %add3A_177 : i32
        %dma_start3A_179 = arith.constant 0 : i32
        %dma_start3A_180 = tpu.memref_slice %arg3[%add3A, %add3A_178, %dma_start3A_179] : memref<32x84x120xi32, #tpu.memory_space<hbm>> -> memref<1x1x120xi32, #tpu.memory_space<hbm>>
        %dma_start3A_181 = tpu.memref_squeeze %dma_start3A_180 : memref<1x1x120xi32, #tpu.memory_space<hbm>> -> memref<120xi32, #tpu.memory_space<hbm>>
        %dma_start3A_182 = arith.constant 0 : i32
        %dma_start3A_183 = tpu.memref_slice %arg3[%add3A, %add3A_178, %dma_start3A_182] : memref<32x84x120xi32, #tpu.memory_space<hbm>> -> memref<1x1x120xi32, #tpu.memory_space<hbm>>
        %dma_start3A_184 = tpu.memref_squeeze %dma_start3A_183 : memref<1x1x120xi32, #tpu.memory_space<hbm>> -> memref<120xi32, #tpu.memory_space<hbm>>
        tpu.enqueue_dma source(%dma_start3A_184 : memref<120xi32, #tpu.memory_space<hbm>>) target(%arg6 : memref<120xi32, #tpu.memory_space<vmem>>) target_semaphore(%arg16 : memref<!tpu.dma_semaphore, #tpu.memory_space<semaphore_mem>>)
      } else {
      }
      %gt3A = arith.constant 0 : i32
      %gt3A_95 = arith.cmpi sgt, %add3A_85, %gt3A : i32
      %convert_element_type3A_96 = arith.extui %gt3A_95 : i1 to i32
      %cond3A_97 = arith.constant 0 : i32
      %cond3A_98 = arith.cmpi ne, %convert_element_type3A_96, %cond3A_97 : i32
      scf.if %cond3A_98 {
        %dma_wait3A_177 = arith.constant 0 : i32
        %dma_wait3A_178 = arith.constant 0 : i32
        %dma_wait3A_179 = tpu.memref_slice %arg15[%dma_wait3A_177, %dma_wait3A_178] : memref<10240x128xf32, #tpu.memory_space<vmem_shared>> -> memref<10240x128xf32, #tpu.memory_space<vmem_shared>>
        tpu.wait_indirect_dma semaphore(%arg27 : memref<!tpu.dma_semaphore, #tpu.memory_space<semaphore_mem>>) src(%arg14 : memref<120x128xf32, #tpu.memory_space<vmem>>) dst(%dma_wait3A_179 : memref<10240x128xf32, #tpu.memory_space<vmem_shared>>)
      } else {
      }
      %add3A_99 = arith.constant 2 : i32
      %add3A_100 = arith.addi %add3A_87, %add3A_99 : i32
      %lt3A_101 = arith.constant 84 : i32
      %lt3A_102 = arith.cmpi slt, %add3A_100, %lt3A_101 : i32
      %convert_element_type3A_103 = arith.extui %lt3A_102 : i1 to i32
      %cond3A_104 = arith.constant 0 : i32
      %cond3A_105 = arith.cmpi ne, %convert_element_type3A_103, %cond3A_104 : i32
      scf.if %cond3A_105 {
        %add3A_177 = arith.constant 2 : i32
        %add3A_178 = arith.addi %add3A_87, %add3A_177 : i32
        %dma_wait3A_179 = arith.constant 0 : i32
        %dma_wait3A_180 = tpu.memref_slice %arg3[%add3A, %add3A_178, %dma_wait3A_179] : memref<32x84x120xi32, #tpu.memory_space<hbm>> -> memref<1x1x120xi32, #tpu.memory_space<hbm>>
        %dma_wait3A_181 = tpu.memref_squeeze %dma_wait3A_180 : memref<1x1x120xi32, #tpu.memory_space<hbm>> -> memref<120xi32, #tpu.memory_space<hbm>>
        %dma_wait3A_182 = arith.constant 0 : i32
        %dma_wait3A_183 = tpu.memref_slice %arg3[%add3A, %add3A_178, %dma_wait3A_182] : memref<32x84x120xi32, #tpu.memory_space<hbm>> -> memref<1x1x120xi32, #tpu.memory_space<hbm>>
        %dma_wait3A_184 = tpu.memref_squeeze %dma_wait3A_183 : memref<1x1x120xi32, #tpu.memory_space<hbm>> -> memref<120xi32, #tpu.memory_space<hbm>>
        tpu.wait_dma2 semaphore(%arg18 : memref<!tpu.dma_semaphore, #tpu.memory_space<semaphore_mem>>) src(%dma_wait3A_184 : memref<120xi32, #tpu.memory_space<hbm>>) dst(%arg8 : memref<120xi32, #tpu.memory_space<vmem>>)
        %dma_start3A_185 = arith.constant 0 : i32
        %dma_start3A_186 = arith.constant 0 : i32
        %dma_start3A_187 = tpu.memref_slice %arg2[%dma_start3A_185, %dma_start3A_186] : memref<10240x128xf32, #tpu.memory_space<hbm>> -> memref<10240x128xf32, #tpu.memory_space<hbm>>
        tpu.enqueue_indirect_dma source(%dma_start3A_187 : memref<10240x128xf32, #tpu.memory_space<hbm>>) target(%arg14 : memref<120x128xf32, #tpu.memory_space<vmem>>) offsets(%arg8 : memref<120xi32, #tpu.memory_space<vmem>>) semaphore(%arg24 : memref<!tpu.dma_semaphore, #tpu.memory_space<semaphore_mem>>)
        %add3A_188 = arith.constant 2 : i32
        %add3A_189 = arith.addi %add3A_87, %add3A_188 : i32
        %dma_start3A_190 = arith.constant 0 : i32
        %dma_start3A_191 = tpu.memref_slice %arg4[%add3A, %add3A_189, %dma_start3A_190] : memref<32x84x120xi32, #tpu.memory_space<hbm>> -> memref<1x1x120xi32, #tpu.memory_space<hbm>>
        %dma_start3A_192 = tpu.memref_squeeze %dma_start3A_191 : memref<1x1x120xi32, #tpu.memory_space<hbm>> -> memref<120xi32, #tpu.memory_space<hbm>>
        %dma_start3A_193 = arith.constant 0 : i32
        %dma_start3A_194 = tpu.memref_slice %arg4[%add3A, %add3A_189, %dma_start3A_193] : memref<32x84x120xi32, #tpu.memory_space<hbm>> -> memref<1x1x120xi32, #tpu.memory_space<hbm>>
        %dma_start3A_195 = tpu.memref_squeeze %dma_start3A_194 : memref<1x1x120xi32, #tpu.memory_space<hbm>> -> memref<120xi32, #tpu.memory_space<hbm>>
        tpu.enqueue_dma source(%dma_start3A_195 : memref<120xi32, #tpu.memory_space<hbm>>) target(%arg11 : memref<120xi32, #tpu.memory_space<vmem>>) target_semaphore(%arg21 : memref<!tpu.dma_semaphore, #tpu.memory_space<semaphore_mem>>)
      } else {
      }
      %dma_wait3A_106 = arith.constant 0 : i32
      %dma_wait3A_107 = tpu.memref_slice %arg4[%add3A, %add3A_87, %dma_wait3A_106] : memref<32x84x120xi32, #tpu.memory_space<hbm>> -> memref<1x1x120xi32, #tpu.memory_space<hbm>>
      %dma_wait3A_108 = tpu.memref_squeeze %dma_wait3A_107 : memref<1x1x120xi32, #tpu.memory_space<hbm>> -> memref<120xi32, #tpu.memory_space<hbm>>
      %dma_wait3A_109 = arith.constant 0 : i32
      %dma_wait3A_110 = tpu.memref_slice %arg4[%add3A, %add3A_87, %dma_wait3A_109] : memref<32x84x120xi32, #tpu.memory_space<hbm>> -> memref<1x1x120xi32, #tpu.memory_space<hbm>>
      %dma_wait3A_111 = tpu.memref_squeeze %dma_wait3A_110 : memref<1x1x120xi32, #tpu.memory_space<hbm>> -> memref<120xi32, #tpu.memory_space<hbm>>
      tpu.wait_dma2 semaphore(%arg19 : memref<!tpu.dma_semaphore, #tpu.memory_space<semaphore_mem>>) src(%dma_wait3A_111 : memref<120xi32, #tpu.memory_space<hbm>>) dst(%arg9 : memref<120xi32, #tpu.memory_space<vmem>>)
      %dma_start3A_112 = arith.constant 0 : i32
      %dma_start3A_113 = arith.constant 0 : i32
      %dma_start3A_114 = tpu.memref_slice %arg15[%dma_start3A_112, %dma_start3A_113] : memref<10240x128xf32, #tpu.memory_space<vmem_shared>> -> memref<10240x128xf32, #tpu.memory_space<vmem_shared>>
      tpu.enqueue_indirect_dma source(%arg12 : memref<120x128xf32, #tpu.memory_space<vmem>>) target(%dma_start3A_114 : memref<10240x128xf32, #tpu.memory_space<vmem_shared>>) offsets(%arg9 : memref<120xi32, #tpu.memory_space<vmem>>) semaphore(%arg25 : memref<!tpu.dma_semaphore, #tpu.memory_space<semaphore_mem>>) {add = true}
      %add3A_115 = arith.constant 1 : i32
      %add3A_116 = arith.addi %add3A_85, %add3A_115 : i32
      %dma_wait3A_117 = arith.constant 0 : i32
      %dma_wait3A_118 = arith.constant 0 : i32
      %dma_wait3A_119 = tpu.memref_slice %arg2[%dma_wait3A_117, %dma_wait3A_118] : memref<10240x128xf32, #tpu.memory_space<hbm>> -> memref<10240x128xf32, #tpu.memory_space<hbm>>
      tpu.wait_indirect_dma semaphore(%arg23 : memref<!tpu.dma_semaphore, #tpu.memory_space<semaphore_mem>>) src(%dma_wait3A_119 : memref<10240x128xf32, #tpu.memory_space<hbm>>) dst(%arg13 : memref<120x128xf32, #tpu.memory_space<vmem>>)
      %add3A_120 = arith.constant 3 : i32
      %add3A_121 = arith.addi %add3A_116, %add3A_120 : i32
      %lt3A_122 = arith.constant 84 : i32
      %lt3A_123 = arith.cmpi slt, %add3A_121, %lt3A_122 : i32
      %convert_element_type3A_124 = arith.extui %lt3A_123 : i1 to i32
      %cond3A_125 = arith.constant 0 : i32
      %cond3A_126 = arith.cmpi ne, %convert_element_type3A_124, %cond3A_125 : i32
      scf.if %cond3A_126 {
        %add3A_177 = arith.constant 3 : i32
        %add3A_178 = arith.addi %add3A_116, %add3A_177 : i32
        %dma_start3A_179 = arith.constant 0 : i32
        %dma_start3A_180 = tpu.memref_slice %arg3[%add3A, %add3A_178, %dma_start3A_179] : memref<32x84x120xi32, #tpu.memory_space<hbm>> -> memref<1x1x120xi32, #tpu.memory_space<hbm>>
        %dma_start3A_181 = tpu.memref_squeeze %dma_start3A_180 : memref<1x1x120xi32, #tpu.memory_space<hbm>> -> memref<120xi32, #tpu.memory_space<hbm>>
        %dma_start3A_182 = arith.constant 0 : i32
        %dma_start3A_183 = tpu.memref_slice %arg3[%add3A, %add3A_178, %dma_start3A_182] : memref<32x84x120xi32, #tpu.memory_space<hbm>> -> memref<1x1x120xi32, #tpu.memory_space<hbm>>
        %dma_start3A_184 = tpu.memref_squeeze %dma_start3A_183 : memref<1x1x120xi32, #tpu.memory_space<hbm>> -> memref<120xi32, #tpu.memory_space<hbm>>
        tpu.enqueue_dma source(%dma_start3A_184 : memref<120xi32, #tpu.memory_space<hbm>>) target(%arg7 : memref<120xi32, #tpu.memory_space<vmem>>) target_semaphore(%arg17 : memref<!tpu.dma_semaphore, #tpu.memory_space<semaphore_mem>>)
      } else {
      }
      %dma_wait3A_127 = arith.constant 0 : i32
      %dma_wait3A_128 = arith.constant 0 : i32
      %dma_wait3A_129 = tpu.memref_slice %arg15[%dma_wait3A_127, %dma_wait3A_128] : memref<10240x128xf32, #tpu.memory_space<vmem_shared>> -> memref<10240x128xf32, #tpu.memory_space<vmem_shared>>
      tpu.wait_indirect_dma semaphore(%arg25 : memref<!tpu.dma_semaphore, #tpu.memory_space<semaphore_mem>>) src(%arg12 : memref<120x128xf32, #tpu.memory_space<vmem>>) dst(%dma_wait3A_129 : memref<10240x128xf32, #tpu.memory_space<vmem_shared>>)
      %add3A_130 = arith.constant 2 : i32
      %add3A_131 = arith.addi %add3A_116, %add3A_130 : i32
      %lt3A_132 = arith.constant 84 : i32
      %lt3A_133 = arith.cmpi slt, %add3A_131, %lt3A_132 : i32
      %convert_element_type3A_134 = arith.extui %lt3A_133 : i1 to i32
      %cond3A_135 = arith.constant 0 : i32
      %cond3A_136 = arith.cmpi ne, %convert_element_type3A_134, %cond3A_135 : i32
      scf.if %cond3A_136 {
        %add3A_177 = arith.constant 2 : i32
        %add3A_178 = arith.addi %add3A_116, %add3A_177 : i32
        %dma_wait3A_179 = arith.constant 0 : i32
        %dma_wait3A_180 = tpu.memref_slice %arg3[%add3A, %add3A_178, %dma_wait3A_179] : memref<32x84x120xi32, #tpu.memory_space<hbm>> -> memref<1x1x120xi32, #tpu.memory_space<hbm>>
        %dma_wait3A_181 = tpu.memref_squeeze %dma_wait3A_180 : memref<1x1x120xi32, #tpu.memory_space<hbm>> -> memref<120xi32, #tpu.memory_space<hbm>>
        %dma_wait3A_182 = arith.constant 0 : i32
        %dma_wait3A_183 = tpu.memref_slice %arg3[%add3A, %add3A_178, %dma_wait3A_182] : memref<32x84x120xi32, #tpu.memory_space<hbm>> -> memref<1x1x120xi32, #tpu.memory_space<hbm>>
        %dma_wait3A_184 = tpu.memref_squeeze %dma_wait3A_183 : memref<1x1x120xi32, #tpu.memory_space<hbm>> -> memref<120xi32, #tpu.memory_space<hbm>>
        tpu.wait_dma2 semaphore(%arg16 : memref<!tpu.dma_semaphore, #tpu.memory_space<semaphore_mem>>) src(%dma_wait3A_184 : memref<120xi32, #tpu.memory_space<hbm>>) dst(%arg6 : memref<120xi32, #tpu.memory_space<vmem>>)
        %dma_start3A_185 = arith.constant 0 : i32
        %dma_start3A_186 = arith.constant 0 : i32
        %dma_start3A_187 = tpu.memref_slice %arg2[%dma_start3A_185, %dma_start3A_186] : memref<10240x128xf32, #tpu.memory_space<hbm>> -> memref<10240x128xf32, #tpu.memory_space<hbm>>
        tpu.enqueue_indirect_dma source(%dma_start3A_187 : memref<10240x128xf32, #tpu.memory_space<hbm>>) target(%arg12 : memref<120x128xf32, #tpu.memory_space<vmem>>) offsets(%arg6 : memref<120xi32, #tpu.memory_space<vmem>>) semaphore(%arg22 : memref<!tpu.dma_semaphore, #tpu.memory_space<semaphore_mem>>)
        %add3A_188 = arith.constant 2 : i32
        %add3A_189 = arith.addi %add3A_116, %add3A_188 : i32
        %dma_start3A_190 = arith.constant 0 : i32
        %dma_start3A_191 = tpu.memref_slice %arg4[%add3A, %add3A_189, %dma_start3A_190] : memref<32x84x120xi32, #tpu.memory_space<hbm>> -> memref<1x1x120xi32, #tpu.memory_space<hbm>>
        %dma_start3A_192 = tpu.memref_squeeze %dma_start3A_191 : memref<1x1x120xi32, #tpu.memory_space<hbm>> -> memref<120xi32, #tpu.memory_space<hbm>>
        %dma_start3A_193 = arith.constant 0 : i32
        %dma_start3A_194 = tpu.memref_slice %arg4[%add3A, %add3A_189, %dma_start3A_193] : memref<32x84x120xi32, #tpu.memory_space<hbm>> -> memref<1x1x120xi32, #tpu.memory_space<hbm>>
        %dma_start3A_195 = tpu.memref_squeeze %dma_start3A_194 : memref<1x1x120xi32, #tpu.memory_space<hbm>> -> memref<120xi32, #tpu.memory_space<hbm>>
        tpu.enqueue_dma source(%dma_start3A_195 : memref<120xi32, #tpu.memory_space<hbm>>) target(%arg9 : memref<120xi32, #tpu.memory_space<vmem>>) target_semaphore(%arg19 : memref<!tpu.dma_semaphore, #tpu.memory_space<semaphore_mem>>)
      } else {
      }
      %dma_wait3A_137 = arith.constant 0 : i32
      %dma_wait3A_138 = tpu.memref_slice %arg4[%add3A, %add3A_116, %dma_wait3A_137] : memref<32x84x120xi32, #tpu.memory_space<hbm>> -> memref<1x1x120xi32, #tpu.memory_space<hbm>>
      %dma_wait3A_139 = tpu.memref_squeeze %dma_wait3A_138 : memref<1x1x120xi32, #tpu.memory_space<hbm>> -> memref<120xi32, #tpu.memory_space<hbm>>
      %dma_wait3A_140 = arith.constant 0 : i32
      %dma_wait3A_141 = tpu.memref_slice %arg4[%add3A, %add3A_116, %dma_wait3A_140] : memref<32x84x120xi32, #tpu.memory_space<hbm>> -> memref<1x1x120xi32, #tpu.memory_space<hbm>>
      %dma_wait3A_142 = tpu.memref_squeeze %dma_wait3A_141 : memref<1x1x120xi32, #tpu.memory_space<hbm>> -> memref<120xi32, #tpu.memory_space<hbm>>
      tpu.wait_dma2 semaphore(%arg20 : memref<!tpu.dma_semaphore, #tpu.memory_space<semaphore_mem>>) src(%dma_wait3A_142 : memref<120xi32, #tpu.memory_space<hbm>>) dst(%arg10 : memref<120xi32, #tpu.memory_space<vmem>>)
      %dma_start3A_143 = arith.constant 0 : i32
      %dma_start3A_144 = arith.constant 0 : i32
      %dma_start3A_145 = tpu.memref_slice %arg15[%dma_start3A_143, %dma_start3A_144] : memref<10240x128xf32, #tpu.memory_space<vmem_shared>> -> memref<10240x128xf32, #tpu.memory_space<vmem_shared>>
      tpu.enqueue_indirect_dma source(%arg13 : memref<120x128xf32, #tpu.memory_space<vmem>>) target(%dma_start3A_145 : memref<10240x128xf32, #tpu.memory_space<vmem_shared>>) offsets(%arg10 : memref<120xi32, #tpu.memory_space<vmem>>) semaphore(%arg26 : memref<!tpu.dma_semaphore, #tpu.memory_space<semaphore_mem>>) {add = true}
      %add3A_146 = arith.constant 2 : i32
      %add3A_147 = arith.addi %add3A_85, %add3A_146 : i32
      %dma_wait3A_148 = arith.constant 0 : i32
      %dma_wait3A_149 = arith.constant 0 : i32
      %dma_wait3A_150 = tpu.memref_slice %arg2[%dma_wait3A_148, %dma_wait3A_149] : memref<10240x128xf32, #tpu.memory_space<hbm>> -> memref<10240x128xf32, #tpu.memory_space<hbm>>
      tpu.wait_indirect_dma semaphore(%arg24 : memref<!tpu.dma_semaphore, #tpu.memory_space<semaphore_mem>>) src(%dma_wait3A_150 : memref<10240x128xf32, #tpu.memory_space<hbm>>) dst(%arg14 : memref<120x128xf32, #tpu.memory_space<vmem>>)
      %add3A_151 = arith.constant 3 : i32
      %add3A_152 = arith.addi %add3A_147, %add3A_151 : i32
      %lt3A_153 = arith.constant 84 : i32
      %lt3A_154 = arith.cmpi slt, %add3A_152, %lt3A_153 : i32
      %convert_element_type3A_155 = arith.extui %lt3A_154 : i1 to i32
      %cond3A_156 = arith.constant 0 : i32
      %cond3A_157 = arith.cmpi ne, %convert_element_type3A_155, %cond3A_156 : i32
      scf.if %cond3A_157 {
        %add3A_177 = arith.constant 3 : i32
        %add3A_178 = arith.addi %add3A_147, %add3A_177 : i32
        %dma_start3A_179 = arith.constant 0 : i32
        %dma_start3A_180 = tpu.memref_slice %arg3[%add3A, %add3A_178, %dma_start3A_179] : memref<32x84x120xi32, #tpu.memory_space<hbm>> -> memref<1x1x120xi32, #tpu.memory_space<hbm>>
        %dma_start3A_181 = tpu.memref_squeeze %dma_start3A_180 : memref<1x1x120xi32, #tpu.memory_space<hbm>> -> memref<120xi32, #tpu.memory_space<hbm>>
        %dma_start3A_182 = arith.constant 0 : i32
        %dma_start3A_183 = tpu.memref_slice %arg3[%add3A, %add3A_178, %dma_start3A_182] : memref<32x84x120xi32, #tpu.memory_space<hbm>> -> memref<1x1x120xi32, #tpu.memory_space<hbm>>
        %dma_start3A_184 = tpu.memref_squeeze %dma_start3A_183 : memref<1x1x120xi32, #tpu.memory_space<hbm>> -> memref<120xi32, #tpu.memory_space<hbm>>
        tpu.enqueue_dma source(%dma_start3A_184 : memref<120xi32, #tpu.memory_space<hbm>>) target(%arg8 : memref<120xi32, #tpu.memory_space<vmem>>) target_semaphore(%arg18 : memref<!tpu.dma_semaphore, #tpu.memory_space<semaphore_mem>>)
      } else {
      }
      %dma_wait3A_158 = arith.constant 0 : i32
      %dma_wait3A_159 = arith.constant 0 : i32
      %dma_wait3A_160 = tpu.memref_slice %arg15[%dma_wait3A_158, %dma_wait3A_159] : memref<10240x128xf32, #tpu.memory_space<vmem_shared>> -> memref<10240x128xf32, #tpu.memory_space<vmem_shared>>
      tpu.wait_indirect_dma semaphore(%arg26 : memref<!tpu.dma_semaphore, #tpu.memory_space<semaphore_mem>>) src(%arg13 : memref<120x128xf32, #tpu.memory_space<vmem>>) dst(%dma_wait3A_160 : memref<10240x128xf32, #tpu.memory_space<vmem_shared>>)
      %add3A_161 = arith.constant 2 : i32
      %add3A_162 = arith.addi %add3A_147, %add3A_161 : i32
      %lt3A_163 = arith.constant 84 : i32
      %lt3A_164 = arith.cmpi slt, %add3A_162, %lt3A_163 : i32
      %convert_element_type3A_165 = arith.extui %lt3A_164 : i1 to i32
      %cond3A_166 = arith.constant 0 : i32
      %cond3A_167 = arith.cmpi ne, %convert_element_type3A_165, %cond3A_166 : i32
      scf.if %cond3A_167 {
        %add3A_177 = arith.constant 2 : i32
        %add3A_178 = arith.addi %add3A_147, %add3A_177 : i32
        %dma_wait3A_179 = arith.constant 0 : i32
        %dma_wait3A_180 = tpu.memref_slice %arg3[%add3A, %add3A_178, %dma_wait3A_179] : memref<32x84x120xi32, #tpu.memory_space<hbm>> -> memref<1x1x120xi32, #tpu.memory_space<hbm>>
        %dma_wait3A_181 = tpu.memref_squeeze %dma_wait3A_180 : memref<1x1x120xi32, #tpu.memory_space<hbm>> -> memref<120xi32, #tpu.memory_space<hbm>>
        %dma_wait3A_182 = arith.constant 0 : i32
        %dma_wait3A_183 = tpu.memref_slice %arg3[%add3A, %add3A_178, %dma_wait3A_182] : memref<32x84x120xi32, #tpu.memory_space<hbm>> -> memref<1x1x120xi32, #tpu.memory_space<hbm>>
        %dma_wait3A_184 = tpu.memref_squeeze %dma_wait3A_183 : memref<1x1x120xi32, #tpu.memory_space<hbm>> -> memref<120xi32, #tpu.memory_space<hbm>>
        tpu.wait_dma2 semaphore(%arg17 : memref<!tpu.dma_semaphore, #tpu.memory_space<semaphore_mem>>) src(%dma_wait3A_184 : memref<120xi32, #tpu.memory_space<hbm>>) dst(%arg7 : memref<120xi32, #tpu.memory_space<vmem>>)
        %dma_start3A_185 = arith.constant 0 : i32
        %dma_start3A_186 = arith.constant 0 : i32
        %dma_start3A_187 = tpu.memref_slice %arg2[%dma_start3A_185, %dma_start3A_186] : memref<10240x128xf32, #tpu.memory_space<hbm>> -> memref<10240x128xf32, #tpu.memory_space<hbm>>
        tpu.enqueue_indirect_dma source(%dma_start3A_187 : memref<10240x128xf32, #tpu.memory_space<hbm>>) target(%arg13 : memref<120x128xf32, #tpu.memory_space<vmem>>) offsets(%arg7 : memref<120xi32, #tpu.memory_space<vmem>>) semaphore(%arg23 : memref<!tpu.dma_semaphore, #tpu.memory_space<semaphore_mem>>)
        %add3A_188 = arith.constant 2 : i32
        %add3A_189 = arith.addi %add3A_147, %add3A_188 : i32
        %dma_start3A_190 = arith.constant 0 : i32
        %dma_start3A_191 = tpu.memref_slice %arg4[%add3A, %add3A_189, %dma_start3A_190] : memref<32x84x120xi32, #tpu.memory_space<hbm>> -> memref<1x1x120xi32, #tpu.memory_space<hbm>>
        %dma_start3A_192 = tpu.memref_squeeze %dma_start3A_191 : memref<1x1x120xi32, #tpu.memory_space<hbm>> -> memref<120xi32, #tpu.memory_space<hbm>>
        %dma_start3A_193 = arith.constant 0 : i32
        %dma_start3A_194 = tpu.memref_slice %arg4[%add3A, %add3A_189, %dma_start3A_193] : memref<32x84x120xi32, #tpu.memory_space<hbm>> -> memref<1x1x120xi32, #tpu.memory_space<hbm>>
        %dma_start3A_195 = tpu.memref_squeeze %dma_start3A_194 : memref<1x1x120xi32, #tpu.memory_space<hbm>> -> memref<120xi32, #tpu.memory_space<hbm>>
        tpu.enqueue_dma source(%dma_start3A_195 : memref<120xi32, #tpu.memory_space<hbm>>) target(%arg10 : memref<120xi32, #tpu.memory_space<vmem>>) target_semaphore(%arg20 : memref<!tpu.dma_semaphore, #tpu.memory_space<semaphore_mem>>)
      } else {
      }
      %dma_wait3A_168 = arith.constant 0 : i32
      %dma_wait3A_169 = tpu.memref_slice %arg4[%add3A, %add3A_147, %dma_wait3A_168] : memref<32x84x120xi32, #tpu.memory_space<hbm>> -> memref<1x1x120xi32, #tpu.memory_space<hbm>>
      %dma_wait3A_170 = tpu.memref_squeeze %dma_wait3A_169 : memref<1x1x120xi32, #tpu.memory_space<hbm>> -> memref<120xi32, #tpu.memory_space<hbm>>
      %dma_wait3A_171 = arith.constant 0 : i32
      %dma_wait3A_172 = tpu.memref_slice %arg4[%add3A, %add3A_147, %dma_wait3A_171] : memref<32x84x120xi32, #tpu.memory_space<hbm>> -> memref<1x1x120xi32, #tpu.memory_space<hbm>>
      %dma_wait3A_173 = tpu.memref_squeeze %dma_wait3A_172 : memref<1x1x120xi32, #tpu.memory_space<hbm>> -> memref<120xi32, #tpu.memory_space<hbm>>
      tpu.wait_dma2 semaphore(%arg21 : memref<!tpu.dma_semaphore, #tpu.memory_space<semaphore_mem>>) src(%dma_wait3A_173 : memref<120xi32, #tpu.memory_space<hbm>>) dst(%arg11 : memref<120xi32, #tpu.memory_space<vmem>>)
      %dma_start3A_174 = arith.constant 0 : i32
      %dma_start3A_175 = arith.constant 0 : i32
      %dma_start3A_176 = tpu.memref_slice %arg15[%dma_start3A_174, %dma_start3A_175] : memref<10240x128xf32, #tpu.memory_space<vmem_shared>> -> memref<10240x128xf32, #tpu.memory_space<vmem_shared>>
      tpu.enqueue_indirect_dma source(%arg14 : memref<120x128xf32, #tpu.memory_space<vmem>>) target(%dma_start3A_176 : memref<10240x128xf32, #tpu.memory_space<vmem_shared>>) offsets(%arg11 : memref<120xi32, #tpu.memory_space<vmem>>) semaphore(%arg27 : memref<!tpu.dma_semaphore, #tpu.memory_space<semaphore_mem>>) {add = true}
    }
    %scan3A_76 = arith.constant 28 : i32
    %dma_wait3A_77 = arith.constant 0 : i32
    %dma_wait3A_78 = arith.constant 0 : i32
    %dma_wait3A_79 = tpu.memref_slice %arg15[%dma_wait3A_77, %dma_wait3A_78] : memref<10240x128xf32, #tpu.memory_space<vmem_shared>> -> memref<10240x128xf32, #tpu.memory_space<vmem_shared>>
    tpu.wait_indirect_dma semaphore(%arg27 : memref<!tpu.dma_semaphore, #tpu.memory_space<semaphore_mem>>) src(%arg14 : memref<120x128xf32, #tpu.memory_space<vmem>>) dst(%dma_wait3A_79 : memref<10240x128xf32, #tpu.memory_space<vmem_shared>>)
    %barrier3A_80 = arith.constant 0 : index
    tpu.barrier barrier_id(%barrier3A_80)
    "tpu.region"() ({
      %run_scoped3A = tpu.sem_alloc : memref<!tpu.dma_semaphore, #tpu.memory_space<semaphore_mem>>
      %dma_start3A_81 = arith.constant 0 : i32
      %dma_start3A_82 = tpu.memref_slice %arg5[%arg0, %mul3A_6, %dma_start3A_81] : memref<2x10240x128xf32, #tpu.memory_space<hbm>> -> memref<1x640x128xf32, #tpu.memory_space<hbm>>
      %dma_start3A_83 = tpu.memref_squeeze %dma_start3A_82 : memref<1x640x128xf32, #tpu.memory_space<hbm>> -> memref<640x128xf32, #tpu.memory_space<hbm>>
      %dma_start3A_84 = arith.constant 0 : i32
      %dma_start3A_85 = tpu.memref_slice %arg15[%mul3A_6, %dma_start3A_84] : memref<10240x128xf32, #tpu.memory_space<vmem_shared>> -> memref<640x128xf32, #tpu.memory_space<vmem_shared>>
      tpu.enqueue_dma source(%dma_start3A_85 : memref<640x128xf32, #tpu.memory_space<vmem_shared>>) target(%dma_start3A_83 : memref<640x128xf32, #tpu.memory_space<hbm>>) target_semaphore(%run_scoped3A : memref<!tpu.dma_semaphore, #tpu.memory_space<semaphore_mem>>)
      %dma_wait3A_86 = arith.constant 0 : i32
      %dma_wait3A_87 = tpu.memref_slice %arg5[%arg0, %mul3A_6, %dma_wait3A_86] : memref<2x10240x128xf32, #tpu.memory_space<hbm>> -> memref<1x640x128xf32, #tpu.memory_space<hbm>>
      %dma_wait3A_88 = tpu.memref_squeeze %dma_wait3A_87 : memref<1x640x128xf32, #tpu.memory_space<hbm>> -> memref<640x128xf32, #tpu.memory_space<hbm>>
      %dma_wait3A_89 = arith.constant 0 : i32
      %dma_wait3A_90 = tpu.memref_slice %arg15[%mul3A_6, %dma_wait3A_89] : memref<10240x128xf32, #tpu.memory_space<vmem_shared>> -> memref<640x128xf32, #tpu.memory_space<vmem_shared>>
      tpu.wait_dma2 semaphore(%run_scoped3A : memref<!tpu.dma_semaphore, #tpu.memory_space<semaphore_mem>>) src(%dma_wait3A_90 : memref<640x128xf32, #tpu.memory_space<vmem_shared>>) dst(%dma_wait3A_88 : memref<640x128xf32, #tpu.memory_space<hbm>>)
      tpu.yield
    }) : () -> ()
    return
  }
}

#map = affine_map<(d0, d1) -> (0, 0, 0)>
#map1 = affine_map<(d0, d1) -> (0)>
module attributes {stable_mosaic.version = 14 : i64} {
  func.func @_sc_degrees_body(%arg0: i32, %arg1: i32, %arg2: memref<32x84x120xi32, #tpu.memory_space<hbm>>, %arg3: memref<32x84x120xi32, #tpu.memory_space<hbm>>, %arg4: memref<20480xf32, #tpu.memory_space<hbm>>, %arg5: memref<20480xf32, #tpu.memory_space<hbm>>, %arg6: memref<84x120xi32, #tpu.memory_space<vmem>>, %arg7: memref<84x120xi32, #tpu.memory_space<vmem>>, %arg8: memref<120xf32, #tpu.memory_space<vmem>>, %arg9: memref<640xf32, #tpu.memory_space<vmem>>, %arg10: memref<10240xf32, #tpu.memory_space<vmem_shared>>, %arg11: memref<10240xf32, #tpu.memory_space<vmem_shared>>) attributes {dimension_semantics = [#tpu.dimension_semantics<core_parallel>, #tpu.dimension_semantics<subcore_parallel>], iteration_bounds = array<i64: 2, 16>, scalar_prefetch = 0 : i64, scratch_operands = 6 : i64, tpu.core_type = #tpu.core_type<sc_vector_subcore>, window_params = [{transform_indices = #map}, {transform_indices = #map}, {transform_indices = #map1}, {transform_indices = #map1}]} {
    %mul3A = arith.constant 2 : i32
    %mul3A_0 = arith.muli %arg1, %mul3A : i32
    %add3A = arith.addi %mul3A_0, %arg0 : i32
    %broadcast_in_dim3A = arith.constant 1.000000e+00 : f32
    %broadcast_in_dim3A_1 = vector.broadcast %broadcast_in_dim3A : f32 to vector<16xf32>
    %swap3A = arith.constant 0 : index
    %swap3A_2 = tpu.vector_load %arg8[%swap3A] {strides = array<i32>} : memref<120xf32, #tpu.memory_space<vmem>>, vector<16xf32>,
    %swap3A_3 = vector.shape_cast %swap3A_2 : vector<16xf32> to vector<16xf32>
    %swap3A_4 = vector.shape_cast %broadcast_in_dim3A_1 : vector<16xf32> to vector<16xf32>
    tpu.vector_store %arg8[%swap3A], %swap3A_4 {strides = array<i32>} : memref<120xf32, #tpu.memory_space<vmem>>, vector<16xf32>,
    %broadcast_in_dim3A_5 = arith.constant 1.000000e+00 : f32
    %broadcast_in_dim3A_6 = vector.broadcast %broadcast_in_dim3A_5 : f32 to vector<16xf32>
    %swap3A_7 = arith.constant 16 : index
    %swap3A_8 = tpu.vector_load %arg8[%swap3A_7] {strides = array<i32>} : memref<120xf32, #tpu.memory_space<vmem>>, vector<16xf32>,
    %swap3A_9 = vector.shape_cast %swap3A_8 : vector<16xf32> to vector<16xf32>
    %swap3A_10 = vector.shape_cast %broadcast_in_dim3A_6 : vector<16xf32> to vector<16xf32>
    tpu.vector_store %arg8[%swap3A_7], %swap3A_10 {strides = array<i32>} : memref<120xf32, #tpu.memory_space<vmem>>, vector<16xf32>,
    %broadcast_in_dim3A_11 = arith.constant 1.000000e+00 : f32
    %broadcast_in_dim3A_12 = vector.broadcast %broadcast_in_dim3A_11 : f32 to vector<16xf32>
    %swap3A_13 = arith.constant 32 : index
    %swap3A_14 = tpu.vector_load %arg8[%swap3A_13] {strides = array<i32>} : memref<120xf32, #tpu.memory_space<vmem>>, vector<16xf32>,
    %swap3A_15 = vector.shape_cast %swap3A_14 : vector<16xf32> to vector<16xf32>
    %swap3A_16 = vector.shape_cast %broadcast_in_dim3A_12 : vector<16xf32> to vector<16xf32>
    tpu.vector_store %arg8[%swap3A_13], %swap3A_16 {strides = array<i32>} : memref<120xf32, #tpu.memory_space<vmem>>, vector<16xf32>,
    %broadcast_in_dim3A_17 = arith.constant 1.000000e+00 : f32
    %broadcast_in_dim3A_18 = vector.broadcast %broadcast_in_dim3A_17 : f32 to vector<16xf32>
    %swap3A_19 = arith.constant 48 : index
    %swap3A_20 = tpu.vector_load %arg8[%swap3A_19] {strides = array<i32>} : memref<120xf32, #tpu.memory_space<vmem>>, vector<16xf32>,
    %swap3A_21 = vector.shape_cast %swap3A_20 : vector<16xf32> to vector<16xf32>
    %swap3A_22 = vector.shape_cast %broadcast_in_dim3A_18 : vector<16xf32> to vector<16xf32>
    tpu.vector_store %arg8[%swap3A_19], %swap3A_22 {strides = array<i32>} : memref<120xf32, #tpu.memory_space<vmem>>, vector<16xf32>,
    %broadcast_in_dim3A_23 = arith.constant 1.000000e+00 : f32
    %broadcast_in_dim3A_24 = vector.broadcast %broadcast_in_dim3A_23 : f32 to vector<16xf32>
    %swap3A_25 = arith.constant 64 : index
    %swap3A_26 = tpu.vector_load %arg8[%swap3A_25] {strides = array<i32>} : memref<120xf32, #tpu.memory_space<vmem>>, vector<16xf32>,
    %swap3A_27 = vector.shape_cast %swap3A_26 : vector<16xf32> to vector<16xf32>
    %swap3A_28 = vector.shape_cast %broadcast_in_dim3A_24 : vector<16xf32> to vector<16xf32>
    tpu.vector_store %arg8[%swap3A_25], %swap3A_28 {strides = array<i32>} : memref<120xf32, #tpu.memory_space<vmem>>, vector<16xf32>,
    %broadcast_in_dim3A_29 = arith.constant 1.000000e+00 : f32
    %broadcast_in_dim3A_30 = vector.broadcast %broadcast_in_dim3A_29 : f32 to vector<16xf32>
    %swap3A_31 = arith.constant 80 : index
    %swap3A_32 = tpu.vector_load %arg8[%swap3A_31] {strides = array<i32>} : memref<120xf32, #tpu.memory_space<vmem>>, vector<16xf32>,
    %swap3A_33 = vector.shape_cast %swap3A_32 : vector<16xf32> to vector<16xf32>
    %swap3A_34 = vector.shape_cast %broadcast_in_dim3A_30 : vector<16xf32> to vector<16xf32>
    tpu.vector_store %arg8[%swap3A_31], %swap3A_34 {strides = array<i32>} : memref<120xf32, #tpu.memory_space<vmem>>, vector<16xf32>,
    %broadcast_in_dim3A_35 = arith.constant 1.000000e+00 : f32
    %broadcast_in_dim3A_36 = vector.broadcast %broadcast_in_dim3A_35 : f32 to vector<16xf32>
    %swap3A_37 = arith.constant 96 : index
    %swap3A_38 = tpu.vector_load %arg8[%swap3A_37] {strides = array<i32>} : memref<120xf32, #tpu.memory_space<vmem>>, vector<16xf32>,
    %swap3A_39 = vector.shape_cast %swap3A_38 : vector<16xf32> to vector<16xf32>
    %swap3A_40 = vector.shape_cast %broadcast_in_dim3A_36 : vector<16xf32> to vector<16xf32>
    tpu.vector_store %arg8[%swap3A_37], %swap3A_40 {strides = array<i32>} : memref<120xf32, #tpu.memory_space<vmem>>, vector<16xf32>,
    %broadcast_in_dim3A_41 = arith.constant 1.000000e+00 : f32
    %broadcast_in_dim3A_42 = vector.broadcast %broadcast_in_dim3A_41 : f32 to vector<16xf32>
    %swap3A_43 = arith.constant 104 : index
    %swap3A_44 = tpu.vector_load %arg8[%swap3A_43] {strides = array<i32>} : memref<120xf32, #tpu.memory_space<vmem>>, vector<16xf32>,
    %swap3A_45 = vector.shape_cast %swap3A_44 : vector<16xf32> to vector<16xf32>
    %swap3A_46 = vector.shape_cast %broadcast_in_dim3A_42 : vector<16xf32> to vector<16xf32>
    tpu.vector_store %arg8[%swap3A_43], %swap3A_46 {strides = array<i32>} : memref<120xf32, #tpu.memory_space<vmem>>, vector<16xf32>,
    %broadcast_in_dim3A_47 = arith.constant 0.000000e+00 : f32
    %broadcast_in_dim3A_48 = vector.broadcast %broadcast_in_dim3A_47 : f32 to vector<16xf32>
    %swap3A_49 = arith.constant 0 : index
    %swap3A_50 = tpu.vector_load %arg9[%swap3A_49] {strides = array<i32>} : memref<640xf32, #tpu.memory_space<vmem>>, vector<16xf32>,
    %swap3A_51 = vector.shape_cast %swap3A_50 : vector<16xf32> to vector<16xf32>
    %swap3A_52 = vector.shape_cast %broadcast_in_dim3A_48 : vector<16xf32> to vector<16xf32>
    tpu.vector_store %arg9[%swap3A_49], %swap3A_52 {strides = array<i32>} : memref<640xf32, #tpu.memory_space<vmem>>, vector<16xf32>,
    %broadcast_in_dim3A_53 = arith.constant 0.000000e+00 : f32
    %broadcast_in_dim3A_54 = vector.broadcast %broadcast_in_dim3A_53 : f32 to vector<16xf32>
    %swap3A_55 = arith.constant 16 : index
    %swap3A_56 = tpu.vector_load %arg9[%swap3A_55] {strides = array<i32>} : memref<640xf32, #tpu.memory_space<vmem>>, vector<16xf32>,
    %swap3A_57 = vector.shape_cast %swap3A_56 : vector<16xf32> to vector<16xf32>
    %swap3A_58 = vector.shape_cast %broadcast_in_dim3A_54 : vector<16xf32> to vector<16xf32>
    tpu.vector_store %arg9[%swap3A_55], %swap3A_58 {strides = array<i32>} : memref<640xf32, #tpu.memory_space<vmem>>, vector<16xf32>,
    %broadcast_in_dim3A_59 = arith.constant 0.000000e+00 : f32
    %broadcast_in_dim3A_60 = vector.broadcast %broadcast_in_dim3A_59 : f32 to vector<16xf32>
    %swap3A_61 = arith.constant 32 : index
    %swap3A_62 = tpu.vector_load %arg9[%swap3A_61] {strides = array<i32>} : memref<640xf32, #tpu.memory_space<vmem>>, vector<16xf32>,
    %swap3A_63 = vector.shape_cast %swap3A_62 : vector<16xf32> to vector<16xf32>
    %swap3A_64 = vector.shape_cast %broadcast_in_dim3A_60 : vector<16xf32> to vector<16xf32>
    tpu.vector_store %arg9[%swap3A_61], %swap3A_64 {strides = array<i32>} : memref<640xf32, #tpu.memory_space<vmem>>, vector<16xf32>,
    %broadcast_in_dim3A_65 = arith.constant 0.000000e+00 : f32
    %broadcast_in_dim3A_66 = vector.broadcast %broadcast_in_dim3A_65 : f32 to vector<16xf32>
    %swap3A_67 = arith.constant 48 : index
    %swap3A_68 = tpu.vector_load %arg9[%swap3A_67] {strides = array<i32>} : memref<640xf32, #tpu.memory_space<vmem>>, vector<16xf32>,
    %swap3A_69 = vector.shape_cast %swap3A_68 : vector<16xf32> to vector<16xf32>
    %swap3A_70 = vector.shape_cast %broadcast_in_dim3A_66 : vector<16xf32> to vector<16xf32>
    tpu.vector_store %arg9[%swap3A_67], %swap3A_70 {strides = array<i32>} : memref<640xf32, #tpu.memory_space<vmem>>, vector<16xf32>,
    %broadcast_in_dim3A_71 = arith.constant 0.000000e+00 : f32
    %broadcast_in_dim3A_72 = vector.broadcast %broadcast_in_dim3A_71 : f32 to vector<16xf32>
    %swap3A_73 = arith.constant 64 : index
    %swap3A_74 = tpu.vector_load %arg9[%swap3A_73] {strides = array<i32>} : memref<640xf32, #tpu.memory_space<vmem>>, vector<16xf32>,
    %swap3A_75 = vector.shape_cast %swap3A_74 : vector<16xf32> to vector<16xf32>
    %swap3A_76 = vector.shape_cast %broadcast_in_dim3A_72 : vector<16xf32> to vector<16xf32>
    tpu.vector_store %arg9[%swap3A_73], %swap3A_76 {strides = array<i32>} : memref<640xf32, #tpu.memory_space<vmem>>, vector<16xf32>,
    %broadcast_in_dim3A_77 = arith.constant 0.000000e+00 : f32
    %broadcast_in_dim3A_78 = vector.broadcast %broadcast_in_dim3A_77 : f32 to vector<16xf32>
    %swap3A_79 = arith.constant 80 : index
    %swap3A_80 = tpu.vector_load %arg9[%swap3A_79] {strides = array<i32>} : memref<640xf32, #tpu.memory_space<vmem>>, vector<16xf32>,
    %swap3A_81 = vector.shape_cast %swap3A_80 : vector<16xf32> to vector<16xf32>
    %swap3A_82 = vector.shape_cast %broadcast_in_dim3A_78 : vector<16xf32> to vector<16xf32>
    tpu.vector_store %arg9[%swap3A_79], %swap3A_82 {strides = array<i32>} : memref<640xf32, #tpu.memory_space<vmem>>, vector<16xf32>,
    %broadcast_in_dim3A_83 = arith.constant 0.000000e+00 : f32
    %broadcast_in_dim3A_84 = vector.broadcast %broadcast_in_dim3A_83 : f32 to vector<16xf32>
    %swap3A_85 = arith.constant 96 : index
    %swap3A_86 = tpu.vector_load %arg9[%swap3A_85] {strides = array<i32>} : memref<640xf32, #tpu.memory_space<vmem>>, vector<16xf32>,
    %swap3A_87 = vector.shape_cast %swap3A_86 : vector<16xf32> to vector<16xf32>
    %swap3A_88 = vector.shape_cast %broadcast_in_dim3A_84 : vector<16xf32> to vector<16xf32>
    tpu.vector_store %arg9[%swap3A_85], %swap3A_88 {strides = array<i32>} : memref<640xf32, #tpu.memory_space<vmem>>, vector<16xf32>,
    %broadcast_in_dim3A_89 = arith.constant 0.000000e+00 : f32
    %broadcast_in_dim3A_90 = vector.broadcast %broadcast_in_dim3A_89 : f32 to vector<16xf32>
    %swap3A_91 = arith.constant 112 : index
    %swap3A_92 = tpu.vector_load %arg9[%swap3A_91] {strides = array<i32>} : memref<640xf32, #tpu.memory_space<vmem>>, vector<16xf32>,
    %swap3A_93 = vector.shape_cast %swap3A_92 : vector<16xf32> to vector<16xf32>
    %swap3A_94 = vector.shape_cast %broadcast_in_dim3A_90 : vector<16xf32> to vector<16xf32>
    tpu.vector_store %arg9[%swap3A_91], %swap3A_94 {strides = array<i32>} : memref<640xf32, #tpu.memory_space<vmem>>, vector<16xf32>,
    %broadcast_in_dim3A_95 = arith.constant 0.000000e+00 : f32
    %broadcast_in_dim3A_96 = vector.broadcast %broadcast_in_dim3A_95 : f32 to vector<16xf32>
    %swap3A_97 = arith.constant 128 : index
    %swap3A_98 = tpu.vector_load %arg9[%swap3A_97] {strides = array<i32>} : memref<640xf32, #tpu.memory_space<vmem>>, vector<16xf32>,
    %swap3A_99 = vector.shape_cast %swap3A_98 : vector<16xf32> to vector<16xf32>
    %swap3A_100 = vector.shape_cast %broadcast_in_dim3A_96 : vector<16xf32> to vector<16xf32>
    tpu.vector_store %arg9[%swap3A_97], %swap3A_100 {strides = array<i32>} : memref<640xf32, #tpu.memory_space<vmem>>, vector<16xf32>,
    %broadcast_in_dim3A_101 = arith.constant 0.000000e+00 : f32
    %broadcast_in_dim3A_102 = vector.broadcast %broadcast_in_dim3A_101 : f32 to vector<16xf32>
    %swap3A_103 = arith.constant 144 : index
    %swap3A_104 = tpu.vector_load %arg9[%swap3A_103] {strides = array<i32>} : memref<640xf32, #tpu.memory_space<vmem>>, vector<16xf32>,
    %swap3A_105 = vector.shape_cast %swap3A_104 : vector<16xf32> to vector<16xf32>
    %swap3A_106 = vector.shape_cast %broadcast_in_dim3A_102 : vector<16xf32> to vector<16xf32>
    tpu.vector_store %arg9[%swap3A_103], %swap3A_106 {strides = array<i32>} : memref<640xf32, #tpu.memory_space<vmem>>, vector<16xf32>,
    %broadcast_in_dim3A_107 = arith.constant 0.000000e+00 : f32
    %broadcast_in_dim3A_108 = vector.broadcast %broadcast_in_dim3A_107 : f32 to vector<16xf32>
    %swap3A_109 = arith.constant 160 : index
    %swap3A_110 = tpu.vector_load %arg9[%swap3A_109] {strides = array<i32>} : memref<640xf32, #tpu.memory_space<vmem>>, vector<16xf32>,
    %swap3A_111 = vector.shape_cast %swap3A_110 : vector<16xf32> to vector<16xf32>
    %swap3A_112 = vector.shape_cast %broadcast_in_dim3A_108 : vector<16xf32> to vector<16xf32>
    tpu.vector_store %arg9[%swap3A_109], %swap3A_112 {strides = array<i32>} : memref<640xf32, #tpu.memory_space<vmem>>, vector<16xf32>,
    %broadcast_in_dim3A_113 = arith.constant 0.000000e+00 : f32
    %broadcast_in_dim3A_114 = vector.broadcast %broadcast_in_dim3A_113 : f32 to vector<16xf32>
    %swap3A_115 = arith.constant 176 : index
    %swap3A_116 = tpu.vector_load %arg9[%swap3A_115] {strides = array<i32>} : memref<640xf32, #tpu.memory_space<vmem>>, vector<16xf32>,
    %swap3A_117 = vector.shape_cast %swap3A_116 : vector<16xf32> to vector<16xf32>
    %swap3A_118 = vector.shape_cast %broadcast_in_dim3A_114 : vector<16xf32> to vector<16xf32>
    tpu.vector_store %arg9[%swap3A_115], %swap3A_118 {strides = array<i32>} : memref<640xf32, #tpu.memory_space<vmem>>, vector<16xf32>,
    %broadcast_in_dim3A_119 = arith.constant 0.000000e+00 : f32
    %broadcast_in_dim3A_120 = vector.broadcast %broadcast_in_dim3A_119 : f32 to vector<16xf32>
    %swap3A_121 = arith.constant 192 : index
    %swap3A_122 = tpu.vector_load %arg9[%swap3A_121] {strides = array<i32>} : memref<640xf32, #tpu.memory_space<vmem>>, vector<16xf32>,
    %swap3A_123 = vector.shape_cast %swap3A_122 : vector<16xf32> to vector<16xf32>
    %swap3A_124 = vector.shape_cast %broadcast_in_dim3A_120 : vector<16xf32> to vector<16xf32>
    tpu.vector_store %arg9[%swap3A_121], %swap3A_124 {strides = array<i32>} : memref<640xf32, #tpu.memory_space<vmem>>, vector<16xf32>,
    %broadcast_in_dim3A_125 = arith.constant 0.000000e+00 : f32
    %broadcast_in_dim3A_126 = vector.broadcast %broadcast_in_dim3A_125 : f32 to vector<16xf32>
    %swap3A_127 = arith.constant 208 : index
    %swap3A_128 = tpu.vector_load %arg9[%swap3A_127] {strides = array<i32>} : memref<640xf32, #tpu.memory_space<vmem>>, vector<16xf32>,
    %swap3A_129 = vector.shape_cast %swap3A_128 : vector<16xf32> to vector<16xf32>
    %swap3A_130 = vector.shape_cast %broadcast_in_dim3A_126 : vector<16xf32> to vector<16xf32>
    tpu.vector_store %arg9[%swap3A_127], %swap3A_130 {strides = array<i32>} : memref<640xf32, #tpu.memory_space<vmem>>, vector<16xf32>,
    %broadcast_in_dim3A_131 = arith.constant 0.000000e+00 : f32
    %broadcast_in_dim3A_132 = vector.broadcast %broadcast_in_dim3A_131 : f32 to vector<16xf32>
    %swap3A_133 = arith.constant 224 : index
    %swap3A_134 = tpu.vector_load %arg9[%swap3A_133] {strides = array<i32>} : memref<640xf32, #tpu.memory_space<vmem>>, vector<16xf32>,
    %swap3A_135 = vector.shape_cast %swap3A_134 : vector<16xf32> to vector<16xf32>
    %swap3A_136 = vector.shape_cast %broadcast_in_dim3A_132 : vector<16xf32> to vector<16xf32>
    tpu.vector_store %arg9[%swap3A_133], %swap3A_136 {strides = array<i32>} : memref<640xf32, #tpu.memory_space<vmem>>, vector<16xf32>,
    %broadcast_in_dim3A_137 = arith.constant 0.000000e+00 : f32
    %broadcast_in_dim3A_138 = vector.broadcast %broadcast_in_dim3A_137 : f32 to vector<16xf32>
    %swap3A_139 = arith.constant 240 : index
    %swap3A_140 = tpu.vector_load %arg9[%swap3A_139] {strides = array<i32>} : memref<640xf32, #tpu.memory_space<vmem>>, vector<16xf32>,
    %swap3A_141 = vector.shape_cast %swap3A_140 : vector<16xf32> to vector<16xf32>
    %swap3A_142 = vector.shape_cast %broadcast_in_dim3A_138 : vector<16xf32> to vector<16xf32>
    tpu.vector_store %arg9[%swap3A_139], %swap3A_142 {strides = array<i32>} : memref<640xf32, #tpu.memory_space<vmem>>, vector<16xf32>,
    %broadcast_in_dim3A_143 = arith.constant 0.000000e+00 : f32
    %broadcast_in_dim3A_144 = vector.broadcast %broadcast_in_dim3A_143 : f32 to vector<16xf32>
    %swap3A_145 = arith.constant 256 : index
    %swap3A_146 = tpu.vector_load %arg9[%swap3A_145] {strides = array<i32>} : memref<640xf32, #tpu.memory_space<vmem>>, vector<16xf32>,
    %swap3A_147 = vector.shape_cast %swap3A_146 : vector<16xf32> to vector<16xf32>
    %swap3A_148 = vector.shape_cast %broadcast_in_dim3A_144 : vector<16xf32> to vector<16xf32>
    tpu.vector_store %arg9[%swap3A_145], %swap3A_148 {strides = array<i32>} : memref<640xf32, #tpu.memory_space<vmem>>, vector<16xf32>,
    %broadcast_in_dim3A_149 = arith.constant 0.000000e+00 : f32
    %broadcast_in_dim3A_150 = vector.broadcast %broadcast_in_dim3A_149 : f32 to vector<16xf32>
    %swap3A_151 = arith.constant 272 : index
    %swap3A_152 = tpu.vector_load %arg9[%swap3A_151] {strides = array<i32>} : memref<640xf32, #tpu.memory_space<vmem>>, vector<16xf32>,
    %swap3A_153 = vector.shape_cast %swap3A_152 : vector<16xf32> to vector<16xf32>
    %swap3A_154 = vector.shape_cast %broadcast_in_dim3A_150 : vector<16xf32> to vector<16xf32>
    tpu.vector_store %arg9[%swap3A_151], %swap3A_154 {strides = array<i32>} : memref<640xf32, #tpu.memory_space<vmem>>, vector<16xf32>,
    %broadcast_in_dim3A_155 = arith.constant 0.000000e+00 : f32
    %broadcast_in_dim3A_156 = vector.broadcast %broadcast_in_dim3A_155 : f32 to vector<16xf32>
    %swap3A_157 = arith.constant 288 : index
    %swap3A_158 = tpu.vector_load %arg9[%swap3A_157] {strides = array<i32>} : memref<640xf32, #tpu.memory_space<vmem>>, vector<16xf32>,
    %swap3A_159 = vector.shape_cast %swap3A_158 : vector<16xf32> to vector<16xf32>
    %swap3A_160 = vector.shape_cast %broadcast_in_dim3A_156 : vector<16xf32> to vector<16xf32>
    tpu.vector_store %arg9[%swap3A_157], %swap3A_160 {strides = array<i32>} : memref<640xf32, #tpu.memory_space<vmem>>, vector<16xf32>,
    %broadcast_in_dim3A_161 = arith.constant 0.000000e+00 : f32
    %broadcast_in_dim3A_162 = vector.broadcast %broadcast_in_dim3A_161 : f32 to vector<16xf32>
    %swap3A_163 = arith.constant 304 : index
    %swap3A_164 = tpu.vector_load %arg9[%swap3A_163] {strides = array<i32>} : memref<640xf32, #tpu.memory_space<vmem>>, vector<16xf32>,
    %swap3A_165 = vector.shape_cast %swap3A_164 : vector<16xf32> to vector<16xf32>
    %swap3A_166 = vector.shape_cast %broadcast_in_dim3A_162 : vector<16xf32> to vector<16xf32>
    tpu.vector_store %arg9[%swap3A_163], %swap3A_166 {strides = array<i32>} : memref<640xf32, #tpu.memory_space<vmem>>, vector<16xf32>,
    %broadcast_in_dim3A_167 = arith.constant 0.000000e+00 : f32
    %broadcast_in_dim3A_168 = vector.broadcast %broadcast_in_dim3A_167 : f32 to vector<16xf32>
    %swap3A_169 = arith.constant 320 : index
    %swap3A_170 = tpu.vector_load %arg9[%swap3A_169] {strides = array<i32>} : memref<640xf32, #tpu.memory_space<vmem>>, vector<16xf32>,
    %swap3A_171 = vector.shape_cast %swap3A_170 : vector<16xf32> to vector<16xf32>
    %swap3A_172 = vector.shape_cast %broadcast_in_dim3A_168 : vector<16xf32> to vector<16xf32>
    tpu.vector_store %arg9[%swap3A_169], %swap3A_172 {strides = array<i32>} : memref<640xf32, #tpu.memory_space<vmem>>, vector<16xf32>,
    %broadcast_in_dim3A_173 = arith.constant 0.000000e+00 : f32
    %broadcast_in_dim3A_174 = vector.broadcast %broadcast_in_dim3A_173 : f32 to vector<16xf32>
    %swap3A_175 = arith.constant 336 : index
    %swap3A_176 = tpu.vector_load %arg9[%swap3A_175] {strides = array<i32>} : memref<640xf32, #tpu.memory_space<vmem>>, vector<16xf32>,
    %swap3A_177 = vector.shape_cast %swap3A_176 : vector<16xf32> to vector<16xf32>
    %swap3A_178 = vector.shape_cast %broadcast_in_dim3A_174 : vector<16xf32> to vector<16xf32>
    tpu.vector_store %arg9[%swap3A_175], %swap3A_178 {strides = array<i32>} : memref<640xf32, #tpu.memory_space<vmem>>, vector<16xf32>,
    %broadcast_in_dim3A_179 = arith.constant 0.000000e+00 : f32
    %broadcast_in_dim3A_180 = vector.broadcast %broadcast_in_dim3A_179 : f32 to vector<16xf32>
    %swap3A_181 = arith.constant 352 : index
    %swap3A_182 = tpu.vector_load %arg9[%swap3A_181] {strides = array<i32>} : memref<640xf32, #tpu.memory_space<vmem>>, vector<16xf32>,
    %swap3A_183 = vector.shape_cast %swap3A_182 : vector<16xf32> to vector<16xf32>
    %swap3A_184 = vector.shape_cast %broadcast_in_dim3A_180 : vector<16xf32> to vector<16xf32>
    tpu.vector_store %arg9[%swap3A_181], %swap3A_184 {strides = array<i32>} : memref<640xf32, #tpu.memory_space<vmem>>, vector<16xf32>,
    %broadcast_in_dim3A_185 = arith.constant 0.000000e+00 : f32
    %broadcast_in_dim3A_186 = vector.broadcast %broadcast_in_dim3A_185 : f32 to vector<16xf32>
    %swap3A_187 = arith.constant 368 : index
    %swap3A_188 = tpu.vector_load %arg9[%swap3A_187] {strides = array<i32>} : memref<640xf32, #tpu.memory_space<vmem>>, vector<16xf32>,
    %swap3A_189 = vector.shape_cast %swap3A_188 : vector<16xf32> to vector<16xf32>
    %swap3A_190 = vector.shape_cast %broadcast_in_dim3A_186 : vector<16xf32> to vector<16xf32>
    tpu.vector_store %arg9[%swap3A_187], %swap3A_190 {strides = array<i32>} : memref<640xf32, #tpu.memory_space<vmem>>, vector<16xf32>,
    %broadcast_in_dim3A_191 = arith.constant 0.000000e+00 : f32
    %broadcast_in_dim3A_192 = vector.broadcast %broadcast_in_dim3A_191 : f32 to vector<16xf32>
    %swap3A_193 = arith.constant 384 : index
    %swap3A_194 = tpu.vector_load %arg9[%swap3A_193] {strides = array<i32>} : memref<640xf32, #tpu.memory_space<vmem>>, vector<16xf32>,
    %swap3A_195 = vector.shape_cast %swap3A_194 : vector<16xf32> to vector<16xf32>
    %swap3A_196 = vector.shape_cast %broadcast_in_dim3A_192 : vector<16xf32> to vector<16xf32>
    tpu.vector_store %arg9[%swap3A_193], %swap3A_196 {strides = array<i32>} : memref<640xf32, #tpu.memory_space<vmem>>, vector<16xf32>,
    %broadcast_in_dim3A_197 = arith.constant 0.000000e+00 : f32
    %broadcast_in_dim3A_198 = vector.broadcast %broadcast_in_dim3A_197 : f32 to vector<16xf32>
    %swap3A_199 = arith.constant 400 : index
    %swap3A_200 = tpu.vector_load %arg9[%swap3A_199] {strides = array<i32>} : memref<640xf32, #tpu.memory_space<vmem>>, vector<16xf32>,
    %swap3A_201 = vector.shape_cast %swap3A_200 : vector<16xf32> to vector<16xf32>
    %swap3A_202 = vector.shape_cast %broadcast_in_dim3A_198 : vector<16xf32> to vector<16xf32>
    tpu.vector_store %arg9[%swap3A_199], %swap3A_202 {strides = array<i32>} : memref<640xf32, #tpu.memory_space<vmem>>, vector<16xf32>,
    %broadcast_in_dim3A_203 = arith.constant 0.000000e+00 : f32
    %broadcast_in_dim3A_204 = vector.broadcast %broadcast_in_dim3A_203 : f32 to vector<16xf32>
    %swap3A_205 = arith.constant 416 : index
    %swap3A_206 = tpu.vector_load %arg9[%swap3A_205] {strides = array<i32>} : memref<640xf32, #tpu.memory_space<vmem>>, vector<16xf32>,
    %swap3A_207 = vector.shape_cast %swap3A_206 : vector<16xf32> to vector<16xf32>
    %swap3A_208 = vector.shape_cast %broadcast_in_dim3A_204 : vector<16xf32> to vector<16xf32>
    tpu.vector_store %arg9[%swap3A_205], %swap3A_208 {strides = array<i32>} : memref<640xf32, #tpu.memory_space<vmem>>, vector<16xf32>,
    %broadcast_in_dim3A_209 = arith.constant 0.000000e+00 : f32
    %broadcast_in_dim3A_210 = vector.broadcast %broadcast_in_dim3A_209 : f32 to vector<16xf32>
    %swap3A_211 = arith.constant 432 : index
    %swap3A_212 = tpu.vector_load %arg9[%swap3A_211] {strides = array<i32>} : memref<640xf32, #tpu.memory_space<vmem>>, vector<16xf32>,
    %swap3A_213 = vector.shape_cast %swap3A_212 : vector<16xf32> to vector<16xf32>
    %swap3A_214 = vector.shape_cast %broadcast_in_dim3A_210 : vector<16xf32> to vector<16xf32>
    tpu.vector_store %arg9[%swap3A_211], %swap3A_214 {strides = array<i32>} : memref<640xf32, #tpu.memory_space<vmem>>, vector<16xf32>,
    %broadcast_in_dim3A_215 = arith.constant 0.000000e+00 : f32
    %broadcast_in_dim3A_216 = vector.broadcast %broadcast_in_dim3A_215 : f32 to vector<16xf32>
    %swap3A_217 = arith.constant 448 : index
    %swap3A_218 = tpu.vector_load %arg9[%swap3A_217] {strides = array<i32>} : memref<640xf32, #tpu.memory_space<vmem>>, vector<16xf32>,
    %swap3A_219 = vector.shape_cast %swap3A_218 : vector<16xf32> to vector<16xf32>
    %swap3A_220 = vector.shape_cast %broadcast_in_dim3A_216 : vector<16xf32> to vector<16xf32>
    tpu.vector_store %arg9[%swap3A_217], %swap3A_220 {strides = array<i32>} : memref<640xf32, #tpu.memory_space<vmem>>, vector<16xf32>,
    %broadcast_in_dim3A_221 = arith.constant 0.000000e+00 : f32
    %broadcast_in_dim3A_222 = vector.broadcast %broadcast_in_dim3A_221 : f32 to vector<16xf32>
    %swap3A_223 = arith.constant 464 : index
    %swap3A_224 = tpu.vector_load %arg9[%swap3A_223] {strides = array<i32>} : memref<640xf32, #tpu.memory_space<vmem>>, vector<16xf32>,
    %swap3A_225 = vector.shape_cast %swap3A_224 : vector<16xf32> to vector<16xf32>
    %swap3A_226 = vector.shape_cast %broadcast_in_dim3A_222 : vector<16xf32> to vector<16xf32>
    tpu.vector_store %arg9[%swap3A_223], %swap3A_226 {strides = array<i32>} : memref<640xf32, #tpu.memory_space<vmem>>, vector<16xf32>,
    %broadcast_in_dim3A_227 = arith.constant 0.000000e+00 : f32
    %broadcast_in_dim3A_228 = vector.broadcast %broadcast_in_dim3A_227 : f32 to vector<16xf32>
    %swap3A_229 = arith.constant 480 : index
    %swap3A_230 = tpu.vector_load %arg9[%swap3A_229] {strides = array<i32>} : memref<640xf32, #tpu.memory_space<vmem>>, vector<16xf32>,
    %swap3A_231 = vector.shape_cast %swap3A_230 : vector<16xf32> to vector<16xf32>
    %swap3A_232 = vector.shape_cast %broadcast_in_dim3A_228 : vector<16xf32> to vector<16xf32>
    tpu.vector_store %arg9[%swap3A_229], %swap3A_232 {strides = array<i32>} : memref<640xf32, #tpu.memory_space<vmem>>, vector<16xf32>,
    %broadcast_in_dim3A_233 = arith.constant 0.000000e+00 : f32
    %broadcast_in_dim3A_234 = vector.broadcast %broadcast_in_dim3A_233 : f32 to vector<16xf32>
    %swap3A_235 = arith.constant 496 : index
    %swap3A_236 = tpu.vector_load %arg9[%swap3A_235] {strides = array<i32>} : memref<640xf32, #tpu.memory_space<vmem>>, vector<16xf32>,
    %swap3A_237 = vector.shape_cast %swap3A_236 : vector<16xf32> to vector<16xf32>
    %swap3A_238 = vector.shape_cast %broadcast_in_dim3A_234 : vector<16xf32> to vector<16xf32>
    tpu.vector_store %arg9[%swap3A_235], %swap3A_238 {strides = array<i32>} : memref<640xf32, #tpu.memory_space<vmem>>, vector<16xf32>,
    %broadcast_in_dim3A_239 = arith.constant 0.000000e+00 : f32
    %broadcast_in_dim3A_240 = vector.broadcast %broadcast_in_dim3A_239 : f32 to vector<16xf32>
    %swap3A_241 = arith.constant 512 : index
    %swap3A_242 = tpu.vector_load %arg9[%swap3A_241] {strides = array<i32>} : memref<640xf32, #tpu.memory_space<vmem>>, vector<16xf32>,
    %swap3A_243 = vector.shape_cast %swap3A_242 : vector<16xf32> to vector<16xf32>
    %swap3A_244 = vector.shape_cast %broadcast_in_dim3A_240 : vector<16xf32> to vector<16xf32>
    tpu.vector_store %arg9[%swap3A_241], %swap3A_244 {strides = array<i32>} : memref<640xf32, #tpu.memory_space<vmem>>, vector<16xf32>,
    %broadcast_in_dim3A_245 = arith.constant 0.000000e+00 : f32
    %broadcast_in_dim3A_246 = vector.broadcast %broadcast_in_dim3A_245 : f32 to vector<16xf32>
    %swap3A_247 = arith.constant 528 : index
    %swap3A_248 = tpu.vector_load %arg9[%swap3A_247] {strides = array<i32>} : memref<640xf32, #tpu.memory_space<vmem>>, vector<16xf32>,
    %swap3A_249 = vector.shape_cast %swap3A_248 : vector<16xf32> to vector<16xf32>
    %swap3A_250 = vector.shape_cast %broadcast_in_dim3A_246 : vector<16xf32> to vector<16xf32>
    tpu.vector_store %arg9[%swap3A_247], %swap3A_250 {strides = array<i32>} : memref<640xf32, #tpu.memory_space<vmem>>, vector<16xf32>,
    %broadcast_in_dim3A_251 = arith.constant 0.000000e+00 : f32
    %broadcast_in_dim3A_252 = vector.broadcast %broadcast_in_dim3A_251 : f32 to vector<16xf32>
    %swap3A_253 = arith.constant 544 : index
    %swap3A_254 = tpu.vector_load %arg9[%swap3A_253] {strides = array<i32>} : memref<640xf32, #tpu.memory_space<vmem>>, vector<16xf32>,
    %swap3A_255 = vector.shape_cast %swap3A_254 : vector<16xf32> to vector<16xf32>
    %swap3A_256 = vector.shape_cast %broadcast_in_dim3A_252 : vector<16xf32> to vector<16xf32>
    tpu.vector_store %arg9[%swap3A_253], %swap3A_256 {strides = array<i32>} : memref<640xf32, #tpu.memory_space<vmem>>, vector<16xf32>,
    %broadcast_in_dim3A_257 = arith.constant 0.000000e+00 : f32
    %broadcast_in_dim3A_258 = vector.broadcast %broadcast_in_dim3A_257 : f32 to vector<16xf32>
    %swap3A_259 = arith.constant 560 : index
    %swap3A_260 = tpu.vector_load %arg9[%swap3A_259] {strides = array<i32>} : memref<640xf32, #tpu.memory_space<vmem>>, vector<16xf32>,
    %swap3A_261 = vector.shape_cast %swap3A_260 : vector<16xf32> to vector<16xf32>
    %swap3A_262 = vector.shape_cast %broadcast_in_dim3A_258 : vector<16xf32> to vector<16xf32>
    tpu.vector_store %arg9[%swap3A_259], %swap3A_262 {strides = array<i32>} : memref<640xf32, #tpu.memory_space<vmem>>, vector<16xf32>,
    %broadcast_in_dim3A_263 = arith.constant 0.000000e+00 : f32
    %broadcast_in_dim3A_264 = vector.broadcast %broadcast_in_dim3A_263 : f32 to vector<16xf32>
    %swap3A_265 = arith.constant 576 : index
    %swap3A_266 = tpu.vector_load %arg9[%swap3A_265] {strides = array<i32>} : memref<640xf32, #tpu.memory_space<vmem>>, vector<16xf32>,
    %swap3A_267 = vector.shape_cast %swap3A_266 : vector<16xf32> to vector<16xf32>
    %swap3A_268 = vector.shape_cast %broadcast_in_dim3A_264 : vector<16xf32> to vector<16xf32>
    tpu.vector_store %arg9[%swap3A_265], %swap3A_268 {strides = array<i32>} : memref<640xf32, #tpu.memory_space<vmem>>, vector<16xf32>,
    %broadcast_in_dim3A_269 = arith.constant 0.000000e+00 : f32
    %broadcast_in_dim3A_270 = vector.broadcast %broadcast_in_dim3A_269 : f32 to vector<16xf32>
    %swap3A_271 = arith.constant 592 : index
    %swap3A_272 = tpu.vector_load %arg9[%swap3A_271] {strides = array<i32>} : memref<640xf32, #tpu.memory_space<vmem>>, vector<16xf32>,
    %swap3A_273 = vector.shape_cast %swap3A_272 : vector<16xf32> to vector<16xf32>
    %swap3A_274 = vector.shape_cast %broadcast_in_dim3A_270 : vector<16xf32> to vector<16xf32>
    tpu.vector_store %arg9[%swap3A_271], %swap3A_274 {strides = array<i32>} : memref<640xf32, #tpu.memory_space<vmem>>, vector<16xf32>,
    %broadcast_in_dim3A_275 = arith.constant 0.000000e+00 : f32
    %broadcast_in_dim3A_276 = vector.broadcast %broadcast_in_dim3A_275 : f32 to vector<16xf32>
    %swap3A_277 = arith.constant 608 : index
    %swap3A_278 = tpu.vector_load %arg9[%swap3A_277] {strides = array<i32>} : memref<640xf32, #tpu.memory_space<vmem>>, vector<16xf32>,
    %swap3A_279 = vector.shape_cast %swap3A_278 : vector<16xf32> to vector<16xf32>
    %swap3A_280 = vector.shape_cast %broadcast_in_dim3A_276 : vector<16xf32> to vector<16xf32>
    tpu.vector_store %arg9[%swap3A_277], %swap3A_280 {strides = array<i32>} : memref<640xf32, #tpu.memory_space<vmem>>, vector<16xf32>,
    %broadcast_in_dim3A_281 = arith.constant 0.000000e+00 : f32
    %broadcast_in_dim3A_282 = vector.broadcast %broadcast_in_dim3A_281 : f32 to vector<16xf32>
    %swap3A_283 = arith.constant 624 : index
    %swap3A_284 = tpu.vector_load %arg9[%swap3A_283] {strides = array<i32>} : memref<640xf32, #tpu.memory_space<vmem>>, vector<16xf32>,
    %swap3A_285 = vector.shape_cast %swap3A_284 : vector<16xf32> to vector<16xf32>
    %swap3A_286 = vector.shape_cast %broadcast_in_dim3A_282 : vector<16xf32> to vector<16xf32>
    tpu.vector_store %arg9[%swap3A_283], %swap3A_286 {strides = array<i32>} : memref<640xf32, #tpu.memory_space<vmem>>, vector<16xf32>,
    %mul3A_287 = arith.constant 640 : i32
    %mul3A_288 = arith.muli %arg1, %mul3A_287 : i32
    "tpu.region"() ({
      %run_scoped3A = tpu.sem_alloc : memref<!tpu.dma_semaphore, #tpu.memory_space<semaphore_mem>>
      %dma_start3A = arith.constant 0 : i32
      %dma_start3A_297 = tpu.memref_slice %arg9[%dma_start3A] : memref<640xf32, #tpu.memory_space<vmem>> -> memref<640xf32, #tpu.memory_space<vmem>>
      %dma_start3A_298 = tpu.memref_slice %arg10[%mul3A_288] : memref<10240xf32, #tpu.memory_space<vmem_shared>> -> memref<640xf32, #tpu.memory_space<vmem_shared>>
      %dma_start3A_299 = tpu.memref_slice %arg10[%mul3A_288] : memref<10240xf32, #tpu.memory_space<vmem_shared>> -> memref<640xf32, #tpu.memory_space<vmem_shared>>
      %dma_start3A_300 = arith.constant 0 : i32
      %dma_start3A_301 = tpu.memref_slice %arg9[%dma_start3A_300] : memref<640xf32, #tpu.memory_space<vmem>> -> memref<640xf32, #tpu.memory_space<vmem>>
      tpu.enqueue_dma source(%dma_start3A_301 : memref<640xf32, #tpu.memory_space<vmem>>) target(%dma_start3A_299 : memref<640xf32, #tpu.memory_space<vmem_shared>>) target_semaphore(%run_scoped3A : memref<!tpu.dma_semaphore, #tpu.memory_space<semaphore_mem>>)
      %dma_wait3A = arith.constant 0 : i32
      %dma_wait3A_302 = tpu.memref_slice %arg9[%dma_wait3A] : memref<640xf32, #tpu.memory_space<vmem>> -> memref<640xf32, #tpu.memory_space<vmem>>
      %dma_wait3A_303 = tpu.memref_slice %arg10[%mul3A_288] : memref<10240xf32, #tpu.memory_space<vmem_shared>> -> memref<640xf32, #tpu.memory_space<vmem_shared>>
      %dma_wait3A_304 = tpu.memref_slice %arg10[%mul3A_288] : memref<10240xf32, #tpu.memory_space<vmem_shared>> -> memref<640xf32, #tpu.memory_space<vmem_shared>>
      %dma_wait3A_305 = arith.constant 0 : i32
      %dma_wait3A_306 = tpu.memref_slice %arg9[%dma_wait3A_305] : memref<640xf32, #tpu.memory_space<vmem>> -> memref<640xf32, #tpu.memory_space<vmem>>
      tpu.wait_dma2 semaphore(%run_scoped3A : memref<!tpu.dma_semaphore, #tpu.memory_space<semaphore_mem>>) src(%dma_wait3A_306 : memref<640xf32, #tpu.memory_space<vmem>>) dst(%dma_wait3A_304 : memref<640xf32, #tpu.memory_space<vmem_shared>>)
      tpu.yield
    }) : () -> ()
    "tpu.region"() ({
      %run_scoped3A = tpu.sem_alloc : memref<!tpu.dma_semaphore, #tpu.memory_space<semaphore_mem>>
      %dma_start3A = arith.constant 0 : i32
      %dma_start3A_297 = tpu.memref_slice %arg9[%dma_start3A] : memref<640xf32, #tpu.memory_space<vmem>> -> memref<640xf32, #tpu.memory_space<vmem>>
      %dma_start3A_298 = tpu.memref_slice %arg11[%mul3A_288] : memref<10240xf32, #tpu.memory_space<vmem_shared>> -> memref<640xf32, #tpu.memory_space<vmem_shared>>
      %dma_start3A_299 = tpu.memref_slice %arg11[%mul3A_288] : memref<10240xf32, #tpu.memory_space<vmem_shared>> -> memref<640xf32, #tpu.memory_space<vmem_shared>>
      %dma_start3A_300 = arith.constant 0 : i32
      %dma_start3A_301 = tpu.memref_slice %arg9[%dma_start3A_300] : memref<640xf32, #tpu.memory_space<vmem>> -> memref<640xf32, #tpu.memory_space<vmem>>
      tpu.enqueue_dma source(%dma_start3A_301 : memref<640xf32, #tpu.memory_space<vmem>>) target(%dma_start3A_299 : memref<640xf32, #tpu.memory_space<vmem_shared>>) target_semaphore(%run_scoped3A : memref<!tpu.dma_semaphore, #tpu.memory_space<semaphore_mem>>)
      %dma_wait3A = arith.constant 0 : i32
      %dma_wait3A_302 = tpu.memref_slice %arg9[%dma_wait3A] : memref<640xf32, #tpu.memory_space<vmem>> -> memref<640xf32, #tpu.memory_space<vmem>>
      %dma_wait3A_303 = tpu.memref_slice %arg11[%mul3A_288] : memref<10240xf32, #tpu.memory_space<vmem_shared>> -> memref<640xf32, #tpu.memory_space<vmem_shared>>
      %dma_wait3A_304 = tpu.memref_slice %arg11[%mul3A_288] : memref<10240xf32, #tpu.memory_space<vmem_shared>> -> memref<640xf32, #tpu.memory_space<vmem_shared>>
      %dma_wait3A_305 = arith.constant 0 : i32
      %dma_wait3A_306 = tpu.memref_slice %arg9[%dma_wait3A_305] : memref<640xf32, #tpu.memory_space<vmem>> -> memref<640xf32, #tpu.memory_space<vmem>>
      tpu.wait_dma2 semaphore(%run_scoped3A : memref<!tpu.dma_semaphore, #tpu.memory_space<semaphore_mem>>) src(%dma_wait3A_306 : memref<640xf32, #tpu.memory_space<vmem>>) dst(%dma_wait3A_304 : memref<640xf32, #tpu.memory_space<vmem_shared>>)
      tpu.yield
    }) : () -> ()
    "tpu.region"() ({
      %run_scoped3A = tpu.sem_alloc : memref<!tpu.dma_semaphore, #tpu.memory_space<semaphore_mem>>
      %dma_start3A = arith.constant 0 : i32
      %dma_start3A_297 = arith.constant 0 : i32
      %dma_start3A_298 = tpu.memref_slice %arg2[%add3A, %dma_start3A, %dma_start3A_297] : memref<32x84x120xi32, #tpu.memory_space<hbm>> -> memref<1x84x120xi32, #tpu.memory_space<hbm>>
      %dma_start3A_299 = tpu.memref_squeeze %dma_start3A_298 : memref<1x84x120xi32, #tpu.memory_space<hbm>> -> memref<84x120xi32, #tpu.memory_space<hbm>>
      %dma_start3A_300 = arith.constant 0 : i32
      %dma_start3A_301 = arith.constant 0 : i32
      %dma_start3A_302 = tpu.memref_slice %arg2[%add3A, %dma_start3A_300, %dma_start3A_301] : memref<32x84x120xi32, #tpu.memory_space<hbm>> -> memref<1x84x120xi32, #tpu.memory_space<hbm>>
      %dma_start3A_303 = tpu.memref_squeeze %dma_start3A_302 : memref<1x84x120xi32, #tpu.memory_space<hbm>> -> memref<84x120xi32, #tpu.memory_space<hbm>>
      tpu.enqueue_dma source(%dma_start3A_303 : memref<84x120xi32, #tpu.memory_space<hbm>>) target(%arg6 : memref<84x120xi32, #tpu.memory_space<vmem>>) target_semaphore(%run_scoped3A : memref<!tpu.dma_semaphore, #tpu.memory_space<semaphore_mem>>)
      %dma_wait3A = arith.constant 0 : i32
      %dma_wait3A_304 = arith.constant 0 : i32
      %dma_wait3A_305 = tpu.memref_slice %arg2[%add3A, %dma_wait3A, %dma_wait3A_304] : memref<32x84x120xi32, #tpu.memory_space<hbm>> -> memref<1x84x120xi32, #tpu.memory_space<hbm>>
      %dma_wait3A_306 = tpu.memref_squeeze %dma_wait3A_305 : memref<1x84x120xi32, #tpu.memory_space<hbm>> -> memref<84x120xi32, #tpu.memory_space<hbm>>
      %dma_wait3A_307 = arith.constant 0 : i32
      %dma_wait3A_308 = arith.constant 0 : i32
      %dma_wait3A_309 = tpu.memref_slice %arg2[%add3A, %dma_wait3A_307, %dma_wait3A_308] : memref<32x84x120xi32, #tpu.memory_space<hbm>> -> memref<1x84x120xi32, #tpu.memory_space<hbm>>
      %dma_wait3A_310 = tpu.memref_squeeze %dma_wait3A_309 : memref<1x84x120xi32, #tpu.memory_space<hbm>> -> memref<84x120xi32, #tpu.memory_space<hbm>>
      tpu.wait_dma2 semaphore(%run_scoped3A : memref<!tpu.dma_semaphore, #tpu.memory_space<semaphore_mem>>) src(%dma_wait3A_310 : memref<84x120xi32, #tpu.memory_space<hbm>>) dst(%arg6 : memref<84x120xi32, #tpu.memory_space<vmem>>)
      tpu.yield
    }) : () -> ()
    "tpu.region"() ({
      %run_scoped3A = tpu.sem_alloc : memref<!tpu.dma_semaphore, #tpu.memory_space<semaphore_mem>>
      %dma_start3A = arith.constant 0 : i32
      %dma_start3A_297 = arith.constant 0 : i32
      %dma_start3A_298 = tpu.memref_slice %arg3[%add3A, %dma_start3A, %dma_start3A_297] : memref<32x84x120xi32, #tpu.memory_space<hbm>> -> memref<1x84x120xi32, #tpu.memory_space<hbm>>
      %dma_start3A_299 = tpu.memref_squeeze %dma_start3A_298 : memref<1x84x120xi32, #tpu.memory_space<hbm>> -> memref<84x120xi32, #tpu.memory_space<hbm>>
      %dma_start3A_300 = arith.constant 0 : i32
      %dma_start3A_301 = arith.constant 0 : i32
      %dma_start3A_302 = tpu.memref_slice %arg3[%add3A, %dma_start3A_300, %dma_start3A_301] : memref<32x84x120xi32, #tpu.memory_space<hbm>> -> memref<1x84x120xi32, #tpu.memory_space<hbm>>
      %dma_start3A_303 = tpu.memref_squeeze %dma_start3A_302 : memref<1x84x120xi32, #tpu.memory_space<hbm>> -> memref<84x120xi32, #tpu.memory_space<hbm>>
      tpu.enqueue_dma source(%dma_start3A_303 : memref<84x120xi32, #tpu.memory_space<hbm>>) target(%arg7 : memref<84x120xi32, #tpu.memory_space<vmem>>) target_semaphore(%run_scoped3A : memref<!tpu.dma_semaphore, #tpu.memory_space<semaphore_mem>>)
      %dma_wait3A = arith.constant 0 : i32
      %dma_wait3A_304 = arith.constant 0 : i32
      %dma_wait3A_305 = tpu.memref_slice %arg3[%add3A, %dma_wait3A, %dma_wait3A_304] : memref<32x84x120xi32, #tpu.memory_space<hbm>> -> memref<1x84x120xi32, #tpu.memory_space<hbm>>
      %dma_wait3A_306 = tpu.memref_squeeze %dma_wait3A_305 : memref<1x84x120xi32, #tpu.memory_space<hbm>> -> memref<84x120xi32, #tpu.memory_space<hbm>>
      %dma_wait3A_307 = arith.constant 0 : i32
      %dma_wait3A_308 = arith.constant 0 : i32
      %dma_wait3A_309 = tpu.memref_slice %arg3[%add3A, %dma_wait3A_307, %dma_wait3A_308] : memref<32x84x120xi32, #tpu.memory_space<hbm>> -> memref<1x84x120xi32, #tpu.memory_space<hbm>>
      %dma_wait3A_310 = tpu.memref_squeeze %dma_wait3A_309 : memref<1x84x120xi32, #tpu.memory_space<hbm>> -> memref<84x120xi32, #tpu.memory_space<hbm>>
      tpu.wait_dma2 semaphore(%run_scoped3A : memref<!tpu.dma_semaphore, #tpu.memory_space<semaphore_mem>>) src(%dma_wait3A_310 : memref<84x120xi32, #tpu.memory_space<hbm>>) dst(%arg7 : memref<84x120xi32, #tpu.memory_space<vmem>>)
      tpu.yield
    }) : () -> ()
    %barrier3A = arith.constant 0 : index
    tpu.barrier barrier_id(%barrier3A)
    %scan3A = arith.constant 0 : i32
    %scan3A_289 = arith.constant 84 : i32
    %scan3A_290 = arith.addi %scan3A, %scan3A_289 : i32
    %scan3A_291 = arith.constant 1 : i32
    scf.for %scan3A_297 = %scan3A to %scan3A_290 step %scan3A_291  : i32 {
      %mul3A_298 = arith.constant 1 : i32
      %mul3A_299 = arith.muli %scan3A_297, %mul3A_298 : i32
      %add3A_300 = arith.constant 0 : i32
      %add3A_301 = arith.addi %add3A_300, %mul3A_299 : i32
      "tpu.region"() ({
        %run_scoped3A = tpu.sem_alloc : memref<!tpu.dma_semaphore, #tpu.memory_space<semaphore_mem>>
        %dma_start3A = arith.constant 0 : i32
        %dma_start3A_302 = tpu.memref_slice %arg6[%add3A_301, %dma_start3A] : memref<84x120xi32, #tpu.memory_space<vmem>> -> memref<1x120xi32, #tpu.memory_space<vmem>>
        %dma_start3A_303 = tpu.memref_squeeze %dma_start3A_302 : memref<1x120xi32, #tpu.memory_space<vmem>> -> memref<120xi32, #tpu.memory_space<vmem>>
        %dma_start3A_304 = arith.constant 0 : i32
        %dma_start3A_305 = tpu.memref_slice %arg10[%dma_start3A_304] : memref<10240xf32, #tpu.memory_space<vmem_shared>> -> memref<10240xf32, #tpu.memory_space<vmem_shared>>
        tpu.enqueue_indirect_dma source(%arg8 : memref<120xf32, #tpu.memory_space<vmem>>) target(%dma_start3A_305 : memref<10240xf32, #tpu.memory_space<vmem_shared>>) offsets(%dma_start3A_303 : memref<120xi32, #tpu.memory_space<vmem>>) semaphore(%run_scoped3A : memref<!tpu.dma_semaphore, #tpu.memory_space<semaphore_mem>>) {add = true}
        %dma_wait3A = arith.constant 0 : i32
        %dma_wait3A_306 = tpu.memref_slice %arg6[%add3A_301, %dma_wait3A] : memref<84x120xi32, #tpu.memory_space<vmem>> -> memref<1x120xi32, #tpu.memory_space<vmem>>
        %dma_wait3A_307 = tpu.memref_squeeze %dma_wait3A_306 : memref<1x120xi32, #tpu.memory_space<vmem>> -> memref<120xi32, #tpu.memory_space<vmem>>
        %dma_wait3A_308 = arith.constant 0 : i32
        %dma_wait3A_309 = tpu.memref_slice %arg10[%dma_wait3A_308] : memref<10240xf32, #tpu.memory_space<vmem_shared>> -> memref<10240xf32, #tpu.memory_space<vmem_shared>>
        tpu.wait_indirect_dma semaphore(%run_scoped3A : memref<!tpu.dma_semaphore, #tpu.memory_space<semaphore_mem>>) src(%arg8 : memref<120xf32, #tpu.memory_space<vmem>>) dst(%dma_wait3A_309 : memref<10240xf32, #tpu.memory_space<vmem_shared>>)
        tpu.yield
      }) : () -> ()
      "tpu.region"() ({
        %run_scoped3A = tpu.sem_alloc : memref<!tpu.dma_semaphore, #tpu.memory_space<semaphore_mem>>
        %dma_start3A = arith.constant 0 : i32
        %dma_start3A_302 = tpu.memref_slice %arg7[%add3A_301, %dma_start3A] : memref<84x120xi32, #tpu.memory_space<vmem>> -> memref<1x120xi32, #tpu.memory_space<vmem>>
        %dma_start3A_303 = tpu.memref_squeeze %dma_start3A_302 : memref<1x120xi32, #tpu.memory_space<vmem>> -> memref<120xi32, #tpu.memory_space<vmem>>
        %dma_start3A_304 = arith.constant 0 : i32
        %dma_start3A_305 = tpu.memref_slice %arg11[%dma_start3A_304] : memref<10240xf32, #tpu.memory_space<vmem_shared>> -> memref<10240xf32, #tpu.memory_space<vmem_shared>>
        tpu.enqueue_indirect_dma source(%arg8 : memref<120xf32, #tpu.memory_space<vmem>>) target(%dma_start3A_305 : memref<10240xf32, #tpu.memory_space<vmem_shared>>) offsets(%dma_start3A_303 : memref<120xi32, #tpu.memory_space<vmem>>) semaphore(%run_scoped3A : memref<!tpu.dma_semaphore, #tpu.memory_space<semaphore_mem>>) {add = true}
        %dma_wait3A = arith.constant 0 : i32
        %dma_wait3A_306 = tpu.memref_slice %arg7[%add3A_301, %dma_wait3A] : memref<84x120xi32, #tpu.memory_space<vmem>> -> memref<1x120xi32, #tpu.memory_space<vmem>>
        %dma_wait3A_307 = tpu.memref_squeeze %dma_wait3A_306 : memref<1x120xi32, #tpu.memory_space<vmem>> -> memref<120xi32, #tpu.memory_space<vmem>>
        %dma_wait3A_308 = arith.constant 0 : i32
        %dma_wait3A_309 = tpu.memref_slice %arg11[%dma_wait3A_308] : memref<10240xf32, #tpu.memory_space<vmem_shared>> -> memref<10240xf32, #tpu.memory_space<vmem_shared>>
        tpu.wait_indirect_dma semaphore(%run_scoped3A : memref<!tpu.dma_semaphore, #tpu.memory_space<semaphore_mem>>) src(%arg8 : memref<120xf32, #tpu.memory_space<vmem>>) dst(%dma_wait3A_309 : memref<10240xf32, #tpu.memory_space<vmem_shared>>)
        tpu.yield
      }) : () -> ()
    }
    %scan3A_292 = arith.constant 84 : i32
    %barrier3A_293 = arith.constant 0 : index
    tpu.barrier barrier_id(%barrier3A_293)
    %mul3A_294 = arith.constant 10240 : i32
    %mul3A_295 = arith.muli %arg0, %mul3A_294 : i32
    %add3A_296 = arith.addi %mul3A_295, %mul3A_288 : i32
    "tpu.region"() ({
      %run_scoped3A = tpu.sem_alloc : memref<!tpu.dma_semaphore, #tpu.memory_space<semaphore_mem>>
      %dma_start3A = arith.constant 0 : i32
      %dma_start3A_297 = tpu.memref_slice %arg9[%dma_start3A] : memref<640xf32, #tpu.memory_space<vmem>> -> memref<640xf32, #tpu.memory_space<vmem>>
      %dma_start3A_298 = tpu.memref_slice %arg10[%mul3A_288] : memref<10240xf32, #tpu.memory_space<vmem_shared>> -> memref<640xf32, #tpu.memory_space<vmem_shared>>
      %dma_start3A_299 = arith.constant 0 : i32
      %dma_start3A_300 = tpu.memref_slice %arg9[%dma_start3A_299] : memref<640xf32, #tpu.memory_space<vmem>> -> memref<640xf32, #tpu.memory_space<vmem>>
      %dma_start3A_301 = tpu.memref_slice %arg10[%mul3A_288] : memref<10240xf32, #tpu.memory_space<vmem_shared>> -> memref<640xf32, #tpu.memory_space<vmem_shared>>
      tpu.enqueue_dma source(%dma_start3A_301 : memref<640xf32, #tpu.memory_space<vmem_shared>>) target(%dma_start3A_300 : memref<640xf32, #tpu.memory_space<vmem>>) target_semaphore(%run_scoped3A : memref<!tpu.dma_semaphore, #tpu.memory_space<semaphore_mem>>)
      %dma_wait3A = arith.constant 0 : i32
      %dma_wait3A_302 = tpu.memref_slice %arg9[%dma_wait3A] : memref<640xf32, #tpu.memory_space<vmem>> -> memref<640xf32, #tpu.memory_space<vmem>>
      %dma_wait3A_303 = tpu.memref_slice %arg10[%mul3A_288] : memref<10240xf32, #tpu.memory_space<vmem_shared>> -> memref<640xf32, #tpu.memory_space<vmem_shared>>
      %dma_wait3A_304 = arith.constant 0 : i32
      %dma_wait3A_305 = tpu.memref_slice %arg9[%dma_wait3A_304] : memref<640xf32, #tpu.memory_space<vmem>> -> memref<640xf32, #tpu.memory_space<vmem>>
      %dma_wait3A_306 = tpu.memref_slice %arg10[%mul3A_288] : memref<10240xf32, #tpu.memory_space<vmem_shared>> -> memref<640xf32, #tpu.memory_space<vmem_shared>>
      tpu.wait_dma2 semaphore(%run_scoped3A : memref<!tpu.dma_semaphore, #tpu.memory_space<semaphore_mem>>) src(%dma_wait3A_306 : memref<640xf32, #tpu.memory_space<vmem_shared>>) dst(%dma_wait3A_305 : memref<640xf32, #tpu.memory_space<vmem>>)
      tpu.yield
    }) : () -> ()
    "tpu.region"() ({
      %run_scoped3A = tpu.sem_alloc : memref<!tpu.dma_semaphore, #tpu.memory_space<semaphore_mem>>
      %dma_start3A = arith.constant 0 : i32
      %dma_start3A_297 = tpu.memref_slice %arg9[%dma_start3A] : memref<640xf32, #tpu.memory_space<vmem>> -> memref<640xf32, #tpu.memory_space<vmem>>
      %dma_start3A_298 = tpu.memref_slice %arg4[%add3A_296] : memref<20480xf32, #tpu.memory_space<hbm>> -> memref<640xf32, #tpu.memory_space<hbm>>
      %dma_start3A_299 = tpu.memref_slice %arg4[%add3A_296] : memref<20480xf32, #tpu.memory_space<hbm>> -> memref<640xf32, #tpu.memory_space<hbm>>
      %dma_start3A_300 = arith.constant 0 : i32
      %dma_start3A_301 = tpu.memref_slice %arg9[%dma_start3A_300] : memref<640xf32, #tpu.memory_space<vmem>> -> memref<640xf32, #tpu.memory_space<vmem>>
      tpu.enqueue_dma source(%dma_start3A_301 : memref<640xf32, #tpu.memory_space<vmem>>) target(%dma_start3A_299 : memref<640xf32, #tpu.memory_space<hbm>>) target_semaphore(%run_scoped3A : memref<!tpu.dma_semaphore, #tpu.memory_space<semaphore_mem>>)
      %dma_wait3A = arith.constant 0 : i32
      %dma_wait3A_302 = tpu.memref_slice %arg9[%dma_wait3A] : memref<640xf32, #tpu.memory_space<vmem>> -> memref<640xf32, #tpu.memory_space<vmem>>
      %dma_wait3A_303 = tpu.memref_slice %arg4[%add3A_296] : memref<20480xf32, #tpu.memory_space<hbm>> -> memref<640xf32, #tpu.memory_space<hbm>>
      %dma_wait3A_304 = tpu.memref_slice %arg4[%add3A_296] : memref<20480xf32, #tpu.memory_space<hbm>> -> memref<640xf32, #tpu.memory_space<hbm>>
      %dma_wait3A_305 = arith.constant 0 : i32
      %dma_wait3A_306 = tpu.memref_slice %arg9[%dma_wait3A_305] : memref<640xf32, #tpu.memory_space<vmem>> -> memref<640xf32, #tpu.memory_space<vmem>>
      tpu.wait_dma2 semaphore(%run_scoped3A : memref<!tpu.dma_semaphore, #tpu.memory_space<semaphore_mem>>) src(%dma_wait3A_306 : memref<640xf32, #tpu.memory_space<vmem>>) dst(%dma_wait3A_304 : memref<640xf32, #tpu.memory_space<hbm>>)
      tpu.yield
    }) : () -> ()
    "tpu.region"() ({
      %run_scoped3A = tpu.sem_alloc : memref<!tpu.dma_semaphore, #tpu.memory_space<semaphore_mem>>
      %dma_start3A = arith.constant 0 : i32
      %dma_start3A_297 = tpu.memref_slice %arg9[%dma_start3A] : memref<640xf32, #tpu.memory_space<vmem>> -> memref<640xf32, #tpu.memory_space<vmem>>
      %dma_start3A_298 = tpu.memref_slice %arg11[%mul3A_288] : memref<10240xf32, #tpu.memory_space<vmem_shared>> -> memref<640xf32, #tpu.memory_space<vmem_shared>>
      %dma_start3A_299 = arith.constant 0 : i32
      %dma_start3A_300 = tpu.memref_slice %arg9[%dma_start3A_299] : memref<640xf32, #tpu.memory_space<vmem>> -> memref<640xf32, #tpu.memory_space<vmem>>
      %dma_start3A_301 = tpu.memref_slice %arg11[%mul3A_288] : memref<10240xf32, #tpu.memory_space<vmem_shared>> -> memref<640xf32, #tpu.memory_space<vmem_shared>>
      tpu.enqueue_dma source(%dma_start3A_301 : memref<640xf32, #tpu.memory_space<vmem_shared>>) target(%dma_start3A_300 : memref<640xf32, #tpu.memory_space<vmem>>) target_semaphore(%run_scoped3A : memref<!tpu.dma_semaphore, #tpu.memory_space<semaphore_mem>>)
      %dma_wait3A = arith.constant 0 : i32
      %dma_wait3A_302 = tpu.memref_slice %arg9[%dma_wait3A] : memref<640xf32, #tpu.memory_space<vmem>> -> memref<640xf32, #tpu.memory_space<vmem>>
      %dma_wait3A_303 = tpu.memref_slice %arg11[%mul3A_288] : memref<10240xf32, #tpu.memory_space<vmem_shared>> -> memref<640xf32, #tpu.memory_space<vmem_shared>>
      %dma_wait3A_304 = arith.constant 0 : i32
      %dma_wait3A_305 = tpu.memref_slice %arg9[%dma_wait3A_304] : memref<640xf32, #tpu.memory_space<vmem>> -> memref<640xf32, #tpu.memory_space<vmem>>
      %dma_wait3A_306 = tpu.memref_slice %arg11[%mul3A_288] : memref<10240xf32, #tpu.memory_space<vmem_shared>> -> memref<640xf32, #tpu.memory_space<vmem_shared>>
      tpu.wait_dma2 semaphore(%run_scoped3A : memref<!tpu.dma_semaphore, #tpu.memory_space<semaphore_mem>>) src(%dma_wait3A_306 : memref<640xf32, #tpu.memory_space<vmem_shared>>) dst(%dma_wait3A_305 : memref<640xf32, #tpu.memory_space<vmem>>)
      tpu.yield
    }) : () -> ()
    "tpu.region"() ({
      %run_scoped3A = tpu.sem_alloc : memref<!tpu.dma_semaphore, #tpu.memory_space<semaphore_mem>>
      %dma_start3A = arith.constant 0 : i32
      %dma_start3A_297 = tpu.memref_slice %arg9[%dma_start3A] : memref<640xf32, #tpu.memory_space<vmem>> -> memref<640xf32, #tpu.memory_space<vmem>>
      %dma_start3A_298 = tpu.memref_slice %arg5[%add3A_296] : memref<20480xf32, #tpu.memory_space<hbm>> -> memref<640xf32, #tpu.memory_space<hbm>>
      %dma_start3A_299 = tpu.memref_slice %arg5[%add3A_296] : memref<20480xf32, #tpu.memory_space<hbm>> -> memref<640xf32, #tpu.memory_space<hbm>>
      %dma_start3A_300 = arith.constant 0 : i32
      %dma_start3A_301 = tpu.memref_slice %arg9[%dma_start3A_300] : memref<640xf32, #tpu.memory_space<vmem>> -> memref<640xf32, #tpu.memory_space<vmem>>
      tpu.enqueue_dma source(%dma_start3A_301 : memref<640xf32, #tpu.memory_space<vmem>>) target(%dma_start3A_299 : memref<640xf32, #tpu.memory_space<hbm>>) target_semaphore(%run_scoped3A : memref<!tpu.dma_semaphore, #tpu.memory_space<semaphore_mem>>)
      %dma_wait3A = arith.constant 0 : i32
      %dma_wait3A_302 = tpu.memref_slice %arg9[%dma_wait3A] : memref<640xf32, #tpu.memory_space<vmem>> -> memref<640xf32, #tpu.memory_space<vmem>>
      %dma_wait3A_303 = tpu.memref_slice %arg5[%add3A_296] : memref<20480xf32, #tpu.memory_space<hbm>> -> memref<640xf32, #tpu.memory_space<hbm>>
      %dma_wait3A_304 = tpu.memref_slice %arg5[%add3A_296] : memref<20480xf32, #tpu.memory_space<hbm>> -> memref<640xf32, #tpu.memory_space<hbm>>
      %dma_wait3A_305 = arith.constant 0 : i32
      %dma_wait3A_306 = tpu.memref_slice %arg9[%dma_wait3A_305] : memref<640xf32, #tpu.memory_space<vmem>> -> memref<640xf32, #tpu.memory_space<vmem>>
      tpu.wait_dma2 semaphore(%run_scoped3A : memref<!tpu.dma_semaphore, #tpu.memory_space<semaphore_mem>>) src(%dma_wait3A_306 : memref<640xf32, #tpu.memory_space<vmem>>) dst(%dma_wait3A_304 : memref<640xf32, #tpu.memory_space<hbm>>)
      tpu.yield
    }) : () -> ()
    return
  }
}

#map = affine_map<(d0, d1) -> (0, 0)>
#map1 = affine_map<(d0, d1) -> (0, 0, 0)>
module attributes {stable_mosaic.version = 14 : i64} {
  func.func @_sc_segsum_body(%arg0: i32, %arg1: i32, %arg2: memref<10240x128xf32, #tpu.memory_space<hbm>>, %arg3: memref<32x84x120xi32, #tpu.memory_space<hbm>>, %arg4: memref<32x84x120xi32, #tpu.memory_space<hbm>>, %arg5: memref<2x10240x128xf32, #tpu.memory_space<hbm>>, %arg6: memref<120xi32, #tpu.memory_space<vmem>>, %arg7: memref<120xi32, #tpu.memory_space<vmem>>, %arg8: memref<120xi32, #tpu.memory_space<vmem>>, %arg9: memref<120xi32, #tpu.memory_space<vmem>>, %arg10: memref<120xi32, #tpu.memory_space<vmem>>, %arg11: memref<120xi32, #tpu.memory_space<vmem>>, %arg12: memref<120x128xf32, #tpu.memory_space<vmem>>, %arg13: memref<120x128xf32, #tpu.memory_space<vmem>>, %arg14: memref<120x128xf32, #tpu.memory_space<vmem>>, %arg15: memref<10240x128xf32, #tpu.memory_space<vmem_shared>>, %arg16: memref<!tpu.dma_semaphore, #tpu.memory_space<semaphore_mem>>, %arg17: memref<!tpu.dma_semaphore, #tpu.memory_space<semaphore_mem>>, %arg18: memref<!tpu.dma_semaphore, #tpu.memory_space<semaphore_mem>>, %arg19: memref<!tpu.dma_semaphore, #tpu.memory_space<semaphore_mem>>, %arg20: memref<!tpu.dma_semaphore, #tpu.memory_space<semaphore_mem>>, %arg21: memref<!tpu.dma_semaphore, #tpu.memory_space<semaphore_mem>>, %arg22: memref<!tpu.dma_semaphore, #tpu.memory_space<semaphore_mem>>, %arg23: memref<!tpu.dma_semaphore, #tpu.memory_space<semaphore_mem>>, %arg24: memref<!tpu.dma_semaphore, #tpu.memory_space<semaphore_mem>>, %arg25: memref<!tpu.dma_semaphore, #tpu.memory_space<semaphore_mem>>, %arg26: memref<!tpu.dma_semaphore, #tpu.memory_space<semaphore_mem>>, %arg27: memref<!tpu.dma_semaphore, #tpu.memory_space<semaphore_mem>>) attributes {dimension_semantics = [#tpu.dimension_semantics<core_parallel>, #tpu.dimension_semantics<subcore_parallel>], iteration_bounds = array<i64: 2, 16>, scalar_prefetch = 0 : i64, scratch_operands = 22 : i64, tpu.core_type = #tpu.core_type<sc_vector_subcore>, window_params = [{transform_indices = #map}, {transform_indices = #map1}, {transform_indices = #map1}, {transform_indices = #map1}]} {
    %mul3A = arith.constant 2 : i32
    %mul3A_0 = arith.muli %arg1, %mul3A : i32
    %add3A = arith.addi %mul3A_0, %arg0 : i32
    %scan3A = arith.constant 0 : i32
    %scan3A_1 = arith.constant 120 : i32
    %scan3A_2 = arith.addi %scan3A, %scan3A_1 : i32
    %scan3A_3 = arith.constant 1 : i32
    scf.for %scan3A_81 = %scan3A to %scan3A_2 step %scan3A_3  : i32 {
      %mul3A_82 = arith.constant 1 : i32
      %mul3A_83 = arith.muli %scan3A_81, %mul3A_82 : i32
      %add3A_84 = arith.constant 0 : i32
      %add3A_85 = arith.addi %add3A_84, %mul3A_83 : i32
      %broadcast_in_dim3A = arith.constant 0.000000e+00 : f32
      %broadcast_in_dim3A_86 = vector.broadcast %broadcast_in_dim3A : f32 to vector<16xf32>
      %swap3A = arith.index_cast %add3A_85 : i32 to index
      %swap3A_87 = arith.constant 0 : index
      %swap3A_88 = tpu.vector_load %arg12[%swap3A, %swap3A_87] {strides = array<i32>} : memref<120x128xf32, #tpu.memory_space<vmem>>, vector<1x16xf32>,
      %swap3A_89 = vector.shape_cast %swap3A_88 : vector<1x16xf32> to vector<16xf32>
      %swap3A_90 = vector.shape_cast %broadcast_in_dim3A_86 : vector<16xf32> to vector<1x16xf32>
      tpu.vector_store %arg12[%swap3A, %swap3A_87], %swap3A_90 {strides = array<i32>} : memref<120x128xf32, #tpu.memory_space<vmem>>, vector<1x16xf32>,
      %broadcast_in_dim3A_91 = arith.constant 0.000000e+00 : f32
      %broadcast_in_dim3A_92 = vector.broadcast %broadcast_in_dim3A_91 : f32 to vector<16xf32>
      %swap3A_93 = arith.index_cast %add3A_85 : i32 to index
      %swap3A_94 = arith.constant 16 : index
      %swap3A_95 = tpu.vector_load %arg12[%swap3A_93, %swap3A_94] {strides = array<i32>} : memref<120x128xf32, #tpu.memory_space<vmem>>, vector<1x16xf32>,
      %swap3A_96 = vector.shape_cast %swap3A_95 : vector<1x16xf32> to vector<16xf32>
      %swap3A_97 = vector.shape_cast %broadcast_in_dim3A_92 : vector<16xf32> to vector<1x16xf32>
      tpu.vector_store %arg12[%swap3A_93, %swap3A_94], %swap3A_97 {strides = array<i32>} : memref<120x128xf32, #tpu.memory_space<vmem>>, vector<1x16xf32>,
      %broadcast_in_dim3A_98 = arith.constant 0.000000e+00 : f32
      %broadcast_in_dim3A_99 = vector.broadcast %broadcast_in_dim3A_98 : f32 to vector<16xf32>
      %swap3A_100 = arith.index_cast %add3A_85 : i32 to index
      %swap3A_101 = arith.constant 32 : index
      %swap3A_102 = tpu.vector_load %arg12[%swap3A_100, %swap3A_101] {strides = array<i32>} : memref<120x128xf32, #tpu.memory_space<vmem>>, vector<1x16xf32>,
      %swap3A_103 = vector.shape_cast %swap3A_102 : vector<1x16xf32> to vector<16xf32>
      %swap3A_104 = vector.shape_cast %broadcast_in_dim3A_99 : vector<16xf32> to vector<1x16xf32>
      tpu.vector_store %arg12[%swap3A_100, %swap3A_101], %swap3A_104 {strides = array<i32>} : memref<120x128xf32, #tpu.memory_space<vmem>>, vector<1x16xf32>,
      %broadcast_in_dim3A_105 = arith.constant 0.000000e+00 : f32
      %broadcast_in_dim3A_106 = vector.broadcast %broadcast_in_dim3A_105 : f32 to vector<16xf32>
      %swap3A_107 = arith.index_cast %add3A_85 : i32 to index
      %swap3A_108 = arith.constant 48 : index
      %swap3A_109 = tpu.vector_load %arg12[%swap3A_107, %swap3A_108] {strides = array<i32>} : memref<120x128xf32, #tpu.memory_space<vmem>>, vector<1x16xf32>,
      %swap3A_110 = vector.shape_cast %swap3A_109 : vector<1x16xf32> to vector<16xf32>
      %swap3A_111 = vector.shape_cast %broadcast_in_dim3A_106 : vector<16xf32> to vector<1x16xf32>
      tpu.vector_store %arg12[%swap3A_107, %swap3A_108], %swap3A_111 {strides = array<i32>} : memref<120x128xf32, #tpu.memory_space<vmem>>, vector<1x16xf32>,
      %broadcast_in_dim3A_112 = arith.constant 0.000000e+00 : f32
      %broadcast_in_dim3A_113 = vector.broadcast %broadcast_in_dim3A_112 : f32 to vector<16xf32>
      %swap3A_114 = arith.index_cast %add3A_85 : i32 to index
      %swap3A_115 = arith.constant 64 : index
      %swap3A_116 = tpu.vector_load %arg12[%swap3A_114, %swap3A_115] {strides = array<i32>} : memref<120x128xf32, #tpu.memory_space<vmem>>, vector<1x16xf32>,
      %swap3A_117 = vector.shape_cast %swap3A_116 : vector<1x16xf32> to vector<16xf32>
      %swap3A_118 = vector.shape_cast %broadcast_in_dim3A_113 : vector<16xf32> to vector<1x16xf32>
      tpu.vector_store %arg12[%swap3A_114, %swap3A_115], %swap3A_118 {strides = array<i32>} : memref<120x128xf32, #tpu.memory_space<vmem>>, vector<1x16xf32>,
      %broadcast_in_dim3A_119 = arith.constant 0.000000e+00 : f32
      %broadcast_in_dim3A_120 = vector.broadcast %broadcast_in_dim3A_119 : f32 to vector<16xf32>
      %swap3A_121 = arith.index_cast %add3A_85 : i32 to index
      %swap3A_122 = arith.constant 80 : index
      %swap3A_123 = tpu.vector_load %arg12[%swap3A_121, %swap3A_122] {strides = array<i32>} : memref<120x128xf32, #tpu.memory_space<vmem>>, vector<1x16xf32>,
      %swap3A_124 = vector.shape_cast %swap3A_123 : vector<1x16xf32> to vector<16xf32>
      %swap3A_125 = vector.shape_cast %broadcast_in_dim3A_120 : vector<16xf32> to vector<1x16xf32>
      tpu.vector_store %arg12[%swap3A_121, %swap3A_122], %swap3A_125 {strides = array<i32>} : memref<120x128xf32, #tpu.memory_space<vmem>>, vector<1x16xf32>,
      %broadcast_in_dim3A_126 = arith.constant 0.000000e+00 : f32
      %broadcast_in_dim3A_127 = vector.broadcast %broadcast_in_dim3A_126 : f32 to vector<16xf32>
      %swap3A_128 = arith.index_cast %add3A_85 : i32 to index
      %swap3A_129 = arith.constant 96 : index
      %swap3A_130 = tpu.vector_load %arg12[%swap3A_128, %swap3A_129] {strides = array<i32>} : memref<120x128xf32, #tpu.memory_space<vmem>>, vector<1x16xf32>,
      %swap3A_131 = vector.shape_cast %swap3A_130 : vector<1x16xf32> to vector<16xf32>
      %swap3A_132 = vector.shape_cast %broadcast_in_dim3A_127 : vector<16xf32> to vector<1x16xf32>
      tpu.vector_store %arg12[%swap3A_128, %swap3A_129], %swap3A_132 {strides = array<i32>} : memref<120x128xf32, #tpu.memory_space<vmem>>, vector<1x16xf32>,
      %broadcast_in_dim3A_133 = arith.constant 0.000000e+00 : f32
      %broadcast_in_dim3A_134 = vector.broadcast %broadcast_in_dim3A_133 : f32 to vector<16xf32>
      %swap3A_135 = arith.index_cast %add3A_85 : i32 to index
      %swap3A_136 = arith.constant 112 : index
      %swap3A_137 = tpu.vector_load %arg12[%swap3A_135, %swap3A_136] {strides = array<i32>} : memref<120x128xf32, #tpu.memory_space<vmem>>, vector<1x16xf32>,
      %swap3A_138 = vector.shape_cast %swap3A_137 : vector<1x16xf32> to vector<16xf32>
      %swap3A_139 = vector.shape_cast %broadcast_in_dim3A_134 : vector<16xf32> to vector<1x16xf32>
      tpu.vector_store %arg12[%swap3A_135, %swap3A_136], %swap3A_139 {strides = array<i32>} : memref<120x128xf32, #tpu.memory_space<vmem>>, vector<1x16xf32>,
    }
    %scan3A_4 = arith.constant 120 : i32
    %mul3A_5 = arith.constant 640 : i32
    %mul3A_6 = arith.muli %arg1, %mul3A_5 : i32
    %add3A_7 = arith.constant 0 : i32
    %add3A_8 = arith.addi %mul3A_6, %add3A_7 : i32
    "tpu.region"() ({
      %run_scoped3A = tpu.sem_alloc : memref<!tpu.dma_semaphore, #tpu.memory_space<semaphore_mem>>
      %dma_start3A_81 = arith.constant 0 : i32
      %dma_start3A_82 = tpu.memref_slice %arg15[%add3A_8, %dma_start3A_81] : memref<10240x128xf32, #tpu.memory_space<vmem_shared>> -> memref<120x128xf32, #tpu.memory_space<vmem_shared>>
      %dma_start3A_83 = arith.constant 0 : i32
      %dma_start3A_84 = tpu.memref_slice %arg15[%add3A_8, %dma_start3A_83] : memref<10240x128xf32, #tpu.memory_space<vmem_shared>> -> memref<120x128xf32, #tpu.memory_space<vmem_shared>>
      tpu.enqueue_dma source(%arg12 : memref<120x128xf32, #tpu.memory_space<vmem>>) target(%dma_start3A_84 : memref<120x128xf32, #tpu.memory_space<vmem_shared>>) target_semaphore(%run_scoped3A : memref<!tpu.dma_semaphore, #tpu.memory_space<semaphore_mem>>)
      %dma_wait3A_85 = arith.constant 0 : i32
      %dma_wait3A_86 = tpu.memref_slice %arg15[%add3A_8, %dma_wait3A_85] : memref<10240x128xf32, #tpu.memory_space<vmem_shared>> -> memref<120x128xf32, #tpu.memory_space<vmem_shared>>
      %dma_wait3A_87 = arith.constant 0 : i32
      %dma_wait3A_88 = tpu.memref_slice %arg15[%add3A_8, %dma_wait3A_87] : memref<10240x128xf32, #tpu.memory_space<vmem_shared>> -> memref<120x128xf32, #tpu.memory_space<vmem_shared>>
      tpu.wait_dma2 semaphore(%run_scoped3A : memref<!tpu.dma_semaphore, #tpu.memory_space<semaphore_mem>>) src(%arg12 : memref<120x128xf32, #tpu.memory_space<vmem>>) dst(%dma_wait3A_88 : memref<120x128xf32, #tpu.memory_space<vmem_shared>>)
      tpu.yield
    }) : () -> ()
    %add3A_9 = arith.constant 120 : i32
    %add3A_10 = arith.addi %mul3A_6, %add3A_9 : i32
    "tpu.region"() ({
      %run_scoped3A = tpu.sem_alloc : memref<!tpu.dma_semaphore, #tpu.memory_space<semaphore_mem>>
      %dma_start3A_81 = arith.constant 0 : i32
      %dma_start3A_82 = tpu.memref_slice %arg15[%add3A_10, %dma_start3A_81] : memref<10240x128xf32, #tpu.memory_space<vmem_shared>> -> memref<120x128xf32, #tpu.memory_space<vmem_shared>>
      %dma_start3A_83 = arith.constant 0 : i32
      %dma_start3A_84 = tpu.memref_slice %arg15[%add3A_10, %dma_start3A_83] : memref<10240x128xf32, #tpu.memory_space<vmem_shared>> -> memref<120x128xf32, #tpu.memory_space<vmem_shared>>
      tpu.enqueue_dma source(%arg12 : memref<120x128xf32, #tpu.memory_space<vmem>>) target(%dma_start3A_84 : memref<120x128xf32, #tpu.memory_space<vmem_shared>>) target_semaphore(%run_scoped3A : memref<!tpu.dma_semaphore, #tpu.memory_space<semaphore_mem>>)
      %dma_wait3A_85 = arith.constant 0 : i32
      %dma_wait3A_86 = tpu.memref_slice %arg15[%add3A_10, %dma_wait3A_85] : memref<10240x128xf32, #tpu.memory_space<vmem_shared>> -> memref<120x128xf32, #tpu.memory_space<vmem_shared>>
      %dma_wait3A_87 = arith.constant 0 : i32
      %dma_wait3A_88 = tpu.memref_slice %arg15[%add3A_10, %dma_wait3A_87] : memref<10240x128xf32, #tpu.memory_space<vmem_shared>> -> memref<120x128xf32, #tpu.memory_space<vmem_shared>>
      tpu.wait_dma2 semaphore(%run_scoped3A : memref<!tpu.dma_semaphore, #tpu.memory_space<semaphore_mem>>) src(%arg12 : memref<120x128xf32, #tpu.memory_space<vmem>>) dst(%dma_wait3A_88 : memref<120x128xf32, #tpu.memory_space<vmem_shared>>)
      tpu.yield
    }) : () -> ()
    %add3A_11 = arith.constant 240 : i32
    %add3A_12 = arith.addi %mul3A_6, %add3A_11 : i32
    "tpu.region"() ({
      %run_scoped3A = tpu.sem_alloc : memref<!tpu.dma_semaphore, #tpu.memory_space<semaphore_mem>>
      %dma_start3A_81 = arith.constant 0 : i32
      %dma_start3A_82 = tpu.memref_slice %arg15[%add3A_12, %dma_start3A_81] : memref<10240x128xf32, #tpu.memory_space<vmem_shared>> -> memref<120x128xf32, #tpu.memory_space<vmem_shared>>
      %dma_start3A_83 = arith.constant 0 : i32
      %dma_start3A_84 = tpu.memref_slice %arg15[%add3A_12, %dma_start3A_83] : memref<10240x128xf32, #tpu.memory_space<vmem_shared>> -> memref<120x128xf32, #tpu.memory_space<vmem_shared>>
      tpu.enqueue_dma source(%arg12 : memref<120x128xf32, #tpu.memory_space<vmem>>) target(%dma_start3A_84 : memref<120x128xf32, #tpu.memory_space<vmem_shared>>) target_semaphore(%run_scoped3A : memref<!tpu.dma_semaphore, #tpu.memory_space<semaphore_mem>>)
      %dma_wait3A_85 = arith.constant 0 : i32
      %dma_wait3A_86 = tpu.memref_slice %arg15[%add3A_12, %dma_wait3A_85] : memref<10240x128xf32, #tpu.memory_space<vmem_shared>> -> memref<120x128xf32, #tpu.memory_space<vmem_shared>>
      %dma_wait3A_87 = arith.constant 0 : i32
      %dma_wait3A_88 = tpu.memref_slice %arg15[%add3A_12, %dma_wait3A_87] : memref<10240x128xf32, #tpu.memory_space<vmem_shared>> -> memref<120x128xf32, #tpu.memory_space<vmem_shared>>
      tpu.wait_dma2 semaphore(%run_scoped3A : memref<!tpu.dma_semaphore, #tpu.memory_space<semaphore_mem>>) src(%arg12 : memref<120x128xf32, #tpu.memory_space<vmem>>) dst(%dma_wait3A_88 : memref<120x128xf32, #tpu.memory_space<vmem_shared>>)
      tpu.yield
    }) : () -> ()
    %add3A_13 = arith.constant 360 : i32
    %add3A_14 = arith.addi %mul3A_6, %add3A_13 : i32
    "tpu.region"() ({
      %run_scoped3A = tpu.sem_alloc : memref<!tpu.dma_semaphore, #tpu.memory_space<semaphore_mem>>
      %dma_start3A_81 = arith.constant 0 : i32
      %dma_start3A_82 = tpu.memref_slice %arg15[%add3A_14, %dma_start3A_81] : memref<10240x128xf32, #tpu.memory_space<vmem_shared>> -> memref<120x128xf32, #tpu.memory_space<vmem_shared>>
      %dma_start3A_83 = arith.constant 0 : i32
      %dma_start3A_84 = tpu.memref_slice %arg15[%add3A_14, %dma_start3A_83] : memref<10240x128xf32, #tpu.memory_space<vmem_shared>> -> memref<120x128xf32, #tpu.memory_space<vmem_shared>>
      tpu.enqueue_dma source(%arg12 : memref<120x128xf32, #tpu.memory_space<vmem>>) target(%dma_start3A_84 : memref<120x128xf32, #tpu.memory_space<vmem_shared>>) target_semaphore(%run_scoped3A : memref<!tpu.dma_semaphore, #tpu.memory_space<semaphore_mem>>)
      %dma_wait3A_85 = arith.constant 0 : i32
      %dma_wait3A_86 = tpu.memref_slice %arg15[%add3A_14, %dma_wait3A_85] : memref<10240x128xf32, #tpu.memory_space<vmem_shared>> -> memref<120x128xf32, #tpu.memory_space<vmem_shared>>
      %dma_wait3A_87 = arith.constant 0 : i32
      %dma_wait3A_88 = tpu.memref_slice %arg15[%add3A_14, %dma_wait3A_87] : memref<10240x128xf32, #tpu.memory_space<vmem_shared>> -> memref<120x128xf32, #tpu.memory_space<vmem_shared>>
      tpu.wait_dma2 semaphore(%run_scoped3A : memref<!tpu.dma_semaphore, #tpu.memory_space<semaphore_mem>>) src(%arg12 : memref<120x128xf32, #tpu.memory_space<vmem>>) dst(%dma_wait3A_88 : memref<120x128xf32, #tpu.memory_space<vmem_shared>>)
      tpu.yield
    }) : () -> ()
    %add3A_15 = arith.constant 480 : i32
    %add3A_16 = arith.addi %mul3A_6, %add3A_15 : i32
    "tpu.region"() ({
      %run_scoped3A = tpu.sem_alloc : memref<!tpu.dma_semaphore, #tpu.memory_space<semaphore_mem>>
      %dma_start3A_81 = arith.constant 0 : i32
      %dma_start3A_82 = tpu.memref_slice %arg15[%add3A_16, %dma_start3A_81] : memref<10240x128xf32, #tpu.memory_space<vmem_shared>> -> memref<120x128xf32, #tpu.memory_space<vmem_shared>>
      %dma_start3A_83 = arith.constant 0 : i32
      %dma_start3A_84 = tpu.memref_slice %arg15[%add3A_16, %dma_start3A_83] : memref<10240x128xf32, #tpu.memory_space<vmem_shared>> -> memref<120x128xf32, #tpu.memory_space<vmem_shared>>
      tpu.enqueue_dma source(%arg12 : memref<120x128xf32, #tpu.memory_space<vmem>>) target(%dma_start3A_84 : memref<120x128xf32, #tpu.memory_space<vmem_shared>>) target_semaphore(%run_scoped3A : memref<!tpu.dma_semaphore, #tpu.memory_space<semaphore_mem>>)
      %dma_wait3A_85 = arith.constant 0 : i32
      %dma_wait3A_86 = tpu.memref_slice %arg15[%add3A_16, %dma_wait3A_85] : memref<10240x128xf32, #tpu.memory_space<vmem_shared>> -> memref<120x128xf32, #tpu.memory_space<vmem_shared>>
      %dma_wait3A_87 = arith.constant 0 : i32
      %dma_wait3A_88 = tpu.memref_slice %arg15[%add3A_16, %dma_wait3A_87] : memref<10240x128xf32, #tpu.memory_space<vmem_shared>> -> memref<120x128xf32, #tpu.memory_space<vmem_shared>>
      tpu.wait_dma2 semaphore(%run_scoped3A : memref<!tpu.dma_semaphore, #tpu.memory_space<semaphore_mem>>) src(%arg12 : memref<120x128xf32, #tpu.memory_space<vmem>>) dst(%dma_wait3A_88 : memref<120x128xf32, #tpu.memory_space<vmem_shared>>)
      tpu.yield
    }) : () -> ()
    %add3A_17 = arith.constant 600 : i32
    %add3A_18 = arith.addi %mul3A_6, %add3A_17 : i32
    "tpu.region"() ({
      %run_scoped3A = tpu.sem_alloc : memref<!tpu.dma_semaphore, #tpu.memory_space<semaphore_mem>>
      %dma_start3A_81 = arith.constant 0 : i32
      %dma_start3A_82 = arith.constant 0 : i32
      %dma_start3A_83 = tpu.memref_slice %arg12[%dma_start3A_81, %dma_start3A_82] : memref<120x128xf32, #tpu.memory_space<vmem>> -> memref<40x128xf32, #tpu.memory_space<vmem>>
      %dma_start3A_84 = arith.constant 0 : i32
      %dma_start3A_85 = tpu.memref_slice %arg15[%add3A_18, %dma_start3A_84] : memref<10240x128xf32, #tpu.memory_space<vmem_shared>> -> memref<40x128xf32, #tpu.memory_space<vmem_shared>>
      %dma_start3A_86 = arith.constant 0 : i32
      %dma_start3A_87 = tpu.memref_slice %arg15[%add3A_18, %dma_start3A_86] : memref<10240x128xf32, #tpu.memory_space<vmem_shared>> -> memref<40x128xf32, #tpu.memory_space<vmem_shared>>
      %dma_start3A_88 = arith.constant 0 : i32
      %dma_start3A_89 = arith.constant 0 : i32
      %dma_start3A_90 = tpu.memref_slice %arg12[%dma_start3A_88, %dma_start3A_89] : memref<120x128xf32, #tpu.memory_space<vmem>> -> memref<40x128xf32, #tpu.memory_space<vmem>>
      tpu.enqueue_dma source(%dma_start3A_90 : memref<40x128xf32, #tpu.memory_space<vmem>>) target(%dma_start3A_87 : memref<40x128xf32, #tpu.memory_space<vmem_shared>>) target_semaphore(%run_scoped3A : memref<!tpu.dma_semaphore, #tpu.memory_space<semaphore_mem>>)
      %dma_wait3A_91 = arith.constant 0 : i32
      %dma_wait3A_92 = arith.constant 0 : i32
      %dma_wait3A_93 = tpu.memref_slice %arg12[%dma_wait3A_91, %dma_wait3A_92] : memref<120x128xf32, #tpu.memory_space<vmem>> -> memref<40x128xf32, #tpu.memory_space<vmem>>
      %dma_wait3A_94 = arith.constant 0 : i32
      %dma_wait3A_95 = tpu.memref_slice %arg15[%add3A_18, %dma_wait3A_94] : memref<10240x128xf32, #tpu.memory_space<vmem_shared>> -> memref<40x128xf32, #tpu.memory_space<vmem_shared>>
      %dma_wait3A_96 = arith.constant 0 : i32
      %dma_wait3A_97 = tpu.memref_slice %arg15[%add3A_18, %dma_wait3A_96] : memref<10240x128xf32, #tpu.memory_space<vmem_shared>> -> memref<40x128xf32, #tpu.memory_space<vmem_shared>>
      %dma_wait3A_98 = arith.constant 0 : i32
      %dma_wait3A_99 = arith.constant 0 : i32
      %dma_wait3A_100 = tpu.memref_slice %arg12[%dma_wait3A_98, %dma_wait3A_99] : memref<120x128xf32, #tpu.memory_space<vmem>> -> memref<40x128xf32, #tpu.memory_space<vmem>>
      tpu.wait_dma2 semaphore(%run_scoped3A : memref<!tpu.dma_semaphore, #tpu.memory_space<semaphore_mem>>) src(%dma_wait3A_100 : memref<40x128xf32, #tpu.memory_space<vmem>>) dst(%dma_wait3A_97 : memref<40x128xf32, #tpu.memory_space<vmem_shared>>)
      tpu.yield
    }) : () -> ()
    %barrier3A = arith.constant 0 : index
    tpu.barrier barrier_id(%barrier3A)
    %dma_start3A = arith.constant 0 : i32
    %dma_start3A_19 = arith.constant 0 : i32
    %dma_start3A_20 = tpu.memref_slice %arg3[%add3A, %dma_start3A, %dma_start3A_19] : memref<32x84x120xi32, #tpu.memory_space<hbm>> -> memref<1x1x120xi32, #tpu.memory_space<hbm>>
    %dma_start3A_21 = tpu.memref_squeeze %dma_start3A_20 : memref<1x1x120xi32, #tpu.memory_space<hbm>> -> memref<120xi32, #tpu.memory_space<hbm>>
    %dma_start3A_22 = arith.constant 0 : i32
    %dma_start3A_23 = tpu.memref_slice %arg3[%add3A, %dma_start3A, %dma_start3A_22] : memref<32x84x120xi32, #tpu.memory_space<hbm>> -> memref<1x1x120xi32, #tpu.memory_space<hbm>>
    %dma_start3A_24 = tpu.memref_squeeze %dma_start3A_23 : memref<1x1x120xi32, #tpu.memory_space<hbm>> -> memref<120xi32, #tpu.memory_space<hbm>>
    tpu.enqueue_dma source(%dma_start3A_24 : memref<120xi32, #tpu.memory_space<hbm>>) target(%arg6 : memref<120xi32, #tpu.memory_space<vmem>>) target_semaphore(%arg16 : memref<!tpu.dma_semaphore, #tpu.memory_space<semaphore_mem>>)
    %dma_start3A_25 = arith.constant 1 : i32
    %dma_start3A_26 = arith.constant 0 : i32
    %dma_start3A_27 = tpu.memref_slice %arg3[%add3A, %dma_start3A_25, %dma_start3A_26] : memref<32x84x120xi32, #tpu.memory_space<hbm>> -> memref<1x1x120xi32, #tpu.memory_space<hbm>>
    %dma_start3A_28 = tpu.memref_squeeze %dma_start3A_27 : memref<1x1x120xi32, #tpu.memory_space<hbm>> -> memref<120xi32, #tpu.memory_space<hbm>>
    %dma_start3A_29 = arith.constant 0 : i32
    %dma_start3A_30 = tpu.memref_slice %arg3[%add3A, %dma_start3A_25, %dma_start3A_29] : memref<32x84x120xi32, #tpu.memory_space<hbm>> -> memref<1x1x120xi32, #tpu.memory_space<hbm>>
    %dma_start3A_31 = tpu.memref_squeeze %dma_start3A_30 : memref<1x1x120xi32, #tpu.memory_space<hbm>> -> memref<120xi32, #tpu.memory_space<hbm>>
    tpu.enqueue_dma source(%dma_start3A_31 : memref<120xi32, #tpu.memory_space<hbm>>) target(%arg7 : memref<120xi32, #tpu.memory_space<vmem>>) target_semaphore(%arg17 : memref<!tpu.dma_semaphore, #tpu.memory_space<semaphore_mem>>)
    %dma_start3A_32 = arith.constant 2 : i32
    %dma_start3A_33 = arith.constant 0 : i32
    %dma_start3A_34 = tpu.memref_slice %arg3[%add3A, %dma_start3A_32, %dma_start3A_33] : memref<32x84x120xi32, #tpu.memory_space<hbm>> -> memref<1x1x120xi32, #tpu.memory_space<hbm>>
    %dma_start3A_35 = tpu.memref_squeeze %dma_start3A_34 : memref<1x1x120xi32, #tpu.memory_space<hbm>> -> memref<120xi32, #tpu.memory_space<hbm>>
    %dma_start3A_36 = arith.constant 0 : i32
    %dma_start3A_37 = tpu.memref_slice %arg3[%add3A, %dma_start3A_32, %dma_start3A_36] : memref<32x84x120xi32, #tpu.memory_space<hbm>> -> memref<1x1x120xi32, #tpu.memory_space<hbm>>
    %dma_start3A_38 = tpu.memref_squeeze %dma_start3A_37 : memref<1x1x120xi32, #tpu.memory_space<hbm>> -> memref<120xi32, #tpu.memory_space<hbm>>
    tpu.enqueue_dma source(%dma_start3A_38 : memref<120xi32, #tpu.memory_space<hbm>>) target(%arg8 : memref<120xi32, #tpu.memory_space<vmem>>) target_semaphore(%arg18 : memref<!tpu.dma_semaphore, #tpu.memory_space<semaphore_mem>>)
    %dma_start3A_39 = arith.constant 0 : i32
    %dma_start3A_40 = arith.constant 0 : i32
    %dma_start3A_41 = tpu.memref_slice %arg4[%add3A, %dma_start3A_39, %dma_start3A_40] : memref<32x84x120xi32, #tpu.memory_space<hbm>> -> memref<1x1x120xi32, #tpu.memory_space<hbm>>
    %dma_start3A_42 = tpu.memref_squeeze %dma_start3A_41 : memref<1x1x120xi32, #tpu.memory_space<hbm>> -> memref<120xi32, #tpu.memory_space<hbm>>
    %dma_start3A_43 = arith.constant 0 : i32
    %dma_start3A_44 = tpu.memref_slice %arg4[%add3A, %dma_start3A_39, %dma_start3A_43] : memref<32x84x120xi32, #tpu.memory_space<hbm>> -> memref<1x1x120xi32, #tpu.memory_space<hbm>>
    %dma_start3A_45 = tpu.memref_squeeze %dma_start3A_44 : memref<1x1x120xi32, #tpu.memory_space<hbm>> -> memref<120xi32, #tpu.memory_space<hbm>>
    tpu.enqueue_dma source(%dma_start3A_45 : memref<120xi32, #tpu.memory_space<hbm>>) target(%arg9 : memref<120xi32, #tpu.memory_space<vmem>>) target_semaphore(%arg19 : memref<!tpu.dma_semaphore, #tpu.memory_space<semaphore_mem>>)
    %dma_start3A_46 = arith.constant 1 : i32
    %dma_start3A_47 = arith.constant 0 : i32
    %dma_start3A_48 = tpu.memref_slice %arg4[%add3A, %dma_start3A_46, %dma_start3A_47] : memref<32x84x120xi32, #tpu.memory_space<hbm>> -> memref<1x1x120xi32, #tpu.memory_space<hbm>>
    %dma_start3A_49 = tpu.memref_squeeze %dma_start3A_48 : memref<1x1x120xi32, #tpu.memory_space<hbm>> -> memref<120xi32, #tpu.memory_space<hbm>>
    %dma_start3A_50 = arith.constant 0 : i32
    %dma_start3A_51 = tpu.memref_slice %arg4[%add3A, %dma_start3A_46, %dma_start3A_50] : memref<32x84x120xi32, #tpu.memory_space<hbm>> -> memref<1x1x120xi32, #tpu.memory_space<hbm>>
    %dma_start3A_52 = tpu.memref_squeeze %dma_start3A_51 : memref<1x1x120xi32, #tpu.memory_space<hbm>> -> memref<120xi32, #tpu.memory_space<hbm>>
    tpu.enqueue_dma source(%dma_start3A_52 : memref<120xi32, #tpu.memory_space<hbm>>) target(%arg10 : memref<120xi32, #tpu.memory_space<vmem>>) target_semaphore(%arg20 : memref<!tpu.dma_semaphore, #tpu.memory_space<semaphore_mem>>)
    %dma_wait3A = arith.constant 0 : i32
    %dma_wait3A_53 = arith.constant 0 : i32
    %dma_wait3A_54 = tpu.memref_slice %arg3[%add3A, %dma_wait3A, %dma_wait3A_53] : memref<32x84x120xi32, #tpu.memory_space<hbm>> -> memref<1x1x120xi32, #tpu.memory_space<hbm>>
    %dma_wait3A_55 = tpu.memref_squeeze %dma_wait3A_54 : memref<1x1x120xi32, #tpu.memory_space<hbm>> -> memref<120xi32, #tpu.memory_space<hbm>>
    %dma_wait3A_56 = arith.constant 0 : i32
    %dma_wait3A_57 = tpu.memref_slice %arg3[%add3A, %dma_wait3A, %dma_wait3A_56] : memref<32x84x120xi32, #tpu.memory_space<hbm>> -> memref<1x1x120xi32, #tpu.memory_space<hbm>>
    %dma_wait3A_58 = tpu.memref_squeeze %dma_wait3A_57 : memref<1x1x120xi32, #tpu.memory_space<hbm>> -> memref<120xi32, #tpu.memory_space<hbm>>
    tpu.wait_dma2 semaphore(%arg16 : memref<!tpu.dma_semaphore, #tpu.memory_space<semaphore_mem>>) src(%dma_wait3A_58 : memref<120xi32, #tpu.memory_space<hbm>>) dst(%arg6 : memref<120xi32, #tpu.memory_space<vmem>>)
    %dma_start3A_59 = arith.constant 0 : i32
    %dma_start3A_60 = arith.constant 0 : i32
    %dma_start3A_61 = tpu.memref_slice %arg2[%dma_start3A_59, %dma_start3A_60] : memref<10240x128xf32, #tpu.memory_space<hbm>> -> memref<10240x128xf32, #tpu.memory_space<hbm>>
    tpu.enqueue_indirect_dma source(%dma_start3A_61 : memref<10240x128xf32, #tpu.memory_space<hbm>>) target(%arg12 : memref<120x128xf32, #tpu.memory_space<vmem>>) offsets(%arg6 : memref<120xi32, #tpu.memory_space<vmem>>) semaphore(%arg22 : memref<!tpu.dma_semaphore, #tpu.memory_space<semaphore_mem>>)
    %dma_wait3A_62 = arith.constant 1 : i32
    %dma_wait3A_63 = arith.constant 0 : i32
    %dma_wait3A_64 = tpu.memref_slice %arg3[%add3A, %dma_wait3A_62, %dma_wait3A_63] : memref<32x84x120xi32, #tpu.memory_space<hbm>> -> memref<1x1x120xi32, #tpu.memory_space<hbm>>
    %dma_wait3A_65 = tpu.memref_squeeze %dma_wait3A_64 : memref<1x1x120xi32, #tpu.memory_space<hbm>> -> memref<120xi32, #tpu.memory_space<hbm>>
    %dma_wait3A_66 = arith.constant 0 : i32
    %dma_wait3A_67 = tpu.memref_slice %arg3[%add3A, %dma_wait3A_62, %dma_wait3A_66] : memref<32x84x120xi32, #tpu.memory_space<hbm>> -> memref<1x1x120xi32, #tpu.memory_space<hbm>>
    %dma_wait3A_68 = tpu.memref_squeeze %dma_wait3A_67 : memref<1x1x120xi32, #tpu.memory_space<hbm>> -> memref<120xi32, #tpu.memory_space<hbm>>
    tpu.wait_dma2 semaphore(%arg17 : memref<!tpu.dma_semaphore, #tpu.memory_space<semaphore_mem>>) src(%dma_wait3A_68 : memref<120xi32, #tpu.memory_space<hbm>>) dst(%arg7 : memref<120xi32, #tpu.memory_space<vmem>>)
    %dma_start3A_69 = arith.constant 0 : i32
    %dma_start3A_70 = arith.constant 0 : i32
    %dma_start3A_71 = tpu.memref_slice %arg2[%dma_start3A_69, %dma_start3A_70] : memref<10240x128xf32, #tpu.memory_space<hbm>> -> memref<10240x128xf32, #tpu.memory_space<hbm>>
    tpu.enqueue_indirect_dma source(%dma_start3A_71 : memref<10240x128xf32, #tpu.memory_space<hbm>>) target(%arg13 : memref<120x128xf32, #tpu.memory_space<vmem>>) offsets(%arg7 : memref<120xi32, #tpu.memory_space<vmem>>) semaphore(%arg23 : memref<!tpu.dma_semaphore, #tpu.memory_space<semaphore_mem>>)
    %scan3A_72 = arith.constant 0 : i32
    %scan3A_73 = arith.constant 28 : i32
    %scan3A_74 = arith.addi %scan3A_72, %scan3A_73 : i32
    %scan3A_75 = arith.constant 1 : i32
    scf.for %scan3A_81 = %scan3A_72 to %scan3A_74 step %scan3A_75  : i32 {
      %mul3A_82 = arith.constant 3 : i32
      %mul3A_83 = arith.muli %scan3A_81, %mul3A_82 : i32
      %add3A_84 = arith.constant 0 : i32
      %add3A_85 = arith.addi %add3A_84, %mul3A_83 : i32
      %add3A_86 = arith.constant 0 : i32
      %add3A_87 = arith.addi %add3A_85, %add3A_86 : i32
      %dma_wait3A_88 = arith.constant 0 : i32
      %dma_wait3A_89 = arith.constant 0 : i32
      %dma_wait3A_90 = tpu.memref_slice %arg2[%dma_wait3A_88, %dma_wait3A_89] : memref<10240x128xf32, #tpu.memory_space<hbm>> -> memref<10240x128xf32, #tpu.memory_space<hbm>>
      tpu.wait_indirect_dma semaphore(%arg22 : memref<!tpu.dma_semaphore, #tpu.memory_space<semaphore_mem>>) src(%dma_wait3A_90 : memref<10240x128xf32, #tpu.memory_space<hbm>>) dst(%arg12 : memref<120x128xf32, #tpu.memory_space<vmem>>)
      %add3A_91 = arith.constant 3 : i32
      %add3A_92 = arith.addi %add3A_87, %add3A_91 : i32
      %lt3A = arith.constant 84 : i32
      %lt3A_93 = arith.cmpi slt, %add3A_92, %lt3A : i32
      %convert_element_type3A = arith.extui %lt3A_93 : i1 to i32
      %cond3A = arith.constant 0 : i32
      %cond3A_94 = arith.cmpi ne, %convert_element_type3A, %cond3A : i32
      scf.if %cond3A_94 {
        %add3A_177 = arith.constant 3 : i32
        %add3A_178 = arith.addi %add3A_87, %add3A_177 : i32
        %dma_start3A_179 = arith.constant 0 : i32
        %dma_start3A_180 = tpu.memref_slice %arg3[%add3A, %add3A_178, %dma_start3A_179] : memref<32x84x120xi32, #tpu.memory_space<hbm>> -> memref<1x1x120xi32, #tpu.memory_space<hbm>>
        %dma_start3A_181 = tpu.memref_squeeze %dma_start3A_180 : memref<1x1x120xi32, #tpu.memory_space<hbm>> -> memref<120xi32, #tpu.memory_space<hbm>>
        %dma_start3A_182 = arith.constant 0 : i32
        %dma_start3A_183 = tpu.memref_slice %arg3[%add3A, %add3A_178, %dma_start3A_182] : memref<32x84x120xi32, #tpu.memory_space<hbm>> -> memref<1x1x120xi32, #tpu.memory_space<hbm>>
        %dma_start3A_184 = tpu.memref_squeeze %dma_start3A_183 : memref<1x1x120xi32, #tpu.memory_space<hbm>> -> memref<120xi32, #tpu.memory_space<hbm>>
        tpu.enqueue_dma source(%dma_start3A_184 : memref<120xi32, #tpu.memory_space<hbm>>) target(%arg6 : memref<120xi32, #tpu.memory_space<vmem>>) target_semaphore(%arg16 : memref<!tpu.dma_semaphore, #tpu.memory_space<semaphore_mem>>)
      } else {
      }
      %gt3A = arith.constant 0 : i32
      %gt3A_95 = arith.cmpi sgt, %add3A_85, %gt3A : i32
      %convert_element_type3A_96 = arith.extui %gt3A_95 : i1 to i32
      %cond3A_97 = arith.constant 0 : i32
      %cond3A_98 = arith.cmpi ne, %convert_element_type3A_96, %cond3A_97 : i32
      scf.if %cond3A_98 {
        %dma_wait3A_177 = arith.constant 0 : i32
        %dma_wait3A_178 = arith.constant 0 : i32
        %dma_wait3A_179 = tpu.memref_slice %arg15[%dma_wait3A_177, %dma_wait3A_178] : memref<10240x128xf32, #tpu.memory_space<vmem_shared>> -> memref<10240x128xf32, #tpu.memory_space<vmem_shared>>
        tpu.wait_indirect_dma semaphore(%arg27 : memref<!tpu.dma_semaphore, #tpu.memory_space<semaphore_mem>>) src(%arg14 : memref<120x128xf32, #tpu.memory_space<vmem>>) dst(%dma_wait3A_179 : memref<10240x128xf32, #tpu.memory_space<vmem_shared>>)
      } else {
      }
      %add3A_99 = arith.constant 2 : i32
      %add3A_100 = arith.addi %add3A_87, %add3A_99 : i32
      %lt3A_101 = arith.constant 84 : i32
      %lt3A_102 = arith.cmpi slt, %add3A_100, %lt3A_101 : i32
      %convert_element_type3A_103 = arith.extui %lt3A_102 : i1 to i32
      %cond3A_104 = arith.constant 0 : i32
      %cond3A_105 = arith.cmpi ne, %convert_element_type3A_103, %cond3A_104 : i32
      scf.if %cond3A_105 {
        %add3A_177 = arith.constant 2 : i32
        %add3A_178 = arith.addi %add3A_87, %add3A_177 : i32
        %dma_wait3A_179 = arith.constant 0 : i32
        %dma_wait3A_180 = tpu.memref_slice %arg3[%add3A, %add3A_178, %dma_wait3A_179] : memref<32x84x120xi32, #tpu.memory_space<hbm>> -> memref<1x1x120xi32, #tpu.memory_space<hbm>>
        %dma_wait3A_181 = tpu.memref_squeeze %dma_wait3A_180 : memref<1x1x120xi32, #tpu.memory_space<hbm>> -> memref<120xi32, #tpu.memory_space<hbm>>
        %dma_wait3A_182 = arith.constant 0 : i32
        %dma_wait3A_183 = tpu.memref_slice %arg3[%add3A, %add3A_178, %dma_wait3A_182] : memref<32x84x120xi32, #tpu.memory_space<hbm>> -> memref<1x1x120xi32, #tpu.memory_space<hbm>>
        %dma_wait3A_184 = tpu.memref_squeeze %dma_wait3A_183 : memref<1x1x120xi32, #tpu.memory_space<hbm>> -> memref<120xi32, #tpu.memory_space<hbm>>
        tpu.wait_dma2 semaphore(%arg18 : memref<!tpu.dma_semaphore, #tpu.memory_space<semaphore_mem>>) src(%dma_wait3A_184 : memref<120xi32, #tpu.memory_space<hbm>>) dst(%arg8 : memref<120xi32, #tpu.memory_space<vmem>>)
        %dma_start3A_185 = arith.constant 0 : i32
        %dma_start3A_186 = arith.constant 0 : i32
        %dma_start3A_187 = tpu.memref_slice %arg2[%dma_start3A_185, %dma_start3A_186] : memref<10240x128xf32, #tpu.memory_space<hbm>> -> memref<10240x128xf32, #tpu.memory_space<hbm>>
        tpu.enqueue_indirect_dma source(%dma_start3A_187 : memref<10240x128xf32, #tpu.memory_space<hbm>>) target(%arg14 : memref<120x128xf32, #tpu.memory_space<vmem>>) offsets(%arg8 : memref<120xi32, #tpu.memory_space<vmem>>) semaphore(%arg24 : memref<!tpu.dma_semaphore, #tpu.memory_space<semaphore_mem>>)
        %add3A_188 = arith.constant 2 : i32
        %add3A_189 = arith.addi %add3A_87, %add3A_188 : i32
        %dma_start3A_190 = arith.constant 0 : i32
        %dma_start3A_191 = tpu.memref_slice %arg4[%add3A, %add3A_189, %dma_start3A_190] : memref<32x84x120xi32, #tpu.memory_space<hbm>> -> memref<1x1x120xi32, #tpu.memory_space<hbm>>
        %dma_start3A_192 = tpu.memref_squeeze %dma_start3A_191 : memref<1x1x120xi32, #tpu.memory_space<hbm>> -> memref<120xi32, #tpu.memory_space<hbm>>
        %dma_start3A_193 = arith.constant 0 : i32
        %dma_start3A_194 = tpu.memref_slice %arg4[%add3A, %add3A_189, %dma_start3A_193] : memref<32x84x120xi32, #tpu.memory_space<hbm>> -> memref<1x1x120xi32, #tpu.memory_space<hbm>>
        %dma_start3A_195 = tpu.memref_squeeze %dma_start3A_194 : memref<1x1x120xi32, #tpu.memory_space<hbm>> -> memref<120xi32, #tpu.memory_space<hbm>>
        tpu.enqueue_dma source(%dma_start3A_195 : memref<120xi32, #tpu.memory_space<hbm>>) target(%arg11 : memref<120xi32, #tpu.memory_space<vmem>>) target_semaphore(%arg21 : memref<!tpu.dma_semaphore, #tpu.memory_space<semaphore_mem>>)
      } else {
      }
      %dma_wait3A_106 = arith.constant 0 : i32
      %dma_wait3A_107 = tpu.memref_slice %arg4[%add3A, %add3A_87, %dma_wait3A_106] : memref<32x84x120xi32, #tpu.memory_space<hbm>> -> memref<1x1x120xi32, #tpu.memory_space<hbm>>
      %dma_wait3A_108 = tpu.memref_squeeze %dma_wait3A_107 : memref<1x1x120xi32, #tpu.memory_space<hbm>> -> memref<120xi32, #tpu.memory_space<hbm>>
      %dma_wait3A_109 = arith.constant 0 : i32
      %dma_wait3A_110 = tpu.memref_slice %arg4[%add3A, %add3A_87, %dma_wait3A_109] : memref<32x84x120xi32, #tpu.memory_space<hbm>> -> memref<1x1x120xi32, #tpu.memory_space<hbm>>
      %dma_wait3A_111 = tpu.memref_squeeze %dma_wait3A_110 : memref<1x1x120xi32, #tpu.memory_space<hbm>> -> memref<120xi32, #tpu.memory_space<hbm>>
      tpu.wait_dma2 semaphore(%arg19 : memref<!tpu.dma_semaphore, #tpu.memory_space<semaphore_mem>>) src(%dma_wait3A_111 : memref<120xi32, #tpu.memory_space<hbm>>) dst(%arg9 : memref<120xi32, #tpu.memory_space<vmem>>)
      %dma_start3A_112 = arith.constant 0 : i32
      %dma_start3A_113 = arith.constant 0 : i32
      %dma_start3A_114 = tpu.memref_slice %arg15[%dma_start3A_112, %dma_start3A_113] : memref<10240x128xf32, #tpu.memory_space<vmem_shared>> -> memref<10240x128xf32, #tpu.memory_space<vmem_shared>>
      tpu.enqueue_indirect_dma source(%arg12 : memref<120x128xf32, #tpu.memory_space<vmem>>) target(%dma_start3A_114 : memref<10240x128xf32, #tpu.memory_space<vmem_shared>>) offsets(%arg9 : memref<120xi32, #tpu.memory_space<vmem>>) semaphore(%arg25 : memref<!tpu.dma_semaphore, #tpu.memory_space<semaphore_mem>>) {add = true}
      %add3A_115 = arith.constant 1 : i32
      %add3A_116 = arith.addi %add3A_85, %add3A_115 : i32
      %dma_wait3A_117 = arith.constant 0 : i32
      %dma_wait3A_118 = arith.constant 0 : i32
      %dma_wait3A_119 = tpu.memref_slice %arg2[%dma_wait3A_117, %dma_wait3A_118] : memref<10240x128xf32, #tpu.memory_space<hbm>> -> memref<10240x128xf32, #tpu.memory_space<hbm>>
      tpu.wait_indirect_dma semaphore(%arg23 : memref<!tpu.dma_semaphore, #tpu.memory_space<semaphore_mem>>) src(%dma_wait3A_119 : memref<10240x128xf32, #tpu.memory_space<hbm>>) dst(%arg13 : memref<120x128xf32, #tpu.memory_space<vmem>>)
      %add3A_120 = arith.constant 3 : i32
      %add3A_121 = arith.addi %add3A_116, %add3A_120 : i32
      %lt3A_122 = arith.constant 84 : i32
      %lt3A_123 = arith.cmpi slt, %add3A_121, %lt3A_122 : i32
      %convert_element_type3A_124 = arith.extui %lt3A_123 : i1 to i32
      %cond3A_125 = arith.constant 0 : i32
      %cond3A_126 = arith.cmpi ne, %convert_element_type3A_124, %cond3A_125 : i32
      scf.if %cond3A_126 {
        %add3A_177 = arith.constant 3 : i32
        %add3A_178 = arith.addi %add3A_116, %add3A_177 : i32
        %dma_start3A_179 = arith.constant 0 : i32
        %dma_start3A_180 = tpu.memref_slice %arg3[%add3A, %add3A_178, %dma_start3A_179] : memref<32x84x120xi32, #tpu.memory_space<hbm>> -> memref<1x1x120xi32, #tpu.memory_space<hbm>>
        %dma_start3A_181 = tpu.memref_squeeze %dma_start3A_180 : memref<1x1x120xi32, #tpu.memory_space<hbm>> -> memref<120xi32, #tpu.memory_space<hbm>>
        %dma_start3A_182 = arith.constant 0 : i32
        %dma_start3A_183 = tpu.memref_slice %arg3[%add3A, %add3A_178, %dma_start3A_182] : memref<32x84x120xi32, #tpu.memory_space<hbm>> -> memref<1x1x120xi32, #tpu.memory_space<hbm>>
        %dma_start3A_184 = tpu.memref_squeeze %dma_start3A_183 : memref<1x1x120xi32, #tpu.memory_space<hbm>> -> memref<120xi32, #tpu.memory_space<hbm>>
        tpu.enqueue_dma source(%dma_start3A_184 : memref<120xi32, #tpu.memory_space<hbm>>) target(%arg7 : memref<120xi32, #tpu.memory_space<vmem>>) target_semaphore(%arg17 : memref<!tpu.dma_semaphore, #tpu.memory_space<semaphore_mem>>)
      } else {
      }
      %dma_wait3A_127 = arith.constant 0 : i32
      %dma_wait3A_128 = arith.constant 0 : i32
      %dma_wait3A_129 = tpu.memref_slice %arg15[%dma_wait3A_127, %dma_wait3A_128] : memref<10240x128xf32, #tpu.memory_space<vmem_shared>> -> memref<10240x128xf32, #tpu.memory_space<vmem_shared>>
      tpu.wait_indirect_dma semaphore(%arg25 : memref<!tpu.dma_semaphore, #tpu.memory_space<semaphore_mem>>) src(%arg12 : memref<120x128xf32, #tpu.memory_space<vmem>>) dst(%dma_wait3A_129 : memref<10240x128xf32, #tpu.memory_space<vmem_shared>>)
      %add3A_130 = arith.constant 2 : i32
      %add3A_131 = arith.addi %add3A_116, %add3A_130 : i32
      %lt3A_132 = arith.constant 84 : i32
      %lt3A_133 = arith.cmpi slt, %add3A_131, %lt3A_132 : i32
      %convert_element_type3A_134 = arith.extui %lt3A_133 : i1 to i32
      %cond3A_135 = arith.constant 0 : i32
      %cond3A_136 = arith.cmpi ne, %convert_element_type3A_134, %cond3A_135 : i32
      scf.if %cond3A_136 {
        %add3A_177 = arith.constant 2 : i32
        %add3A_178 = arith.addi %add3A_116, %add3A_177 : i32
        %dma_wait3A_179 = arith.constant 0 : i32
        %dma_wait3A_180 = tpu.memref_slice %arg3[%add3A, %add3A_178, %dma_wait3A_179] : memref<32x84x120xi32, #tpu.memory_space<hbm>> -> memref<1x1x120xi32, #tpu.memory_space<hbm>>
        %dma_wait3A_181 = tpu.memref_squeeze %dma_wait3A_180 : memref<1x1x120xi32, #tpu.memory_space<hbm>> -> memref<120xi32, #tpu.memory_space<hbm>>
        %dma_wait3A_182 = arith.constant 0 : i32
        %dma_wait3A_183 = tpu.memref_slice %arg3[%add3A, %add3A_178, %dma_wait3A_182] : memref<32x84x120xi32, #tpu.memory_space<hbm>> -> memref<1x1x120xi32, #tpu.memory_space<hbm>>
        %dma_wait3A_184 = tpu.memref_squeeze %dma_wait3A_183 : memref<1x1x120xi32, #tpu.memory_space<hbm>> -> memref<120xi32, #tpu.memory_space<hbm>>
        tpu.wait_dma2 semaphore(%arg16 : memref<!tpu.dma_semaphore, #tpu.memory_space<semaphore_mem>>) src(%dma_wait3A_184 : memref<120xi32, #tpu.memory_space<hbm>>) dst(%arg6 : memref<120xi32, #tpu.memory_space<vmem>>)
        %dma_start3A_185 = arith.constant 0 : i32
        %dma_start3A_186 = arith.constant 0 : i32
        %dma_start3A_187 = tpu.memref_slice %arg2[%dma_start3A_185, %dma_start3A_186] : memref<10240x128xf32, #tpu.memory_space<hbm>> -> memref<10240x128xf32, #tpu.memory_space<hbm>>
        tpu.enqueue_indirect_dma source(%dma_start3A_187 : memref<10240x128xf32, #tpu.memory_space<hbm>>) target(%arg12 : memref<120x128xf32, #tpu.memory_space<vmem>>) offsets(%arg6 : memref<120xi32, #tpu.memory_space<vmem>>) semaphore(%arg22 : memref<!tpu.dma_semaphore, #tpu.memory_space<semaphore_mem>>)
        %add3A_188 = arith.constant 2 : i32
        %add3A_189 = arith.addi %add3A_116, %add3A_188 : i32
        %dma_start3A_190 = arith.constant 0 : i32
        %dma_start3A_191 = tpu.memref_slice %arg4[%add3A, %add3A_189, %dma_start3A_190] : memref<32x84x120xi32, #tpu.memory_space<hbm>> -> memref<1x1x120xi32, #tpu.memory_space<hbm>>
        %dma_start3A_192 = tpu.memref_squeeze %dma_start3A_191 : memref<1x1x120xi32, #tpu.memory_space<hbm>> -> memref<120xi32, #tpu.memory_space<hbm>>
        %dma_start3A_193 = arith.constant 0 : i32
        %dma_start3A_194 = tpu.memref_slice %arg4[%add3A, %add3A_189, %dma_start3A_193] : memref<32x84x120xi32, #tpu.memory_space<hbm>> -> memref<1x1x120xi32, #tpu.memory_space<hbm>>
        %dma_start3A_195 = tpu.memref_squeeze %dma_start3A_194 : memref<1x1x120xi32, #tpu.memory_space<hbm>> -> memref<120xi32, #tpu.memory_space<hbm>>
        tpu.enqueue_dma source(%dma_start3A_195 : memref<120xi32, #tpu.memory_space<hbm>>) target(%arg9 : memref<120xi32, #tpu.memory_space<vmem>>) target_semaphore(%arg19 : memref<!tpu.dma_semaphore, #tpu.memory_space<semaphore_mem>>)
      } else {
      }
      %dma_wait3A_137 = arith.constant 0 : i32
      %dma_wait3A_138 = tpu.memref_slice %arg4[%add3A, %add3A_116, %dma_wait3A_137] : memref<32x84x120xi32, #tpu.memory_space<hbm>> -> memref<1x1x120xi32, #tpu.memory_space<hbm>>
      %dma_wait3A_139 = tpu.memref_squeeze %dma_wait3A_138 : memref<1x1x120xi32, #tpu.memory_space<hbm>> -> memref<120xi32, #tpu.memory_space<hbm>>
      %dma_wait3A_140 = arith.constant 0 : i32
      %dma_wait3A_141 = tpu.memref_slice %arg4[%add3A, %add3A_116, %dma_wait3A_140] : memref<32x84x120xi32, #tpu.memory_space<hbm>> -> memref<1x1x120xi32, #tpu.memory_space<hbm>>
      %dma_wait3A_142 = tpu.memref_squeeze %dma_wait3A_141 : memref<1x1x120xi32, #tpu.memory_space<hbm>> -> memref<120xi32, #tpu.memory_space<hbm>>
      tpu.wait_dma2 semaphore(%arg20 : memref<!tpu.dma_semaphore, #tpu.memory_space<semaphore_mem>>) src(%dma_wait3A_142 : memref<120xi32, #tpu.memory_space<hbm>>) dst(%arg10 : memref<120xi32, #tpu.memory_space<vmem>>)
      %dma_start3A_143 = arith.constant 0 : i32
      %dma_start3A_144 = arith.constant 0 : i32
      %dma_start3A_145 = tpu.memref_slice %arg15[%dma_start3A_143, %dma_start3A_144] : memref<10240x128xf32, #tpu.memory_space<vmem_shared>> -> memref<10240x128xf32, #tpu.memory_space<vmem_shared>>
      tpu.enqueue_indirect_dma source(%arg13 : memref<120x128xf32, #tpu.memory_space<vmem>>) target(%dma_start3A_145 : memref<10240x128xf32, #tpu.memory_space<vmem_shared>>) offsets(%arg10 : memref<120xi32, #tpu.memory_space<vmem>>) semaphore(%arg26 : memref<!tpu.dma_semaphore, #tpu.memory_space<semaphore_mem>>) {add = true}
      %add3A_146 = arith.constant 2 : i32
      %add3A_147 = arith.addi %add3A_85, %add3A_146 : i32
      %dma_wait3A_148 = arith.constant 0 : i32
      %dma_wait3A_149 = arith.constant 0 : i32
      %dma_wait3A_150 = tpu.memref_slice %arg2[%dma_wait3A_148, %dma_wait3A_149] : memref<10240x128xf32, #tpu.memory_space<hbm>> -> memref<10240x128xf32, #tpu.memory_space<hbm>>
      tpu.wait_indirect_dma semaphore(%arg24 : memref<!tpu.dma_semaphore, #tpu.memory_space<semaphore_mem>>) src(%dma_wait3A_150 : memref<10240x128xf32, #tpu.memory_space<hbm>>) dst(%arg14 : memref<120x128xf32, #tpu.memory_space<vmem>>)
      %add3A_151 = arith.constant 3 : i32
      %add3A_152 = arith.addi %add3A_147, %add3A_151 : i32
      %lt3A_153 = arith.constant 84 : i32
      %lt3A_154 = arith.cmpi slt, %add3A_152, %lt3A_153 : i32
      %convert_element_type3A_155 = arith.extui %lt3A_154 : i1 to i32
      %cond3A_156 = arith.constant 0 : i32
      %cond3A_157 = arith.cmpi ne, %convert_element_type3A_155, %cond3A_156 : i32
      scf.if %cond3A_157 {
        %add3A_177 = arith.constant 3 : i32
        %add3A_178 = arith.addi %add3A_147, %add3A_177 : i32
        %dma_start3A_179 = arith.constant 0 : i32
        %dma_start3A_180 = tpu.memref_slice %arg3[%add3A, %add3A_178, %dma_start3A_179] : memref<32x84x120xi32, #tpu.memory_space<hbm>> -> memref<1x1x120xi32, #tpu.memory_space<hbm>>
        %dma_start3A_181 = tpu.memref_squeeze %dma_start3A_180 : memref<1x1x120xi32, #tpu.memory_space<hbm>> -> memref<120xi32, #tpu.memory_space<hbm>>
        %dma_start3A_182 = arith.constant 0 : i32
        %dma_start3A_183 = tpu.memref_slice %arg3[%add3A, %add3A_178, %dma_start3A_182] : memref<32x84x120xi32, #tpu.memory_space<hbm>> -> memref<1x1x120xi32, #tpu.memory_space<hbm>>
        %dma_start3A_184 = tpu.memref_squeeze %dma_start3A_183 : memref<1x1x120xi32, #tpu.memory_space<hbm>> -> memref<120xi32, #tpu.memory_space<hbm>>
        tpu.enqueue_dma source(%dma_start3A_184 : memref<120xi32, #tpu.memory_space<hbm>>) target(%arg8 : memref<120xi32, #tpu.memory_space<vmem>>) target_semaphore(%arg18 : memref<!tpu.dma_semaphore, #tpu.memory_space<semaphore_mem>>)
      } else {
      }
      %dma_wait3A_158 = arith.constant 0 : i32
      %dma_wait3A_159 = arith.constant 0 : i32
      %dma_wait3A_160 = tpu.memref_slice %arg15[%dma_wait3A_158, %dma_wait3A_159] : memref<10240x128xf32, #tpu.memory_space<vmem_shared>> -> memref<10240x128xf32, #tpu.memory_space<vmem_shared>>
      tpu.wait_indirect_dma semaphore(%arg26 : memref<!tpu.dma_semaphore, #tpu.memory_space<semaphore_mem>>) src(%arg13 : memref<120x128xf32, #tpu.memory_space<vmem>>) dst(%dma_wait3A_160 : memref<10240x128xf32, #tpu.memory_space<vmem_shared>>)
      %add3A_161 = arith.constant 2 : i32
      %add3A_162 = arith.addi %add3A_147, %add3A_161 : i32
      %lt3A_163 = arith.constant 84 : i32
      %lt3A_164 = arith.cmpi slt, %add3A_162, %lt3A_163 : i32
      %convert_element_type3A_165 = arith.extui %lt3A_164 : i1 to i32
      %cond3A_166 = arith.constant 0 : i32
      %cond3A_167 = arith.cmpi ne, %convert_element_type3A_165, %cond3A_166 : i32
      scf.if %cond3A_167 {
        %add3A_177 = arith.constant 2 : i32
        %add3A_178 = arith.addi %add3A_147, %add3A_177 : i32
        %dma_wait3A_179 = arith.constant 0 : i32
        %dma_wait3A_180 = tpu.memref_slice %arg3[%add3A, %add3A_178, %dma_wait3A_179] : memref<32x84x120xi32, #tpu.memory_space<hbm>> -> memref<1x1x120xi32, #tpu.memory_space<hbm>>
        %dma_wait3A_181 = tpu.memref_squeeze %dma_wait3A_180 : memref<1x1x120xi32, #tpu.memory_space<hbm>> -> memref<120xi32, #tpu.memory_space<hbm>>
        %dma_wait3A_182 = arith.constant 0 : i32
        %dma_wait3A_183 = tpu.memref_slice %arg3[%add3A, %add3A_178, %dma_wait3A_182] : memref<32x84x120xi32, #tpu.memory_space<hbm>> -> memref<1x1x120xi32, #tpu.memory_space<hbm>>
        %dma_wait3A_184 = tpu.memref_squeeze %dma_wait3A_183 : memref<1x1x120xi32, #tpu.memory_space<hbm>> -> memref<120xi32, #tpu.memory_space<hbm>>
        tpu.wait_dma2 semaphore(%arg17 : memref<!tpu.dma_semaphore, #tpu.memory_space<semaphore_mem>>) src(%dma_wait3A_184 : memref<120xi32, #tpu.memory_space<hbm>>) dst(%arg7 : memref<120xi32, #tpu.memory_space<vmem>>)
        %dma_start3A_185 = arith.constant 0 : i32
        %dma_start3A_186 = arith.constant 0 : i32
        %dma_start3A_187 = tpu.memref_slice %arg2[%dma_start3A_185, %dma_start3A_186] : memref<10240x128xf32, #tpu.memory_space<hbm>> -> memref<10240x128xf32, #tpu.memory_space<hbm>>
        tpu.enqueue_indirect_dma source(%dma_start3A_187 : memref<10240x128xf32, #tpu.memory_space<hbm>>) target(%arg13 : memref<120x128xf32, #tpu.memory_space<vmem>>) offsets(%arg7 : memref<120xi32, #tpu.memory_space<vmem>>) semaphore(%arg23 : memref<!tpu.dma_semaphore, #tpu.memory_space<semaphore_mem>>)
        %add3A_188 = arith.constant 2 : i32
        %add3A_189 = arith.addi %add3A_147, %add3A_188 : i32
        %dma_start3A_190 = arith.constant 0 : i32
        %dma_start3A_191 = tpu.memref_slice %arg4[%add3A, %add3A_189, %dma_start3A_190] : memref<32x84x120xi32, #tpu.memory_space<hbm>> -> memref<1x1x120xi32, #tpu.memory_space<hbm>>
        %dma_start3A_192 = tpu.memref_squeeze %dma_start3A_191 : memref<1x1x120xi32, #tpu.memory_space<hbm>> -> memref<120xi32, #tpu.memory_space<hbm>>
        %dma_start3A_193 = arith.constant 0 : i32
        %dma_start3A_194 = tpu.memref_slice %arg4[%add3A, %add3A_189, %dma_start3A_193] : memref<32x84x120xi32, #tpu.memory_space<hbm>> -> memref<1x1x120xi32, #tpu.memory_space<hbm>>
        %dma_start3A_195 = tpu.memref_squeeze %dma_start3A_194 : memref<1x1x120xi32, #tpu.memory_space<hbm>> -> memref<120xi32, #tpu.memory_space<hbm>>
        tpu.enqueue_dma source(%dma_start3A_195 : memref<120xi32, #tpu.memory_space<hbm>>) target(%arg10 : memref<120xi32, #tpu.memory_space<vmem>>) target_semaphore(%arg20 : memref<!tpu.dma_semaphore, #tpu.memory_space<semaphore_mem>>)
      } else {
      }
      %dma_wait3A_168 = arith.constant 0 : i32
      %dma_wait3A_169 = tpu.memref_slice %arg4[%add3A, %add3A_147, %dma_wait3A_168] : memref<32x84x120xi32, #tpu.memory_space<hbm>> -> memref<1x1x120xi32, #tpu.memory_space<hbm>>
      %dma_wait3A_170 = tpu.memref_squeeze %dma_wait3A_169 : memref<1x1x120xi32, #tpu.memory_space<hbm>> -> memref<120xi32, #tpu.memory_space<hbm>>
      %dma_wait3A_171 = arith.constant 0 : i32
      %dma_wait3A_172 = tpu.memref_slice %arg4[%add3A, %add3A_147, %dma_wait3A_171] : memref<32x84x120xi32, #tpu.memory_space<hbm>> -> memref<1x1x120xi32, #tpu.memory_space<hbm>>
      %dma_wait3A_173 = tpu.memref_squeeze %dma_wait3A_172 : memref<1x1x120xi32, #tpu.memory_space<hbm>> -> memref<120xi32, #tpu.memory_space<hbm>>
      tpu.wait_dma2 semaphore(%arg21 : memref<!tpu.dma_semaphore, #tpu.memory_space<semaphore_mem>>) src(%dma_wait3A_173 : memref<120xi32, #tpu.memory_space<hbm>>) dst(%arg11 : memref<120xi32, #tpu.memory_space<vmem>>)
      %dma_start3A_174 = arith.constant 0 : i32
      %dma_start3A_175 = arith.constant 0 : i32
      %dma_start3A_176 = tpu.memref_slice %arg15[%dma_start3A_174, %dma_start3A_175] : memref<10240x128xf32, #tpu.memory_space<vmem_shared>> -> memref<10240x128xf32, #tpu.memory_space<vmem_shared>>
      tpu.enqueue_indirect_dma source(%arg14 : memref<120x128xf32, #tpu.memory_space<vmem>>) target(%dma_start3A_176 : memref<10240x128xf32, #tpu.memory_space<vmem_shared>>) offsets(%arg11 : memref<120xi32, #tpu.memory_space<vmem>>) semaphore(%arg27 : memref<!tpu.dma_semaphore, #tpu.memory_space<semaphore_mem>>) {add = true}
    }
    %scan3A_76 = arith.constant 28 : i32
    %dma_wait3A_77 = arith.constant 0 : i32
    %dma_wait3A_78 = arith.constant 0 : i32
    %dma_wait3A_79 = tpu.memref_slice %arg15[%dma_wait3A_77, %dma_wait3A_78] : memref<10240x128xf32, #tpu.memory_space<vmem_shared>> -> memref<10240x128xf32, #tpu.memory_space<vmem_shared>>
    tpu.wait_indirect_dma semaphore(%arg27 : memref<!tpu.dma_semaphore, #tpu.memory_space<semaphore_mem>>) src(%arg14 : memref<120x128xf32, #tpu.memory_space<vmem>>) dst(%dma_wait3A_79 : memref<10240x128xf32, #tpu.memory_space<vmem_shared>>)
    %barrier3A_80 = arith.constant 0 : index
    tpu.barrier barrier_id(%barrier3A_80)
    "tpu.region"() ({
      %run_scoped3A = tpu.sem_alloc : memref<!tpu.dma_semaphore, #tpu.memory_space<semaphore_mem>>
      %dma_start3A_81 = arith.constant 0 : i32
      %dma_start3A_82 = tpu.memref_slice %arg5[%arg0, %mul3A_6, %dma_start3A_81] : memref<2x10240x128xf32, #tpu.memory_space<hbm>> -> memref<1x640x128xf32, #tpu.memory_space<hbm>>
      %dma_start3A_83 = tpu.memref_squeeze %dma_start3A_82 : memref<1x640x128xf32, #tpu.memory_space<hbm>> -> memref<640x128xf32, #tpu.memory_space<hbm>>
      %dma_start3A_84 = arith.constant 0 : i32
      %dma_start3A_85 = tpu.memref_slice %arg15[%mul3A_6, %dma_start3A_84] : memref<10240x128xf32, #tpu.memory_space<vmem_shared>> -> memref<640x128xf32, #tpu.memory_space<vmem_shared>>
      tpu.enqueue_dma source(%dma_start3A_85 : memref<640x128xf32, #tpu.memory_space<vmem_shared>>) target(%dma_start3A_83 : memref<640x128xf32, #tpu.memory_space<hbm>>) target_semaphore(%run_scoped3A : memref<!tpu.dma_semaphore, #tpu.memory_space<semaphore_mem>>)
      %dma_wait3A_86 = arith.constant 0 : i32
      %dma_wait3A_87 = tpu.memref_slice %arg5[%arg0, %mul3A_6, %dma_wait3A_86] : memref<2x10240x128xf32, #tpu.memory_space<hbm>> -> memref<1x640x128xf32, #tpu.memory_space<hbm>>
      %dma_wait3A_88 = tpu.memref_squeeze %dma_wait3A_87 : memref<1x640x128xf32, #tpu.memory_space<hbm>> -> memref<640x128xf32, #tpu.memory_space<hbm>>
      %dma_wait3A_89 = arith.constant 0 : i32
      %dma_wait3A_90 = tpu.memref_slice %arg15[%mul3A_6, %dma_wait3A_89] : memref<10240x128xf32, #tpu.memory_space<vmem_shared>> -> memref<640x128xf32, #tpu.memory_space<vmem_shared>>
      tpu.wait_dma2 semaphore(%run_scoped3A : memref<!tpu.dma_semaphore, #tpu.memory_space<semaphore_mem>>) src(%dma_wait3A_90 : memref<640x128xf32, #tpu.memory_space<vmem_shared>>) dst(%dma_wait3A_88 : memref<640x128xf32, #tpu.memory_space<hbm>>)
      tpu.yield
    }) : () -> ()
    return
  }
}

module attributes {stable_mosaic.version = 14 : i64} {
  func.func @_tc_mm0(%arg0: memref<10000x128xf32, #tpu.memory_space<vmem>>, %arg1: memref<128x128xf32, #tpu.memory_space<vmem>>, %arg2: memref<10000x128xf32, #tpu.memory_space<vmem>>) attributes {dimension_semantics = [], scalar_prefetch = 0 : i64, scratch_operands = 0 : i64, tpu.core_type = #tpu.core_type<tc>} {
    %get3A = arith.constant 0 : index
    %get3A_0 = arith.constant 0 : index
    %get3A_1 = vector.load %arg0[%get3A, %get3A_0] : memref<10000x128xf32, #tpu.memory_space<vmem>>, vector<10000x128xf32>
    %get3A_2 = arith.constant 0 : index
    %get3A_3 = arith.constant 0 : index
    %get3A_4 = vector.load %arg1[%get3A_2, %get3A_3] : memref<128x128xf32, #tpu.memory_space<vmem>>, vector<128x128xf32>
    %dot_general3A = arith.constant dense<0.000000e+00> : vector<10000x128xf32>
    %dot_general3A_5 = tpu.matmul %get3A_1, %get3A_4, %dot_general3A {dimension_numbers = #tpu.dot_dimension_numbers<[1], [0], [0], [1], [0, 0, 1, 1], [], []>, transpose_lhs_hint = false} : vector<10000x128xf32>, vector<128x128xf32>, vector<10000x128xf32> -> vector<10000x128xf32>
    %swap3A = arith.constant 0 : index
    %swap3A_6 = arith.constant 0 : index
    %swap3A_7 = vector.load %arg2[%swap3A, %swap3A_6] : memref<10000x128xf32, #tpu.memory_space<vmem>>, vector<10000x128xf32>
    tpu.vector_store %arg2[%swap3A, %swap3A_6], %dot_general3A_5 {strides = array<i32>} : memref<10000x128xf32, #tpu.memory_space<vmem>>, vector<10000x128xf32>,
    return
  }
}

module attributes {stable_mosaic.version = 14 : i64} {
  func.func @_tc_scale0(%arg0: memref<10000x128xf32, #tpu.memory_space<vmem>>, %arg1: memref<2x10240x1xf32, #tpu.memory_space<vmem>>, %arg2: memref<10240x128xf32, #tpu.memory_space<vmem>>) attributes {dimension_semantics = [], scalar_prefetch = 0 : i64, scratch_operands = 0 : i64, tpu.core_type = #tpu.core_type<tc>} {
    %get3A = arith.constant 0 : index
    %get3A_0 = arith.constant 0 : index
    %get3A_1 = vector.load %arg0[%get3A, %get3A_0] : memref<10000x128xf32, #tpu.memory_space<vmem>>, vector<10000x128xf32>
    %get3A_2 = arith.constant 0 : index
    %get3A_3 = arith.constant 0 : index
    %get3A_4 = arith.constant 0 : index
    %get3A_5 = vector.load %arg1[%get3A_2, %get3A_3, %get3A_4] : memref<2x10240x1xf32, #tpu.memory_space<vmem>>, vector<1x10240x1xf32>
    %get3A_6 = vector.shape_cast %get3A_5 : vector<1x10240x1xf32> to vector<10240x1xf32>
    %get3A_7 = arith.constant 1 : index
    %get3A_8 = arith.constant 0 : index
    %get3A_9 = arith.constant 0 : index
    %get3A_10 = vector.load %arg1[%get3A_7, %get3A_8, %get3A_9] : memref<2x10240x1xf32, #tpu.memory_space<vmem>>, vector<1x10240x1xf32>
    %get3A_11 = vector.shape_cast %get3A_10 : vector<1x10240x1xf32> to vector<10240x1xf32>
    %add3A = arith.addf %get3A_6, %get3A_11 : vector<10240x1xf32>
    %max3A = arith.constant 1.000000e+00 : f32
    %max3A_12 = vector.broadcast %max3A : f32 to vector<10240x1xf32>
    %max3A_13 = arith.maximumf %add3A, %max3A_12 : vector<10240x1xf32>
    %rsqrt3A = math.rsqrt %max3A_13 : vector<10240x1xf32>
    %slice3A = vector.extract_strided_slice %rsqrt3A {offsets = [0, 0], sizes = [10000, 1], strides = [1, 1]} : vector<10240x1xf32> to vector<10000x1xf32>
    %mul3A = vector.broadcast %slice3A : vector<10000x1xf32> to vector<10000x128xf32>
    %mul3A_14 = arith.mulf %get3A_1, %mul3A : vector<10000x128xf32>
    %swap3A = arith.constant 0 : index
    %swap3A_15 = arith.constant 0 : index
    %swap3A_16 = vector.load %arg2[%swap3A, %swap3A_15] : memref<10240x128xf32, #tpu.memory_space<vmem>>, vector<10000x128xf32>
    tpu.vector_store %arg2[%swap3A, %swap3A_15], %mul3A_14 {strides = array<i32>} : memref<10240x128xf32, #tpu.memory_space<vmem>>, vector<10000x128xf32>,
    %broadcast_in_dim3A = arith.constant 0.000000e+00 : f32
    %broadcast_in_dim3A_17 = vector.broadcast %broadcast_in_dim3A : f32 to vector<240x128xf32>
    %swap3A_18 = arith.constant 10000 : index
    %swap3A_19 = arith.constant 0 : index
    %swap3A_20 = vector.load %arg2[%swap3A_18, %swap3A_19] : memref<10240x128xf32, #tpu.memory_space<vmem>>, vector<240x128xf32>
    tpu.vector_store %arg2[%swap3A_18, %swap3A_19], %broadcast_in_dim3A_17 {strides = array<i32>} : memref<10240x128xf32, #tpu.memory_space<vmem>>, vector<240x128xf32>,
    return
  }
}

module attributes {stable_mosaic.version = 14 : i64} {
  func.func @_tc_mid(%arg0: memref<2x10240x128xf32, #tpu.memory_space<vmem>>, %arg1: memref<2x10240x1xf32, #tpu.memory_space<vmem>>, %arg2: memref<2x10240x1xf32, #tpu.memory_space<vmem>>, %arg3: memref<1x128xf32, #tpu.memory_space<vmem>>, %arg4: memref<1x128xf32, #tpu.memory_space<vmem>>, %arg5: memref<1x128xf32, #tpu.memory_space<vmem>>, %arg6: memref<128x128xf32, #tpu.memory_space<vmem>>, %arg7: memref<10000x128xf32, #tpu.memory_space<vmem>>, %arg8: memref<10240x128xf32, #tpu.memory_space<vmem>>) attributes {dimension_semantics = [], scalar_prefetch = 0 : i64, scratch_operands = 0 : i64, tpu.core_type = #tpu.core_type<tc>} {
    %get3A = arith.constant 0 : index
    %get3A_0 = arith.constant 0 : index
    %get3A_1 = arith.constant 0 : index
    %get3A_2 = vector.load %arg1[%get3A, %get3A_0, %get3A_1] : memref<2x10240x1xf32, #tpu.memory_space<vmem>>, vector<1x10240x1xf32>
    %get3A_3 = vector.shape_cast %get3A_2 : vector<1x10240x1xf32> to vector<10240x1xf32>
    %get3A_4 = arith.constant 1 : index
    %get3A_5 = arith.constant 0 : index
    %get3A_6 = arith.constant 0 : index
    %get3A_7 = vector.load %arg1[%get3A_4, %get3A_5, %get3A_6] : memref<2x10240x1xf32, #tpu.memory_space<vmem>>, vector<1x10240x1xf32>
    %get3A_8 = vector.shape_cast %get3A_7 : vector<1x10240x1xf32> to vector<10240x1xf32>
    %add3A = arith.addf %get3A_3, %get3A_8 : vector<10240x1xf32>
    %max3A = arith.constant 1.000000e+00 : f32
    %max3A_9 = vector.broadcast %max3A : f32 to vector<10240x1xf32>
    %max3A_10 = arith.maximumf %add3A, %max3A_9 : vector<10240x1xf32>
    %rsqrt3A = math.rsqrt %max3A_10 : vector<10240x1xf32>
    %slice3A = vector.extract_strided_slice %rsqrt3A {offsets = [0, 0], sizes = [10000, 1], strides = [1, 1]} : vector<10240x1xf32> to vector<10000x1xf32>
    %get3A_11 = arith.constant 0 : index
    %get3A_12 = arith.constant 0 : index
    %get3A_13 = arith.constant 0 : index
    %get3A_14 = vector.load %arg0[%get3A_11, %get3A_12, %get3A_13] : memref<2x10240x128xf32, #tpu.memory_space<vmem>>, vector<1x10000x128xf32>
    %get3A_15 = vector.shape_cast %get3A_14 : vector<1x10000x128xf32> to vector<10000x128xf32>
    %get3A_16 = arith.constant 1 : index
    %get3A_17 = arith.constant 0 : index
    %get3A_18 = arith.constant 0 : index
    %get3A_19 = vector.load %arg0[%get3A_16, %get3A_17, %get3A_18] : memref<2x10240x128xf32, #tpu.memory_space<vmem>>, vector<1x10000x128xf32>
    %get3A_20 = vector.shape_cast %get3A_19 : vector<1x10000x128xf32> to vector<10000x128xf32>
    %add3A_21 = arith.addf %get3A_15, %get3A_20 : vector<10000x128xf32>
    %mul3A = vector.broadcast %slice3A : vector<10000x1xf32> to vector<10000x128xf32>
    %mul3A_22 = arith.mulf %add3A_21, %mul3A : vector<10000x128xf32>
    %get3A_23 = arith.constant 0 : index
    %get3A_24 = arith.constant 0 : index
    %get3A_25 = vector.load %arg3[%get3A_23, %get3A_24] : memref<1x128xf32, #tpu.memory_space<vmem>>, vector<1x128xf32>
    %add3A_26 = vector.broadcast %get3A_25 : vector<1x128xf32> to vector<10000x128xf32>
    %add3A_27 = arith.addf %mul3A_22, %add3A_26 : vector<10000x128xf32>
    %get3A_28 = arith.constant 0 : index
    %get3A_29 = arith.constant 0 : index
    %get3A_30 = vector.load %arg4[%get3A_28, %get3A_29] : memref<1x128xf32, #tpu.memory_space<vmem>>, vector<1x128xf32>
    %get3A_31 = arith.constant 0 : index
    %get3A_32 = arith.constant 0 : index
    %get3A_33 = vector.load %arg5[%get3A_31, %get3A_32] : memref<1x128xf32, #tpu.memory_space<vmem>>, vector<1x128xf32>
    %reduce_sum3A = arith.constant dense<0.000000e+00> : vector<128xf32>
    %reduce_sum3A_34 = vector.multi_reduction <add>, %add3A_27, %reduce_sum3A [0] : vector<10000x128xf32> to vector<128xf32>
    %broadcast_in_dim3A = vector.shape_cast %reduce_sum3A_34 : vector<128xf32> to vector<1x128xf32>
    %div3A = arith.constant 1.000000e+04 : f32
    %div3A_35 = vector.broadcast %div3A : f32 to vector<1x128xf32>
    %div3A_36 = arith.divf %broadcast_in_dim3A, %div3A_35 : vector<1x128xf32>
    %sub3A = vector.broadcast %div3A_36 : vector<1x128xf32> to vector<10000x128xf32>
    %sub3A_37 = arith.subf %add3A_27, %sub3A : vector<10000x128xf32>
    %integer_pow3A = arith.mulf %sub3A_37, %sub3A_37 : vector<10000x128xf32>
    %reduce_sum3A_38 = arith.constant dense<0.000000e+00> : vector<128xf32>
    %reduce_sum3A_39 = vector.multi_reduction <add>, %integer_pow3A, %reduce_sum3A_38 [0] : vector<10000x128xf32> to vector<128xf32>
    %broadcast_in_dim3A_40 = vector.shape_cast %reduce_sum3A_39 : vector<128xf32> to vector<1x128xf32>
    %div3A_41 = arith.constant 1.000000e+04 : f32
    %div3A_42 = vector.broadcast %div3A_41 : f32 to vector<1x128xf32>
    %div3A_43 = arith.divf %broadcast_in_dim3A_40, %div3A_42 : vector<1x128xf32>
    %sub3A_44 = vector.broadcast %div3A_36 : vector<1x128xf32> to vector<10000x128xf32>
    %sub3A_45 = arith.subf %add3A_27, %sub3A_44 : vector<10000x128xf32>
    %mul3A_46 = vector.broadcast %get3A_30 : vector<1x128xf32> to vector<10000x128xf32>
    %mul3A_47 = arith.mulf %mul3A_46, %sub3A_45 : vector<10000x128xf32>
    %add3A_48 = arith.constant 1.000000e-03 : f32
    %add3A_49 = vector.broadcast %add3A_48 : f32 to vector<1x128xf32>
    %add3A_50 = arith.addf %div3A_43, %add3A_49 : vector<1x128xf32>
    %rsqrt3A_51 = math.rsqrt %add3A_50 : vector<1x128xf32>
    %mul3A_52 = vector.broadcast %rsqrt3A_51 : vector<1x128xf32> to vector<10000x128xf32>
    %mul3A_53 = arith.mulf %mul3A_47, %mul3A_52 : vector<10000x128xf32>
    %add3A_54 = vector.broadcast %get3A_33 : vector<1x128xf32> to vector<10000x128xf32>
    %add3A_55 = arith.addf %mul3A_53, %add3A_54 : vector<10000x128xf32>
    %max3A_56 = arith.constant 0.000000e+00 : f32
    %max3A_57 = vector.broadcast %max3A_56 : f32 to vector<10000x128xf32>
    %max3A_58 = arith.maximumf %add3A_55, %max3A_57 : vector<10000x128xf32>
    %swap3A = arith.constant 0 : index
    %swap3A_59 = arith.constant 0 : index
    %swap3A_60 = vector.load %arg7[%swap3A, %swap3A_59] : memref<10000x128xf32, #tpu.memory_space<vmem>>, vector<10000x128xf32>
    tpu.vector_store %arg7[%swap3A, %swap3A_59], %max3A_58 {strides = array<i32>} : memref<10000x128xf32, #tpu.memory_space<vmem>>, vector<10000x128xf32>,
    %get3A_61 = arith.constant 0 : index
    %get3A_62 = arith.constant 0 : index
    %get3A_63 = arith.constant 0 : index
    %get3A_64 = vector.load %arg2[%get3A_61, %get3A_62, %get3A_63] : memref<2x10240x1xf32, #tpu.memory_space<vmem>>, vector<1x10240x1xf32>
    %get3A_65 = vector.shape_cast %get3A_64 : vector<1x10240x1xf32> to vector<10240x1xf32>
    %get3A_66 = arith.constant 1 : index
    %get3A_67 = arith.constant 0 : index
    %get3A_68 = arith.constant 0 : index
    %get3A_69 = vector.load %arg2[%get3A_66, %get3A_67, %get3A_68] : memref<2x10240x1xf32, #tpu.memory_space<vmem>>, vector<1x10240x1xf32>
    %get3A_70 = vector.shape_cast %get3A_69 : vector<1x10240x1xf32> to vector<10240x1xf32>
    %add3A_71 = arith.addf %get3A_65, %get3A_70 : vector<10240x1xf32>
    %max3A_72 = arith.constant 1.000000e+00 : f32
    %max3A_73 = vector.broadcast %max3A_72 : f32 to vector<10240x1xf32>
    %max3A_74 = arith.maximumf %add3A_71, %max3A_73 : vector<10240x1xf32>
    %rsqrt3A_75 = math.rsqrt %max3A_74 : vector<10240x1xf32>
    %slice3A_76 = vector.extract_strided_slice %rsqrt3A_75 {offsets = [0, 0], sizes = [10000, 1], strides = [1, 1]} : vector<10240x1xf32> to vector<10000x1xf32>
    %get3A_77 = arith.constant 0 : index
    %get3A_78 = arith.constant 0 : index
    %get3A_79 = vector.load %arg6[%get3A_77, %get3A_78] : memref<128x128xf32, #tpu.memory_space<vmem>>, vector<128x128xf32>
    %dot_general3A = arith.constant dense<0.000000e+00> : vector<10000x128xf32>
    %dot_general3A_80 = tpu.matmul %max3A_58, %get3A_79, %dot_general3A {dimension_numbers = #tpu.dot_dimension_numbers<[1], [0], [0], [1], [0, 0, 1, 1], [], []>, transpose_lhs_hint = false} : vector<10000x128xf32>, vector<128x128xf32>, vector<10000x128xf32> -> vector<10000x128xf32>
    %mul3A_81 = vector.broadcast %slice3A_76 : vector<10000x1xf32> to vector<10000x128xf32>
    %mul3A_82 = arith.mulf %dot_general3A_80, %mul3A_81 : vector<10000x128xf32>
    %swap3A_83 = arith.constant 0 : index
    %swap3A_84 = arith.constant 0 : index
    %swap3A_85 = vector.load %arg8[%swap3A_83, %swap3A_84] : memref<10240x128xf32, #tpu.memory_space<vmem>>, vector<10000x128xf32>
    tpu.vector_store %arg8[%swap3A_83, %swap3A_84], %mul3A_82 {strides = array<i32>} : memref<10240x128xf32, #tpu.memory_space<vmem>>, vector<10000x128xf32>,
    %broadcast_in_dim3A_86 = arith.constant 0.000000e+00 : f32
    %broadcast_in_dim3A_87 = vector.broadcast %broadcast_in_dim3A_86 : f32 to vector<240x128xf32>
    %swap3A_88 = arith.constant 10000 : index
    %swap3A_89 = arith.constant 0 : index
    %swap3A_90 = vector.load %arg8[%swap3A_88, %swap3A_89] : memref<10240x128xf32, #tpu.memory_space<vmem>>, vector<240x128xf32>
    tpu.vector_store %arg8[%swap3A_88, %swap3A_89], %broadcast_in_dim3A_87 {strides = array<i32>} : memref<10240x128xf32, #tpu.memory_space<vmem>>, vector<240x128xf32>,
    return
  }
}

module attributes {stable_mosaic.version = 14 : i64} {
  func.func @_tc_final(%arg0: memref<2x10240x128xf32, #tpu.memory_space<vmem>>, %arg1: memref<2x10240x1xf32, #tpu.memory_space<vmem>>, %arg2: memref<1x128xf32, #tpu.memory_space<vmem>>, %arg3: memref<1x128xf32, #tpu.memory_space<vmem>>, %arg4: memref<1x128xf32, #tpu.memory_space<vmem>>, %arg5: memref<10000x128xf32, #tpu.memory_space<vmem>>, %arg6: memref<128x64xf32, #tpu.memory_space<vmem>>, %arg7: memref<1x64xf32, #tpu.memory_space<vmem>>, %arg8: memref<1x64xf32, #tpu.memory_space<vmem>>) attributes {dimension_semantics = [], scalar_prefetch = 0 : i64, scratch_operands = 0 : i64, tpu.core_type = #tpu.core_type<tc>} {
    %get3A = arith.constant 0 : index
    %get3A_0 = arith.constant 0 : index
    %get3A_1 = arith.constant 0 : index
    %get3A_2 = vector.load %arg1[%get3A, %get3A_0, %get3A_1] : memref<2x10240x1xf32, #tpu.memory_space<vmem>>, vector<1x10240x1xf32>
    %get3A_3 = vector.shape_cast %get3A_2 : vector<1x10240x1xf32> to vector<10240x1xf32>
    %get3A_4 = arith.constant 1 : index
    %get3A_5 = arith.constant 0 : index
    %get3A_6 = arith.constant 0 : index
    %get3A_7 = vector.load %arg1[%get3A_4, %get3A_5, %get3A_6] : memref<2x10240x1xf32, #tpu.memory_space<vmem>>, vector<1x10240x1xf32>
    %get3A_8 = vector.shape_cast %get3A_7 : vector<1x10240x1xf32> to vector<10240x1xf32>
    %add3A = arith.addf %get3A_3, %get3A_8 : vector<10240x1xf32>
    %max3A = arith.constant 1.000000e+00 : f32
    %max3A_9 = vector.broadcast %max3A : f32 to vector<10240x1xf32>
    %max3A_10 = arith.maximumf %add3A, %max3A_9 : vector<10240x1xf32>
    %rsqrt3A = math.rsqrt %max3A_10 : vector<10240x1xf32>
    %slice3A = vector.extract_strided_slice %rsqrt3A {offsets = [0, 0], sizes = [10000, 1], strides = [1, 1]} : vector<10240x1xf32> to vector<10000x1xf32>
    %get3A_11 = arith.constant 0 : index
    %get3A_12 = arith.constant 0 : index
    %get3A_13 = arith.constant 0 : index
    %get3A_14 = vector.load %arg0[%get3A_11, %get3A_12, %get3A_13] : memref<2x10240x128xf32, #tpu.memory_space<vmem>>, vector<1x10000x128xf32>
    %get3A_15 = vector.shape_cast %get3A_14 : vector<1x10000x128xf32> to vector<10000x128xf32>
    %get3A_16 = arith.constant 1 : index
    %get3A_17 = arith.constant 0 : index
    %get3A_18 = arith.constant 0 : index
    %get3A_19 = vector.load %arg0[%get3A_16, %get3A_17, %get3A_18] : memref<2x10240x128xf32, #tpu.memory_space<vmem>>, vector<1x10000x128xf32>
    %get3A_20 = vector.shape_cast %get3A_19 : vector<1x10000x128xf32> to vector<10000x128xf32>
    %add3A_21 = arith.addf %get3A_15, %get3A_20 : vector<10000x128xf32>
    %mul3A = vector.broadcast %slice3A : vector<10000x1xf32> to vector<10000x128xf32>
    %mul3A_22 = arith.mulf %add3A_21, %mul3A : vector<10000x128xf32>
    %get3A_23 = arith.constant 0 : index
    %get3A_24 = arith.constant 0 : index
    %get3A_25 = vector.load %arg2[%get3A_23, %get3A_24] : memref<1x128xf32, #tpu.memory_space<vmem>>, vector<1x128xf32>
    %add3A_26 = vector.broadcast %get3A_25 : vector<1x128xf32> to vector<10000x128xf32>
    %add3A_27 = arith.addf %mul3A_22, %add3A_26 : vector<10000x128xf32>
    %get3A_28 = arith.constant 0 : index
    %get3A_29 = arith.constant 0 : index
    %get3A_30 = vector.load %arg3[%get3A_28, %get3A_29] : memref<1x128xf32, #tpu.memory_space<vmem>>, vector<1x128xf32>
    %get3A_31 = arith.constant 0 : index
    %get3A_32 = arith.constant 0 : index
    %get3A_33 = vector.load %arg4[%get3A_31, %get3A_32] : memref<1x128xf32, #tpu.memory_space<vmem>>, vector<1x128xf32>
    %reduce_sum3A = arith.constant dense<0.000000e+00> : vector<128xf32>
    %reduce_sum3A_34 = vector.multi_reduction <add>, %add3A_27, %reduce_sum3A [0] : vector<10000x128xf32> to vector<128xf32>
    %broadcast_in_dim3A = vector.shape_cast %reduce_sum3A_34 : vector<128xf32> to vector<1x128xf32>
    %div3A = arith.constant 1.000000e+04 : f32
    %div3A_35 = vector.broadcast %div3A : f32 to vector<1x128xf32>
    %div3A_36 = arith.divf %broadcast_in_dim3A, %div3A_35 : vector<1x128xf32>
    %sub3A = vector.broadcast %div3A_36 : vector<1x128xf32> to vector<10000x128xf32>
    %sub3A_37 = arith.subf %add3A_27, %sub3A : vector<10000x128xf32>
    %integer_pow3A = arith.mulf %sub3A_37, %sub3A_37 : vector<10000x128xf32>
    %reduce_sum3A_38 = arith.constant dense<0.000000e+00> : vector<128xf32>
    %reduce_sum3A_39 = vector.multi_reduction <add>, %integer_pow3A, %reduce_sum3A_38 [0] : vector<10000x128xf32> to vector<128xf32>
    %broadcast_in_dim3A_40 = vector.shape_cast %reduce_sum3A_39 : vector<128xf32> to vector<1x128xf32>
    %div3A_41 = arith.constant 1.000000e+04 : f32
    %div3A_42 = vector.broadcast %div3A_41 : f32 to vector<1x128xf32>
    %div3A_43 = arith.divf %broadcast_in_dim3A_40, %div3A_42 : vector<1x128xf32>
    %sub3A_44 = vector.broadcast %div3A_36 : vector<1x128xf32> to vector<10000x128xf32>
    %sub3A_45 = arith.subf %add3A_27, %sub3A_44 : vector<10000x128xf32>
    %mul3A_46 = vector.broadcast %get3A_30 : vector<1x128xf32> to vector<10000x128xf32>
    %mul3A_47 = arith.mulf %mul3A_46, %sub3A_45 : vector<10000x128xf32>
    %add3A_48 = arith.constant 1.000000e-03 : f32
    %add3A_49 = vector.broadcast %add3A_48 : f32 to vector<1x128xf32>
    %add3A_50 = arith.addf %div3A_43, %add3A_49 : vector<1x128xf32>
    %rsqrt3A_51 = math.rsqrt %add3A_50 : vector<1x128xf32>
    %mul3A_52 = vector.broadcast %rsqrt3A_51 : vector<1x128xf32> to vector<10000x128xf32>
    %mul3A_53 = arith.mulf %mul3A_47, %mul3A_52 : vector<10000x128xf32>
    %add3A_54 = vector.broadcast %get3A_33 : vector<1x128xf32> to vector<10000x128xf32>
    %add3A_55 = arith.addf %mul3A_53, %add3A_54 : vector<10000x128xf32>
    %max3A_56 = arith.constant 0.000000e+00 : f32
    %max3A_57 = vector.broadcast %max3A_56 : f32 to vector<10000x128xf32>
    %max3A_58 = arith.maximumf %add3A_55, %max3A_57 : vector<10000x128xf32>
    %get3A_59 = arith.constant 0 : index
    %get3A_60 = arith.constant 0 : index
    %get3A_61 = vector.load %arg5[%get3A_59, %get3A_60] : memref<10000x128xf32, #tpu.memory_space<vmem>>, vector<10000x128xf32>
    %add3A_62 = arith.addf %max3A_58, %get3A_61 : vector<10000x128xf32>
    %reduce_sum3A_63 = arith.constant dense<0.000000e+00> : vector<128xf32>
    %reduce_sum3A_64 = vector.multi_reduction <add>, %add3A_62, %reduce_sum3A_63 [0] : vector<10000x128xf32> to vector<128xf32>
    %broadcast_in_dim3A_65 = vector.shape_cast %reduce_sum3A_64 : vector<128xf32> to vector<1x128xf32>
    %div3A_66 = arith.constant 1.000000e+04 : f32
    %div3A_67 = vector.broadcast %div3A_66 : f32 to vector<1x128xf32>
    %div3A_68 = arith.divf %broadcast_in_dim3A_65, %div3A_67 : vector<1x128xf32>
    %get3A_69 = arith.constant 0 : index
    %get3A_70 = arith.constant 0 : index
    %get3A_71 = vector.load %arg6[%get3A_69, %get3A_70] : memref<128x64xf32, #tpu.memory_space<vmem>>, vector<128x64xf32>
    %dot_general3A = arith.constant dense<0.000000e+00> : vector<1x64xf32>
    %dot_general3A_72 = tpu.matmul %div3A_68, %get3A_71, %dot_general3A {dimension_numbers = #tpu.dot_dimension_numbers<[1], [0], [0], [1], [0, 0, 1, 1], [], []>, transpose_lhs_hint = false} : vector<1x128xf32>, vector<128x64xf32>, vector<1x64xf32> -> vector<1x64xf32>
    %get3A_73 = arith.constant 0 : index
    %get3A_74 = arith.constant 0 : index
    %get3A_75 = vector.load %arg7[%get3A_73, %get3A_74] : memref<1x64xf32, #tpu.memory_space<vmem>>, vector<1x64xf32>
    %add3A_76 = arith.addf %dot_general3A_72, %get3A_75 : vector<1x64xf32>
    %swap3A = arith.constant 0 : index
    %swap3A_77 = arith.constant 0 : index
    %swap3A_78 = vector.load %arg8[%swap3A, %swap3A_77] : memref<1x64xf32, #tpu.memory_space<vmem>>, vector<1x64xf32>
    tpu.vector_store %arg8[%swap3A, %swap3A_77], %add3A_76 {strides = array<i32>} : memref<1x64xf32, #tpu.memory_space<vmem>>, vector<1x64xf32>,
    return
  }
}

</mosaic_0001>

<sc_bundles>
// kernel: kernel.12.cloned.1.call-start
scs
__scs_entry_jumppad:
0x0: {  	(pc) =	sbr.rel $0x88, $3  }
0x1: {  	(tag) =	ssettag $0x0;
	lr =	simm.s32 $0x1  }
0x2: {  	[smem:$0x3F95] =	sst lr;
	_ =	strace $0xD0000000  }
0x3: {  	_ = 	snop  }
0x4: {  	_ = 	snop  }
0x5: {  	_ = 	snop  }
0x6: {  	_ = 	snop  }
0x7: {  	_ = 	snop  }
__scs_overlays_trampoline_lowered:
0x8: {  	[smem:$0x3FA4] =	sst s0  }
0x9: {  	[smem:$0x3FA5] =	sst s1  }
0xa: {  	[smem:$0x3FA6] =	sst s2  }
0xb: {  	[smem:$0x3FA7] =	sst s3  }
0xc: {  	[smem:$0x3FA8] =	sst s4  }
0xd: {  	[smem:$0x3FA9] =	sst s5  }
0xe: {  	[smem:$0x3FAA] =	sst s6  }
0xf: {  	[smem:$0x3FAB] =	sst s7  }
0x10: {  	[smem:$0x3FAC] =	sst s8  }
0x11: {  	[smem:$0x3FAD] =	sst s9;
	s0 =	simm.s32 @!p0 $0x0  }
0x12: {  	s1 =	sld [smem:$0x3F93];
	s0 =	simm.s32 @p0 $0x1  }
0x13: {  	[smem:$0x3FAE] =	sst s0;
	s0 =	simm.s32 @!p1 $0x0  }
0x14: {  	s2 =	sld [smem:$0x3F92];
	s0 =	simm.s32 @p1 $0x1  }
0x15: {  	[smem:$0x3FAF] =	sst s0;
	s0 =	simm.s32 @!p2 $0x0  }
0x16: {  	s3 =	sld [smem:$0x3FDB];
	s0 =	simm.s32 @p2 $0x1  }
0x17: {  	s4 =	simm.s32 $0x1BF5;
	[smem:$0x3FB1] =	sst s0  }
0x18: {  	s0 =	sld [smem:$0x3F94];
	_ =	swait.ge [sflag:s4], $0x0  }
0x19: {  	s7 =	sld [smem:$0x3F95]  }
0x1a: {  	s8 =	sadd.s32 $0xFFFFE003, lr  }
0x1b: {  	s9 =	sadd.s32 $0xFFFFFEF7, lr;
	s5 =	simm.s32 $0xFFFFFFFF;
	p2 =	slt.u32 s8, $0xFFFFF086  }
0x1c: {  	p1 =	slt.u32 s9, $0xF7A;
	s5 =	simm.s32 @!p2 $0x0  }
0x1d: {  	s5 =	simm.s32 @p1 $0x1;
	p0 =	seq.s32 s7, s2  }
0x1e: {  	s7 =	smul.u32 @!p0 $0xF7A, s2;
	p2 =	seq.s32 @!p0 s5, $0x0  }
0x1f: {  	s9 =	smul.u32 $0xF7A, s1;
	s8 =	simm.s32 @!p0 $0x1BF5;
	p2 =	por !p2, p0  }
0x20: {  	[sflag:s8] =	ssyncset.s32 @!p0 $0xFFFFF086;
	s6 =	sadd.s32 @!p0 s3, s7;
	s7 =	simm.s32 @!p0 $0x108  }
0x21: {  	s3 =	sadd.s32 s3, s9;
	s6 =	sadd.s32 @!p0 $0x88, s6;
	s7 =	simm.s32 @p2 $0x1082  }
0x22: {  	[simem:s7], [sflag:s8] =	dma.local @!p0 [hbm:s6], $0xF7A  }
0x23: {  	s9 =	sor.u32 $0xD0000000, s2;
	s6 =	simm.s32 $0x108;
	_ =	swait.ge @!p0 [sflag:s8], $0x0  }
0x24: {  	s3 =	sadd.s32 $0x88, s3;
	s6 =	simm.s32 @!p1 $0x1082;
	[sflag:s4] =	ssyncset.s32 $0xFFFFF086  }
0x25: {  	[simem:s6], [sflag:s4] =	dma.local [hbm:s3], $0xF7A  }
0x26: {  	[smem:$0x3F95] =	sst s1;
	(tag) =	ssettag s2;
	_ =	strace s9  }
0x27: {  	s1 =	sld [smem:$0x3FA5]  }
0x28: {  	s2 =	sld [smem:$0x3FA6]  }
0x29: {  	s4 =	sld [smem:$0x3FA8]  }
0x2a: {  	p0 =	seq.s32 s5, $0x0;
	s5 =	sld [smem:$0x3FA9]  }
0x2b: {  	s6 =	sld [smem:$0x3FAA]  }
0x2c: {  	s7 =	sld [smem:$0x3FAB]  }
0x2d: {  	s3 =	simm.s32 $0x108;
	s8 =	sld [smem:$0x3FAC]  }
0x2e: {  	s3 =	simm.s32 @!p0 $0x1082;
	s9 =	sld [smem:$0x3FAD]  }
0x2f: {  	lr =	sadd.s32 s0, s3;
	s0 =	sld [smem:$0x3FA4]  }
0x30: {  	s3 =	sld [smem:$0x3FA7]  }
0x31: {  	[smem:$0x3FB0] =	sst s10  }
0x32: {  	s10 =	sld [smem:$0x3FAE];
	_ =	sdelay $0x3  }
0x33: {  	p0 =	seq.s32 s10, $0x1;
	s10 =	sld [smem:$0x3FB0];
	_ =	sdelay $0x3  }
0x34: {  	[smem:$0x3FB0] =	sst s10  }
0x35: {  	s10 =	sld [smem:$0x3FAF];
	_ =	sdelay $0x3  }
0x36: {  	p1 =	seq.s32 s10, $0x1;
	s10 =	sld [smem:$0x3FB0];
	_ =	sdelay $0x3  }
0x37: {  	[smem:$0x3FB0] =	sst s10  }
0x38: {  	s10 =	sld [smem:$0x3FB1]  }
0x39: {  	_ = 	snop;
	(pc) =	sbr.ind lr, $3  }
0x3a: {  	_ = 	snop  }
0x3b: {  	_ = 	snop  }
0x3c: {  	p2 =	seq.s32 s10, $0x1;
	s10 =	sld [smem:$0x3FB0]  }
0x3d: {  	_ =	shalt  }
0x3e: {  	_ =	shalt  }
0x3f: {  	_ =	shalt  }
0x40: {  	_ =	shalt  }
0x41: {  	_ =	shalt  }
0x42: {  	_ =	shalt  }
0x43: {  	_ =	shalt  }
0x44: {  	_ =	shalt  }
0x45: {  	_ =	shalt  }
0x46: {  	_ =	shalt  }
0x47: {  	_ =	shalt  }
0x48: {  	_ =	shalt  }
0x49: {  	_ =	shalt  }
0x4a: {  	_ =	shalt  }
0x4b: {  	_ =	shalt  }
0x4c: {  	_ =	shalt  }
0x4d: {  	_ =	shalt  }
0x4e: {  	_ =	shalt  }
0x4f: {  	_ =	shalt  }
0x50: {  	_ =	shalt  }
0x51: {  	_ =	shalt  }
0x52: {  	_ =	shalt  }
0x53: {  	_ =	shalt  }
0x54: {  	_ =	shalt  }
0x55: {  	_ =	shalt  }
0x56: {  	_ =	shalt  }
0x57: {  	_ =	shalt  }
0x58: {  	_ =	shalt  }
0x59: {  	_ =	shalt  }
0x5a: {  	_ =	shalt  }
0x5b: {  	_ =	shalt  }
0x5c: {  	_ =	shalt  }
0x5d: {  	_ =	shalt  }
0x5e: {  	_ =	shalt  }
0x5f: {  	_ =	shalt  }
0x60: {  	_ =	shalt  }
0x61: {  	_ =	shalt  }
0x62: {  	_ =	shalt  }
0x63: {  	_ =	shalt  }
0x64: {  	_ =	shalt  }
0x65: {  	_ =	shalt  }
0x66: {  	_ =	shalt  }
0x67: {  	_ =	shalt  }
0x68: {  	_ =	shalt  }
0x69: {  	_ =	shalt  }
0x6a: {  	_ =	shalt  }
0x6b: {  	_ =	shalt  }
0x6c: {  	_ =	shalt  }
0x6d: {  	_ =	shalt  }
0x6e: {  	_ =	shalt  }
0x6f: {  	_ =	shalt  }
0x70: {  	_ =	shalt  }
0x71: {  	_ =	shalt  }
0x72: {  	_ =	shalt  }
0x73: {  	_ =	shalt  }
0x74: {  	_ =	shalt  }
0x75: {  	_ =	shalt  }
0x76: {  	_ =	shalt  }
0x77: {  	_ =	shalt  }
0x78: {  	_ =	shalt  }
0x79: {  	_ =	shalt  }
0x7a: {  	_ =	shalt  }
0x7b: {  	_ =	shalt  }
0x7c: {  	_ =	shalt  }
0x7d: {  	_ =	shalt  }
0x7e: {  	_ =	shalt  }
0x7f: {  	_ =	shalt  }
0x80: {  	_ =	shalt  }
0x81: {  	_ =	shalt  }
0x82: {  	_ =	shalt  }
0x83: {  	_ =	shalt  }
0x84: {  	_ =	shalt  }
0x85: {  	_ =	shalt  }
0x86: {  	_ =	shalt  }
0x87: {  	_ =	shalt  }
.Lfunc_end0:
.L_simem_size_0:
called_computation.1_lowered:
.L_overlay_start_0:
0x88: {  	s2 =	sld [smem:$0x3FD9]  }
0x89: {  	s3 =	sld [smem:$0x3FFE];
	_ =	sdelay $0x1  }
0x8a: {  	s1 =	srdreg.scid  }
0x8b: {  	s0 =	sand.u32 $0x1, s1  }
0x8c: {  	s16 =	sshll.u32 s0, $0xA;
	s2 =	sadd.s32 s3, s2  }
0x8d: {  	s2 =	sadd.s32 s2, s16  }
0x8e: {  	[smem:$0x3FBC] =	sst s2  }
0x8f: {  	_ = 	snop  }
0x90: {  	(tm) =	ssettm $0x1  }
0x91: {  	s17 =	sld [smem:$0x3FFB];
	_ =	sdelay $0x3  }
0x92: {  	_ =	strace s17  }
0x93: {  	s2 =	sld [smem:$0x3FFC];
	_ =	sdelay $0x3  }
0x94: {  	_ =	strace s2  }
0x95: {  	s2 =	sld [smem:$0x3FFD];
	_ =	sdelay $0x3  }
0x96: {  	_ =	strace s2  }
0x97: {  	_ =	strace $0x8FFFFFFF  }
0x98: {  	s18 =	sld [smem:$0x3FDB];
	_ =	sdelay $0x1  }
0x99: {  	s19 =	simm.s32 $_scs_section_size  }
0x9a: {  	s4 =	simm.s32 $_size__tile_overlayer_lowered;
	s5 =	simm.s32 $_tile_overlayer_lowered  }
0x9b: {  	s22 =	simm.s32 $0x1BFF;
	s21 =	sshll.u32 s5, $0x1;
	s2 =	sadd.s32 s19, s18  }
0x9c: {  	s6 =	simm.s32 $0x0;
	s20 =	sshll.u32 s4, $0x1;
	s4 =	sadd.s32 s21, s2  }
0x9d: {  	[timem:s6], [sflag:s22] =	dma.local [hbm:s4], s20  }
0x9e: {  	_ =	swait.ge [sflag:s22], s20  }
0x9f: {  	s3 =	ssub.s32 $0x0, s20;
	[sflag:s22] =	ssyncset.done $0x0  }
0xa0: {  	[sflag:s22] =	ssyncadd.s32 s3;
	_ =	sdelay $0x1  }
0xa1: {  	s23 =	simm.s32 $0x1B8B  }
0xa2: {  	_ =	swait.ge [sflag:s23], $0x1  }
0xa3: {  	[sflag:s23] =	ssyncset.done $0x0  }
0xa4: {  	s25 =	simm.s32 $0x1B8E;
	s24 =	sld [smem:$0x3FFE];
	[sflag:s23] =	ssyncadd.s32 $0xFFFFFFFF  }
0xa5: {  	s26 =	simm.s32 $execute0_lowered;
	[smem:$0x3FD2] =	sst s25  }
0xa6: {  	s4 =	sshll.u32 s26, $0x1;
	_ =	strace $0x80000049;
	[dreg:$0x1] =	wrdreg $0xFFFFFFFF  }
0xa7: {  	s28 =	simm.s32 $_size_execute0_lowered;
	s2 =	sadd.s32 s2, s4;
	[dreg:$0x0] =	wrdreg $0x0  }
0xa8: {  	s4 =	sshll.u32 s28, $0x1;
	[dreg:$0x2] =	wrdreg s2  }
0xa9: {  	[dreg:$0x3] =	wrdreg s4  }
0xaa: {  	[dreg:$0x4] =	wrdreg $0xC0  }
0xab: {  	_ =	task [dreg:s6], $0x5FFFF  }
0xac: {  	[dreg:$0x1] =	wrdreg $0xFFFFFFFF  }
0xad: {  	[dreg:$0x0] =	wrdreg $0x60  }
0xae: {  	[dreg:$0x2] =	wrdreg s24  }
0xaf: {  	[dreg:$0x3] =	wrdreg $0xB7000  }
0xb0: {  	[dreg:$0x4] =	wrdreg $0x9  }
0xb1: {  	_ =	task.clear_ibuf [dreg:s6], $0x5FFFF;
	_ =	strace $0x90000049  }
0xb2: {  	s29 =	simm.s32 $0x9;
	_ =	strace $0x8000004B  }
0xb3: {  	_ =	swait.ge [sflag:s29], $0x1  }
0xb4: {  	[sflag:s29] =	ssyncadd.s32 $0xFFFFFFFF  }
0xb5: {  	_ =	strace $0x9000004B  }
0xb6: {  	_ =	sfence  }
0xb7: {  	s30 =	sld [smem:$0x0];
	_ =	sdelay $0x2  }
0xb8: {  	s31 =	sshll.u32 s1, $0xD;
	s1 =	sshrl.u32 s1, $0x2  }
0xb9: {  	s3 =	sand.u32 $0x4000, s31;
	s1 =	sadd.s32 s1, s30  }
0xba: {  	s0 =	sor.u32 s3, s0;
	s1 =	sshll.u32 s1, $0x11  }
0xbb: {  	s0 =	sor.u32 s1, s0  }
0xbc: {  	s0 =	sadd.s32 $0x8F2B, s0  }
0xbd: {  	[sflag:s0] =	ssyncadd.remote.s32 $0x1  }
0xbe: {  	_ =	sfence.sel $0xFFFF  }
0xbf: {  	[dreg:$0x0] =	wrdreg $0xFFFFFFFF;
	(pc) =	sbr.abs _section_cstart, $3  }
0xc0: {  	[dreg:$0x1] =	wrdreg $0xFFFFFFFF  }
0xc1: {  	_ =	task.clear_ibuf [dreg:s6], $0x2FFFF;
	_ =	strace $0x9FFFFFFF  }
0xc2: {  	(tm) =	ssettm $0x7FFFFFFF  }
0xc3: {  	_ =	shalt  }
tec
execute0_lowered:
.L_overlay_start_1:
0x0: {  	(tag) =	ssettag $0x1  }
0x1: {  	s0 =	rddreg [dreg:$0x0];
	s1 =	srdreg.scid  }
0x2: {  	s2 =	rddreg [dreg:$0x1];
	s9 =	stileid.u32  }
0x3: {  	s3 =	simm.s32 $0x0;
	s29 =	simm.s32 $0x78;
	s31 =	simm.s32 $0x3F00  }
0x4: {  	s12 =	simm.s32 $0x8;
	s13 =	simm.s32 $0x5;
	s1 =	sand.u32 $0x1, s1  }
0x5: {  	s6 =	smul.u32 $0x14000, s9;
	[smem:$0x7FF] =	sst s3;
	s4 =	sadd.s32 $0x6A800, s0  }
0x6: {  	s8 =	smul.u32 $0x50000, s9;
	s14 =	sshll.u32 s9, $0x1;
	s9 =	simm.s32 $0x7B00  }
0x7: {  	s5 =	smul.u32 $0x140000, s1;
	_ =	strace $0x8000004A;
	s15 =	ssub.s32 $0x2, s1  }
0x8: {  	s1 =	sor.u32 s1, s14;
	s16 =	sshrl.u32 s8, $0x2;
	s10 =	sshrl.u32 s15, $0x1  }
0x9: {  	s8 =	smul.u32 $0x2C00, s1;
	s1 =	simm.s32 $0x3;
	s6 =	sadd.s32 s6, s5  }
0xa: {  	s5 =	sadd.s32 $0x3400, s0;
	s20 =	sadd.s32 s16, s2;
	s17 =	ssub.s32 s15, s10  }
0xb: {  	s10 =	simm.s32 $0x280;
	s15 =	simm.s32 $0x9;
	s16 =	simm.s32 $0x6  }
0xc: {  	s7 =	sshrl.u32 s6, $0x3;
	s18 =	sadd.s32 $0x7800, s20;
	[dreg:$0x3] =	wrdreg s20  }
0xd: {  	s6 =	sadd.s32 $0xE400, s0;
	s19 =	sadd.s32 $0xB400, s20;
	[dreg:$0x5] =	wrdreg s18  }
0xe: {  	s21 =	sadd.s32 $0xF000, s20;
	s22 =	sshrl.u32 s8, $0x3;
	[dreg:$0x6] =	wrdreg s19  }
0xf: {  	s23 =	sadd.s32 $0x12C00, s20;
	s30 =	smax.u32 s17, $0x1;
	[dreg:$0x7] =	wrdreg s21  }
0x10: {  	s17 =	simm.s32 $0xC;
	s0 =	sadd.s32 s7, s0;
	[dreg:$0x8] =	wrdreg s23  }
0x11: {  	s7 =	sadd.s32 $0x3C00, s20;
	s24 =	sadd.s32 s5, s22;
	[dreg:$0xf] =	wrdreg s30  }
0x12: {  	s25 =	sor.u32 $0x10, s22;
	s26 =	sadd.s32 s6, s22;
	[dreg:$0x4] =	wrdreg s7  }
0x13: {  	s21 =	simm.s32 $0x300;
	s22 =	simm.s32 $0xD;
	[dreg:$0x9] =	wrdreg s24  }
0x14: {  	s18 =	simm.s32 $0x0;
	s11 =	sadd.s32 s5, s25;
	[dreg:$0xc] =	wrdreg s26  }
0x15: {  	s7 =	sadd.s32 $0x20, s24;
	s28 =	sadd.s32 s6, s25;
	[dreg:$0xa] =	wrdreg s11  }
0x16: {  	s0 =	sadd.s32 $0x92800, s0;
	s24 =	simm.s32 $0x100;
	[dreg:$0xb] =	wrdreg s7  }
0x17: {  	s25 =	simm.s32 $0x180;
	s26 =	simm.s32 $0x200;
	[dreg:$0xd] =	wrdreg s28  }
0x18: {  	v0 =	vimm.f32 $0.0e+00;
	[dreg:$0xe] =	wrdreg s0;
	s0 =	simm.s32 $0x7;
	s11 =	simm.s32 $0x4  }
.LBB2_1:
0x19: {  	s19 =	simm.s32 $0x0;
	s23 =	simm.s32 $0x200  }
.LBB2_2:
0x1a: {  	p0 =	sne.s32 s23, $0xEE00;
	[tilespmem:s19+$0x370] =	vst v0  }
0x1b: {  	[tilespmem:s19+$0x300] =	vst v0  }
0x1c: {  	[tilespmem:s19+$0x310] =	vst v0  }
.Ltmp0:
0x1d: {  	[tilespmem:s19+$0x320] =	vst v0;
	(pc) =	sbr.rel @p0 .LBB2_2-.Ltmp0, $4  }
0x1e: {  	[tilespmem:s19+$0x330] =	vst v0  }
0x1f: {  	[tilespmem:s19+$0x340] =	vst v0  }
0x20: {  	[tilespmem:s19+$0x350] =	vst v0  }
0x21: {  	[tilespmem:s19+$0x360] =	vst v0;
	s19 =	sshra.s32 s23, $0x2;
	s23 =	sadd.s32 $0x200, s23  }
0x22: {  	[tilespmem:s19+$0x370] =	vst v0  }
0x23: {  	[tilespmem:s19+$0x300] =	vst v0  }
0x24: {  	[tilespmem:s19+$0x310] =	vst v0  }
0x25: {  	[tilespmem:s19+$0x320] =	vst v0  }
0x26: {  	[tilespmem:s19+$0x330] =	vst v0  }
0x27: {  	[tilespmem:s19+$0x340] =	vst v0  }
0x28: {  	[tilespmem:s19+$0x350] =	vst v0  }
0x29: {  	[tilespmem:s19+$0x360] =	vst v0  }
0x2a: {  	[spmem:s20] =	stream.linear.scatter [tilespmem:s21], [sflag:$0xD], $0x3C00, $0x38;
	[tilespmem:$0x1F700] =	vst v63  }
0x2b: {  	_ =	swait.ge [sflag:s22], $0x3C00  }
0x2c: {  	[sflag:s22] =	ssyncset.done $0x0  }
0x2d: {  	s7 =	rddreg [dreg:$0x4];
	[sflag:s22] =	ssyncadd.s32 $0xFFFFC400  }
0x2e: {  	[spmem:s7] =	stream.linear.scatter [tilespmem:s21], [sflag:$0xD], $0x3C00, $0x38;
	[tilespmem:$0x1F700] =	vst v63  }
0x2f: {  	_ =	swait.ge [sflag:s22], $0x3C00  }
0x30: {  	[sflag:s22] =	ssyncset.done $0x0  }
0x31: {  	s14 =	rddreg [dreg:$0x5];
	[sflag:s22] =	ssyncadd.s32 $0xFFFFC400  }
0x32: {  	[spmem:s14] =	stream.linear.scatter [tilespmem:s21], [sflag:$0xD], $0x3C00, $0x38;
	[tilespmem:$0x1F700] =	vst v63  }
0x33: {  	_ =	swait.ge [sflag:s22], $0x3C00  }
0x34: {  	[sflag:s22] =	ssyncset.done $0x0  }
0x35: {  	s19 =	rddreg [dreg:$0x6];
	[sflag:s22] =	ssyncadd.s32 $0xFFFFC400  }
0x36: {  	[spmem:s19] =	stream.linear.scatter [tilespmem:s21], [sflag:$0xD], $0x3C00, $0x38;
	[tilespmem:$0x1F700] =	vst v63  }
0x37: {  	_ =	swait.ge [sflag:s22], $0x3C00  }
0x38: {  	[sflag:s22] =	ssyncset.done $0x0  }
0x39: {  	s20 =	rddreg [dreg:$0x7];
	[sflag:s22] =	ssyncadd.s32 $0xFFFFC400  }
0x3a: {  	[spmem:s20] =	stream.linear.scatter [tilespmem:s21], [sflag:$0xD], $0x3C00, $0x38;
	[tilespmem:$0x1F700] =	vst v63  }
0x3b: {  	_ =	swait.ge [sflag:s22], $0x3C00  }
0x3c: {  	[sflag:s22] =	ssyncset.done $0x0  }
0x3d: {  	s23 =	rddreg [dreg:$0x8];
	[sflag:s22] =	ssyncadd.s32 $0xFFFFC400  }
0x3e: {  	[spmem:s23] =	stream.linear.scatter [tilespmem:s21], [sflag:$0xD], $0x1400, $0x38;
	[tilespmem:$0x1F700] =	vst v63  }
0x3f: {  	_ =	swait.ge [sflag:s22], $0x1400  }
0x40: {  	[sflag:s22] =	ssyncset.done $0x0  }
0x41: {  	[sflag:s22] =	ssyncadd.s32 $0xFFFFEC00  }
0x42: {  	[bflag:$0x0] =	sbarrier.arrive $0xFFFF  }
0x43: {  	s28 =	rddreg [dreg:$0x9]  }
0x44: {  	[tilespmem:s3], [sflag:$0x1] =	stream.linear.gather [hbm4b:s28+s3], $0x80, $0x38;
	[tilespmem:$0x1F700] =	vst v63  }
0x45: {  	s14 =	simm.s32 $0x80;
	s30 =	rddreg [dreg:$0xa]  }
0x46: {  	[tilespmem:s14], [sflag:$0x2] =	stream.linear.gather [hbm4b:s30+s3], $0x80, $0x38;
	[tilespmem:$0x1F700] =	vst v63  }
0x47: {  	s19 =	rddreg [dreg:$0xb]  }
0x48: {  	[tilespmem:s24], [sflag:$0x3] =	stream.linear.gather [hbm4b:s19+s3], $0x80, $0x38;
	[tilespmem:$0x1F700] =	vst v63  }
0x49: {  	s20 =	rddreg [dreg:$0xc]  }
0x4a: {  	[tilespmem:s25], [sflag:$0x4] =	stream.linear.gather [hbm4b:s20+s3], $0x80, $0x38;
	[tilespmem:$0x1F700] =	vst v63  }
0x4b: {  	s23 =	rddreg [dreg:$0xd];
	s28 =	simm.s32 $0x1  }
0x4c: {  	[tilespmem:s26], [sflag:$0x5] =	stream.linear.gather [hbm4b:s23+s3], $0x80, $0x38;
	[tilespmem:$0x1F700] =	vst v63  }
0x4d: {  	_ =	swait.ge [sflag:s28], $0x80  }
0x4e: {  	[sflag:s28] =	ssyncset.done $0x0  }
0x4f: {  	s30 =	simm.s32 $0x2;
	[sflag:s28] =	ssyncadd.s32 $0xFFFFFF80  }
0x50: {  	[tilespmem:s21], [sflag:$0x7] =	stream.indirect.gather [hbm4b:s4+s29], $0x80, s3, s29, $0xb8;
	[tilespmem:$0x1F700] =	vst v63  }
0x51: {  	_ =	swait.ge [sflag:s30], $0x80  }
0x52: {  	[sflag:s30] =	ssyncset.done $0x0  }
0x53: {  	s19 =	simm.s32 $0x280;
	[sflag:s30] =	ssyncadd.s32 $0xFFFFFF80  }
0x54: {  	[tilespmem:s31], [sflag:$0x8] =	stream.indirect.gather [hbm4b:s4+s29], $0x80, s14, s29, $0xb8;
	[tilespmem:$0x1F700] =	vst v63  }
.LBB2_4:
0x55: {  	p0 =	seq.s32 s19, $0x2B00  }
0x56: {  	s23 =	sadd.s32 @!p0 $0xFFFFFF00, s19  }
0x57: {  	s20 =	sand.u32 @!p0 $0x7C00, s23  }
0x58: {  	s23 =	sand.u32 @!p0 $0x380, s23;
	s20 =	sadd.s32 @!p0 s8, s20  }
0x59: {  	_ =	swait.ge [sflag:s0], $0x3C00;
	s20 =	sor.u32 @!p0 s23, s20  }
0x5a: {  	[sflag:s0] =	ssyncset.done $0x0;
	p1 =	seq.s32 @!p0 s19, $0x280;
	s20 =	sshrl.u32 @!p0 s20, $0x3  }
0x5b: {  	[sflag:s0] =	ssyncadd.s32 $0xFFFFC400;
	s23 =	simm.s32 @!p0 $0x0;
	s20 =	sadd.s32 @!p0 s5, s20  }
0x5c: {  	[tilespmem:s23], [sflag:$0x1] =	stream.linear.gather @!p0 [hbm4b:s20+s23], $0x80, $0x38;
	[tilespmem:$0x1F700] =	vst v63  }
0x5d: {  	p0 =	por p0, !p1  }
0x5e: {  	_ =	swait.ge @p0 [sflag:s17], $0x3C00  }
0x5f: {  	s28 =	sadd.s32 $0xFFFFFE80, s19;
	[sflag:s17] =	ssyncset.done @p0 $0x0  }
0x60: {  	s30 =	sand.u32 $0x7C00, s28;
	[sflag:s17] =	ssyncadd.s32 @p0 $0xFFFFC400  }
0x61: {  	s23 =	sadd.s32 s8, s30;
	s20 =	sand.u32 $0x380, s28;
	_ =	swait.ge [sflag:s1], $0x80  }
0x62: {  	s20 =	sor.u32 s20, s23;
	[sflag:s1] =	ssyncset.done $0x0  }
0x63: {  	s20 =	sshrl.u32 s20, $0x3;
	[sflag:s1] =	ssyncadd.s32 $0xFFFFFF80  }
0x64: {  	[tilespmem:s9], [sflag:$0x9] =	stream.indirect.gather [hbm4b:s4+s29], $0x80, s24, s29, $0xb8;
	[tilespmem:$0x1F700] =	vst v63  }
0x65: {  	s20 =	sadd.s32 s6, s20;
	p0 =	sne.s32 s19, $0x2B00  }
0x66: {  	[tilespmem:s10], [sflag:$0x6] =	stream.linear.gather [hbm4b:s20+s3], $0x80, $0x38;
	[tilespmem:$0x1F700] =	vst v63  }
0x67: {  	s20 =	sadd.s32 @p0 $0xFFFFFF80, s19;
	_ =	swait.ge [sflag:s11], $0x80  }
0x68: {  	s23 =	sand.u32 @p0 $0x7C00, s20;
	[sflag:s11] =	ssyncset.done $0x0  }
0x69: {  	s20 =	sand.u32 @p0 $0x380, s20;
	s23 =	sadd.s32 @p0 s8, s23;
	[sflag:s11] =	ssyncadd.s32 $0xFFFFFF80  }
0x6a: {  	[spmem:s2] =	stream.indirect.scatter.add.f32 [tilespmem:s21], [sflag:$0xA], $0x80, s25, s29, $0xb8;
	[tilespmem:$0x1F700] =	vst v63  }
0x6b: {  	s20 =	sor.u32 @p0 s20, s23;
	_ =	swait.ge [sflag:s12], $0x3C00  }
0x6c: {  	s14 =	simm.s32 @p0 $0x0;
	s20 =	sshrl.u32 @p0 s20, $0x3;
	[sflag:s12] =	ssyncset.done $0x0  }
0x6d: {  	s28 =	simm.s32 @p0 $0x80;
	s23 =	sadd.s32 @p0 s5, s20;
	[sflag:s12] =	ssyncadd.s32 $0xFFFFC400  }
0x6e: {  	[tilespmem:s28], [sflag:$0x2] =	stream.linear.gather @p0 [hbm4b:s23+s14], $0x80, $0x38;
	[tilespmem:$0x1F700] =	vst v63  }
0x6f: {  	s23 =	simm.s32 @p0 $0xA  }
0x70: {  	_ =	swait.ge @p0 [sflag:s23], $0x3C00  }
0x71: {  	[sflag:s23] =	ssyncset.done @p0 $0x0  }
0x72: {  	[sflag:s23] =	ssyncadd.s32 @p0 $0xFFFFC400;
	s23 =	simm.s32 @p0 $0x1  }
0x73: {  	_ =	swait.ge @p0 [sflag:s23], $0x80  }
0x74: {  	[sflag:s23] =	ssyncset.done @p0 $0x0  }
0x75: {  	s30 =	simm.s32 @p0 $0x300;
	[sflag:s23] =	ssyncadd.s32 @p0 $0xFFFFFF80;
	s23 =	simm.s32 @p0 $0x78  }
0x76: {  	[tilespmem:s30], [sflag:$0x7] =	stream.indirect.gather @p0 [hbm4b:s4+s23], $0x80, s14, s23, $0xb8;
	[tilespmem:$0x1F700] =	vst v63  }
0x77: {  	s30 =	sadd.s32 @p0 $0xFFFFFF00, s19  }
0x78: {  	s7 =	sand.u32 @p0 $0x7C00, s30  }
0x79: {  	s30 =	sand.u32 @p0 $0x380, s30;
	s7 =	sadd.s32 @p0 s8, s7  }
0x7a: {  	s7 =	sor.u32 @p0 s30, s7  }
0x7b: {  	s7 =	sshrl.u32 @p0 s7, $0x3  }
0x7c: {  	s30 =	simm.s32 @p0 $0x180;
	s7 =	sadd.s32 @p0 s6, s7  }
0x7d: {  	[tilespmem:s30], [sflag:$0x4] =	stream.linear.gather @p0 [hbm4b:s7+s14], $0x80, $0x38;
	[tilespmem:$0x1F700] =	vst v63  }
0x7e: {  	s7 =	simm.s32 @!p0 $0xA  }
0x7f: {  	_ =	swait.ge @!p0 [sflag:s7], $0x3C00  }
0x80: {  	[sflag:s7] =	ssyncset.done @!p0 $0x0  }
0x81: {  	[sflag:s7] =	ssyncadd.s32 @!p0 $0xFFFFC400  }
0x82: {  	_ =	swait.ge [sflag:s13], $0x80  }
0x83: {  	s7 =	sand.u32 @p0 $0x7C00, s19;
	[sflag:s13] =	ssyncset.done $0x0  }
0x84: {  	s30 =	sand.u32 @p0 $0x380, s19;
	s7 =	sadd.s32 @p0 s8, s7;
	[sflag:s13] =	ssyncadd.s32 $0xFFFFFF80  }
0x85: {  	[spmem:s2] =	stream.indirect.scatter.add.f32 [tilespmem:s31], [sflag:$0xB], $0x80, s26, s29, $0xb8;
	[tilespmem:$0x1F700] =	vst v63  }
0x86: {  	s7 =	sor.u32 @p0 s30, s7;
	_ =	swait.ge [sflag:s15], $0x3C00  }
0x87: {  	s7 =	sshrl.u32 @p0 s7, $0x3;
	[sflag:s15] =	ssyncset.done $0x0  }
0x88: {  	s30 =	simm.s32 @p0 $0x100;
	s7 =	sadd.s32 @p0 s5, s7;
	[sflag:s15] =	ssyncadd.s32 $0xFFFFC400  }
0x89: {  	[tilespmem:s30], [sflag:$0x3] =	stream.linear.gather @p0 [hbm4b:s7+s14], $0x80, $0x38;
	[tilespmem:$0x1F700] =	vst v63  }
0x8a: {  	s7 =	simm.s32 @p0 $0xB  }
0x8b: {  	_ =	swait.ge @p0 [sflag:s7], $0x3C00  }
0x8c: {  	[sflag:s7] =	ssyncset.done @p0 $0x0  }
0x8d: {  	[sflag:s7] =	ssyncadd.s32 @p0 $0xFFFFC400;
	s7 =	simm.s32 @p0 $0x2  }
0x8e: {  	_ =	swait.ge @p0 [sflag:s7], $0x80  }
0x8f: {  	[sflag:s7] =	ssyncset.done @p0 $0x0  }
0x90: {  	[sflag:s7] =	ssyncadd.s32 @p0 $0xFFFFFF80;
	s7 =	simm.s32 @p0 $0x3F00  }
0x91: {  	[tilespmem:s7], [sflag:$0x8] =	stream.indirect.gather @p0 [hbm4b:s4+s23], $0x80, s28, s23, $0xb8;
	[tilespmem:$0x1F700] =	vst v63  }
0x92: {  	s7 =	sadd.s32 @p0 s6, s20;
	s20 =	simm.s32 @p0 $0x200  }
0x93: {  	[tilespmem:s20], [sflag:$0x5] =	stream.linear.gather @p0 [hbm4b:s7+s14], $0x80, $0x38;
	[tilespmem:$0x1F700] =	vst v63  }
0x94: {  	s7 =	simm.s32 @!p0 $0xB  }
0x95: {  	_ =	swait.ge @!p0 [sflag:s7], $0x3C00  }
0x96: {  	s19 =	sadd.s32 $0x180, s19;
	[sflag:s7] =	ssyncset.done @!p0 $0x0  }
0x97: {  	[sflag:s7] =	ssyncadd.s32 @!p0 $0xFFFFC400;
	p0 =	sne.s32 s19, $0x2C80  }
.Ltmp1:
0x98: {  	_ = 	snop;
	(pc) =	sbr.rel @p0 .LBB2_4-.Ltmp1, $4  }
0x99: {  	_ =	swait.ge [sflag:s16], $0x80  }
0x9a: {  	[sflag:s16] =	ssyncset.done $0x0  }
0x9b: {  	[sflag:s16] =	ssyncadd.s32 $0xFFFFFF80  }
0x9c: {  	[spmem:s2] =	stream.indirect.scatter.add.f32 [tilespmem:s9], [sflag:$0xC], $0x80, s10, s29, $0xb8;
	[tilespmem:$0x1F700] =	vst v63  }
0x9d: {  	_ =	swait.ge [sflag:s17], $0x3C00  }
0x9e: {  	[sflag:s17] =	ssyncset.done $0x0  }
0x9f: {  	[sflag:s17] =	ssyncadd.s32 $0xFFFFC400  }
0xa0: {  	s7 =	stileid.u32;
	[bflag:$0x0] =	sbarrier.arrive $0xFFFF  }
0xa1: {  	s7 =	sshll.u32 s7, $0x6;
	s20 =	rddreg [dreg:$0x3]  }
0xa2: {  	s7 =	sor.u32 $0x1C0D, s7;
	s19 =	rddreg [dreg:$0xe];
	s14 =	sshrl.u32 s20, $0x3  }
0xa3: {  	[hbm:s19], [sflag:s7] =	dma.local [spmem:s14], $0x2800  }
0xa4: {  	_ =	swait.ge [sflag:s22], $0x2800  }
0xa5: {  	s18 =	sadd.s32 $0x1, s18;
	s30 =	rddreg [dreg:$0xf]  }
0xa6: {  	p0 =	sne.s32 s18, s30  }
.Ltmp2:
0xa7: {  	_ = 	snop;
	(pc) =	sbr.rel @p0 .LBB2_1-.Ltmp2, $3  }
0xa8: {  	_ =	sdelay $0x1  }
0xa9: {  	[sflag:s22] =	ssyncset.done $0x0  }
0xaa: {  	[sflag:s22] =	ssyncadd.s32 $0xFFFFD800  }
0xab: {  	_ =	sfence.sel $0x180000  }
0xac: {  	[bflag:$0x0] =	sbarrier.arrive $0xFFFF  }
0xad: {  	_ =	strace $0x9000004A  }
0xae: {  	s0 =	stileid.u32;
	[bflag:$0x2] =	sbarrier.arrive $0xFFFF  }
0xaf: {  	p0 =	sne.s32 s0, $0x0;
	s0 =	rddreg [dreg:$0x2]  }
0xb0: {  	s0 =	sadd.s32 @!p0 $0x100000, s0  }
0xb1: {  	[sflag:s0] =	ssyncadd.tile.s32 @!p0 $0x1;
	_ =	shalt  }
.Lfunc_end2:
_tile_overlayer_lowered:
.L_overlay_start_2:
0xb2: {  	(tag) =	ssettag $0x2  }
0xb3: {  	s0 =	rddreg [dreg:$0x0];
	s2 =	stileid.u32  }
0xb4: {  	s1 =	rddreg [dreg:$0x1];
	p0 =	sne.s32 s2, $0x0  }
0xb5: {  	s3 =	rddreg [dreg:$0x2];
	[bflag:$0x3] =	sbarrier.arrive $0xFFFF;
	s2 =	simm.s32 @!p0 $0x1C0D  }
0xb6: {  	[timem:s3], [sflag:s2] =	dma.local @!p0 [hbm:s0], s1  }
0xb7: {  	s0 =	simm.s32 @!p0 $0xD  }
0xb8: {  	_ =	swait.ge @!p0 [sflag:s0], s1  }
0xb9: {  	s1 =	ssub.s32 @!p0 $0x0, s1;
	[sflag:s0] =	ssyncset.done @!p0 $0x0  }
0xba: {  	[sflag:s0] =	ssyncadd.s32 @!p0 s1  }
0xbb: {  	[bflag:$0x3] =	sbarrier.arrive $0xFFFF  }
0xbc: {  	_ =	shalt  }

// kernel: kernel.15.cloned.1.call-start
scs
__scs_entry_jumppad:
0x0: {  	(pc) =	sbr.rel $0x88, $3  }
0x1: {  	(tag) =	ssettag $0x0;
	lr =	simm.s32 $0x1  }
0x2: {  	[smem:$0x3F95] =	sst lr;
	_ =	strace $0xD0000000  }
0x3: {  	_ = 	snop  }
0x4: {  	_ = 	snop  }
0x5: {  	_ = 	snop  }
0x6: {  	_ = 	snop  }
0x7: {  	_ = 	snop  }
__scs_overlays_trampoline_lowered:
0x8: {  	[smem:$0x3FA4] =	sst s0  }
0x9: {  	[smem:$0x3FA5] =	sst s1  }
0xa: {  	[smem:$0x3FA6] =	sst s2  }
0xb: {  	[smem:$0x3FA7] =	sst s3  }
0xc: {  	[smem:$0x3FA8] =	sst s4  }
0xd: {  	[smem:$0x3FA9] =	sst s5  }
0xe: {  	[smem:$0x3FAA] =	sst s6  }
0xf: {  	[smem:$0x3FAB] =	sst s7  }
0x10: {  	[smem:$0x3FAC] =	sst s8  }
0x11: {  	[smem:$0x3FAD] =	sst s9;
	s0 =	simm.s32 @!p0 $0x0  }
0x12: {  	s1 =	sld [smem:$0x3F93];
	s0 =	simm.s32 @p0 $0x1  }
0x13: {  	[smem:$0x3FAE] =	sst s0;
	s0 =	simm.s32 @!p1 $0x0  }
0x14: {  	s2 =	sld [smem:$0x3F92];
	s0 =	simm.s32 @p1 $0x1  }
0x15: {  	[smem:$0x3FAF] =	sst s0;
	s0 =	simm.s32 @!p2 $0x0  }
0x16: {  	s3 =	sld [smem:$0x3FDB];
	s0 =	simm.s32 @p2 $0x1  }
0x17: {  	s4 =	simm.s32 $0x1BF5;
	[smem:$0x3FB1] =	sst s0  }
0x18: {  	s0 =	sld [smem:$0x3F94];
	_ =	swait.ge [sflag:s4], $0x0  }
0x19: {  	s7 =	sld [smem:$0x3F95]  }
0x1a: {  	s8 =	sadd.s32 $0xFFFFE003, lr  }
0x1b: {  	s9 =	sadd.s32 $0xFFFFFEF7, lr;
	s5 =	simm.s32 $0xFFFFFFFF;
	p2 =	slt.u32 s8, $0xFFFFF086  }
0x1c: {  	p1 =	slt.u32 s9, $0xF7A;
	s5 =	simm.s32 @!p2 $0x0  }
0x1d: {  	s5 =	simm.s32 @p1 $0x1;
	p0 =	seq.s32 s7, s2  }
0x1e: {  	s7 =	smul.u32 @!p0 $0xF7A, s2;
	p2 =	seq.s32 @!p0 s5, $0x0  }
0x1f: {  	s9 =	smul.u32 $0xF7A, s1;
	s8 =	simm.s32 @!p0 $0x1BF5;
	p2 =	por !p2, p0  }
0x20: {  	[sflag:s8] =	ssyncset.s32 @!p0 $0xFFFFF086;
	s6 =	sadd.s32 @!p0 s3, s7;
	s7 =	simm.s32 @!p0 $0x108  }
0x21: {  	s3 =	sadd.s32 s3, s9;
	s6 =	sadd.s32 @!p0 $0x88, s6;
	s7 =	simm.s32 @p2 $0x1082  }
0x22: {  	[simem:s7], [sflag:s8] =	dma.local @!p0 [hbm:s6], $0xF7A  }
0x23: {  	s9 =	sor.u32 $0xD0000000, s2;
	s6 =	simm.s32 $0x108;
	_ =	swait.ge @!p0 [sflag:s8], $0x0  }
0x24: {  	s3 =	sadd.s32 $0x88, s3;
	s6 =	simm.s32 @!p1 $0x1082;
	[sflag:s4] =	ssyncset.s32 $0xFFFFF086  }
0x25: {  	[simem:s6], [sflag:s4] =	dma.local [hbm:s3], $0xF7A  }
0x26: {  	[smem:$0x3F95] =	sst s1;
	(tag) =	ssettag s2;
	_ =	strace s9  }
0x27: {  	s1 =	sld [smem:$0x3FA5]  }
0x28: {  	s2 =	sld [smem:$0x3FA6]  }
0x29: {  	s4 =	sld [smem:$0x3FA8]  }
0x2a: {  	p0 =	seq.s32 s5, $0x0;
	s5 =	sld [smem:$0x3FA9]  }
0x2b: {  	s6 =	sld [smem:$0x3FAA]  }
0x2c: {  	s7 =	sld [smem:$0x3FAB]  }
0x2d: {  	s3 =	simm.s32 $0x108;
	s8 =	sld [smem:$0x3FAC]  }
0x2e: {  	s3 =	simm.s32 @!p0 $0x1082;
	s9 =	sld [smem:$0x3FAD]  }
0x2f: {  	lr =	sadd.s32 s0, s3;
	s0 =	sld [smem:$0x3FA4]  }
0x30: {  	s3 =	sld [smem:$0x3FA7]  }
0x31: {  	[smem:$0x3FB0] =	sst s10  }
0x32: {  	s10 =	sld [smem:$0x3FAE];
	_ =	sdelay $0x3  }
0x33: {  	p0 =	seq.s32 s10, $0x1;
	s10 =	sld [smem:$0x3FB0];
	_ =	sdelay $0x3  }
0x34: {  	[smem:$0x3FB0] =	sst s10  }
0x35: {  	s10 =	sld [smem:$0x3FAF];
	_ =	sdelay $0x3  }
0x36: {  	p1 =	seq.s32 s10, $0x1;
	s10 =	sld [smem:$0x3FB0];
	_ =	sdelay $0x3  }
0x37: {  	[smem:$0x3FB0] =	sst s10  }
0x38: {  	s10 =	sld [smem:$0x3FB1]  }
0x39: {  	_ = 	snop;
	(pc) =	sbr.ind lr, $3  }
0x3a: {  	_ = 	snop  }
0x3b: {  	_ = 	snop  }
0x3c: {  	p2 =	seq.s32 s10, $0x1;
	s10 =	sld [smem:$0x3FB0]  }
0x3d: {  	_ =	shalt  }
0x3e: {  	_ =	shalt  }
0x3f: {  	_ =	shalt  }
0x40: {  	_ =	shalt  }
0x41: {  	_ =	shalt  }
0x42: {  	_ =	shalt  }
0x43: {  	_ =	shalt  }
0x44: {  	_ =	shalt  }
0x45: {  	_ =	shalt  }
0x46: {  	_ =	shalt  }
0x47: {  	_ =	shalt  }
0x48: {  	_ =	shalt  }
0x49: {  	_ =	shalt  }
0x4a: {  	_ =	shalt  }
0x4b: {  	_ =	shalt  }
0x4c: {  	_ =	shalt  }
0x4d: {  	_ =	shalt  }
0x4e: {  	_ =	shalt  }
0x4f: {  	_ =	shalt  }
0x50: {  	_ =	shalt  }
0x51: {  	_ =	shalt  }
0x52: {  	_ =	shalt  }
0x53: {  	_ =	shalt  }
0x54: {  	_ =	shalt  }
0x55: {  	_ =	shalt  }
0x56: {  	_ =	shalt  }
0x57: {  	_ =	shalt  }
0x58: {  	_ =	shalt  }
0x59: {  	_ =	shalt  }
0x5a: {  	_ =	shalt  }
0x5b: {  	_ =	shalt  }
0x5c: {  	_ =	shalt  }
0x5d: {  	_ =	shalt  }
0x5e: {  	_ =	shalt  }
0x5f: {  	_ =	shalt  }
0x60: {  	_ =	shalt  }
0x61: {  	_ =	shalt  }
0x62: {  	_ =	shalt  }
0x63: {  	_ =	shalt  }
0x64: {  	_ =	shalt  }
0x65: {  	_ =	shalt  }
0x66: {  	_ =	shalt  }
0x67: {  	_ =	shalt  }
0x68: {  	_ =	shalt  }
0x69: {  	_ =	shalt  }
0x6a: {  	_ =	shalt  }
0x6b: {  	_ =	shalt  }
0x6c: {  	_ =	shalt  }
0x6d: {  	_ =	shalt  }
0x6e: {  	_ =	shalt  }
0x6f: {  	_ =	shalt  }
0x70: {  	_ =	shalt  }
0x71: {  	_ =	shalt  }
0x72: {  	_ =	shalt  }
0x73: {  	_ =	shalt  }
0x74: {  	_ =	shalt  }
0x75: {  	_ =	shalt  }
0x76: {  	_ =	shalt  }
0x77: {  	_ =	shalt  }
0x78: {  	_ =	shalt  }
0x79: {  	_ =	shalt  }
0x7a: {  	_ =	shalt  }
0x7b: {  	_ =	shalt  }
0x7c: {  	_ =	shalt  }
0x7d: {  	_ =	shalt  }
0x7e: {  	_ =	shalt  }
0x7f: {  	_ =	shalt  }
0x80: {  	_ =	shalt  }
0x81: {  	_ =	shalt  }
0x82: {  	_ =	shalt  }
0x83: {  	_ =	shalt  }
0x84: {  	_ =	shalt  }
0x85: {  	_ =	shalt  }
0x86: {  	_ =	shalt  }
0x87: {  	_ =	shalt  }
.Lfunc_end0:
.L_simem_size_0:
called_computation.2_lowered:
.L_overlay_start_0:
0x88: {  	s2 =	sld [smem:$0x3FD9]  }
0x89: {  	s3 =	sld [smem:$0x3FFE];
	_ =	sdelay $0x1  }
0x8a: {  	s1 =	srdreg.scid  }
0x8b: {  	s0 =	sand.u32 $0x1, s1  }
0x8c: {  	s16 =	sshll.u32 s0, $0xA;
	s2 =	sadd.s32 s3, s2  }
0x8d: {  	s2 =	sadd.s32 s2, s16  }
0x8e: {  	[smem:$0x3FBC] =	sst s2  }
0x8f: {  	_ = 	snop  }
0x90: {  	(tm) =	ssettm $0x1  }
0x91: {  	s17 =	sld [smem:$0x3FFB];
	_ =	sdelay $0x3  }
0x92: {  	_ =	strace s17  }
0x93: {  	s2 =	sld [smem:$0x3FFC];
	_ =	sdelay $0x3  }
0x94: {  	_ =	strace s2  }
0x95: {  	s2 =	sld [smem:$0x3FFD];
	_ =	sdelay $0x3  }
0x96: {  	_ =	strace s2  }
0x97: {  	_ =	strace $0x8FFFFFFF  }
0x98: {  	s18 =	sld [smem:$0x3FDB];
	_ =	sdelay $0x1  }
0x99: {  	s19 =	simm.s32 $_scs_section_size  }
0x9a: {  	s4 =	simm.s32 $_size__tile_overlayer_lowered;
	s5 =	simm.s32 $_tile_overlayer_lowered  }
0x9b: {  	s22 =	simm.s32 $0x1BFF;
	s21 =	sshll.u32 s5, $0x1;
	s2 =	sadd.s32 s19, s18  }
0x9c: {  	s6 =	simm.s32 $0x0;
	s20 =	sshll.u32 s4, $0x1;
	s4 =	sadd.s32 s21, s2  }
0x9d: {  	[timem:s6], [sflag:s22] =	dma.local [hbm:s4], s20  }
0x9e: {  	_ =	swait.ge [sflag:s22], s20  }
0x9f: {  	s3 =	ssub.s32 $0x0, s20;
	[sflag:s22] =	ssyncset.done $0x0  }
0xa0: {  	[sflag:s22] =	ssyncadd.s32 s3;
	_ =	sdelay $0x1  }
0xa1: {  	s23 =	simm.s32 $0x1B8B  }
0xa2: {  	_ =	swait.ge [sflag:s23], $0x1  }
0xa3: {  	[sflag:s23] =	ssyncset.done $0x0  }
0xa4: {  	s25 =	simm.s32 $0x1B8E;
	s24 =	sld [smem:$0x3FFE];
	[sflag:s23] =	ssyncadd.s32 $0xFFFFFFFF  }
0xa5: {  	s26 =	simm.s32 $execute0_lowered;
	[smem:$0x3FD2] =	sst s25  }
0xa6: {  	s4 =	sshll.u32 s26, $0x1;
	_ =	strace $0x8000004C;
	[dreg:$0x1] =	wrdreg $0xFFFFFFFF  }
0xa7: {  	s28 =	simm.s32 $_size_execute0_lowered;
	s2 =	sadd.s32 s2, s4;
	[dreg:$0x0] =	wrdreg $0x0  }
0xa8: {  	s4 =	sshll.u32 s28, $0x1;
	[dreg:$0x2] =	wrdreg s2  }
0xa9: {  	[dreg:$0x3] =	wrdreg s4  }
0xaa: {  	[dreg:$0x4] =	wrdreg $0xC0  }
0xab: {  	_ =	task [dreg:s6], $0x5FFFF  }
0xac: {  	[dreg:$0x1] =	wrdreg $0xFFFFFFFF  }
0xad: {  	[dreg:$0x0] =	wrdreg $0x60  }
0xae: {  	[dreg:$0x2] =	wrdreg s24  }
0xaf: {  	[dreg:$0x3] =	wrdreg $0xB7000  }
0xb0: {  	[dreg:$0x4] =	wrdreg $0x9  }
0xb1: {  	_ =	task.clear_ibuf [dreg:s6], $0x5FFFF;
	_ =	strace $0x9000004C  }
0xb2: {  	s29 =	simm.s32 $0x9;
	_ =	strace $0x8000004E  }
0xb3: {  	_ =	swait.ge [sflag:s29], $0x1  }
0xb4: {  	[sflag:s29] =	ssyncadd.s32 $0xFFFFFFFF  }
0xb5: {  	_ =	strace $0x9000004E  }
0xb6: {  	_ =	sfence  }
0xb7: {  	s30 =	sld [smem:$0x0];
	_ =	sdelay $0x2  }
0xb8: {  	s31 =	sshll.u32 s1, $0xD;
	s1 =	sshrl.u32 s1, $0x2  }
0xb9: {  	s3 =	sand.u32 $0x4000, s31;
	s1 =	sadd.s32 s1, s30  }
0xba: {  	s0 =	sor.u32 s3, s0;
	s1 =	sshll.u32 s1, $0x11  }
0xbb: {  	s0 =	sor.u32 s1, s0  }
0xbc: {  	s0 =	sadd.s32 $0x8F2B, s0  }
0xbd: {  	[sflag:s0] =	ssyncadd.remote.s32 $0x1  }
0xbe: {  	_ =	sfence.sel $0xFFFF  }
0xbf: {  	[dreg:$0x0] =	wrdreg $0xFFFFFFFF;
	(pc) =	sbr.abs _section_cstart, $3  }
0xc0: {  	[dreg:$0x1] =	wrdreg $0xFFFFFFFF  }
0xc1: {  	_ =	task.clear_ibuf [dreg:s6], $0x2FFFF;
	_ =	strace $0x9FFFFFFF  }
0xc2: {  	(tm) =	ssettm $0x7FFFFFFF  }
0xc3: {  	_ =	shalt  }
tec
execute0_lowered:
.L_overlay_start_1:
0x0: {  	(tag) =	ssettag $0x1  }
0x1: {  	s0 =	rddreg [dreg:$0x0];
	s1 =	srdreg.scid  }
0x2: {  	s2 =	rddreg [dreg:$0x1];
	s9 =	stileid.u32  }
0x3: {  	s3 =	simm.s32 $0x0;
	s29 =	simm.s32 $0x78;
	s31 =	simm.s32 $0x3F00  }
0x4: {  	s12 =	simm.s32 $0x8;
	s13 =	simm.s32 $0x5;
	s1 =	sand.u32 $0x1, s1  }
0x5: {  	s6 =	smul.u32 $0x14000, s9;
	[smem:$0x7FF] =	sst s3;
	s4 =	sadd.s32 $0x19400, s0  }
0x6: {  	s8 =	smul.u32 $0x50000, s9;
	s14 =	sshll.u32 s9, $0x1;
	s9 =	simm.s32 $0x7B00  }
0x7: {  	s5 =	smul.u32 $0x140000, s1;
	_ =	strace $0x8000004D;
	s15 =	ssub.s32 $0x2, s1  }
0x8: {  	s1 =	sor.u32 s1, s14;
	s16 =	sshrl.u32 s8, $0x2;
	s10 =	sshrl.u32 s15, $0x1  }
0x9: {  	s8 =	smul.u32 $0x2C00, s1;
	s1 =	simm.s32 $0x3;
	s6 =	sadd.s32 s6, s5  }
0xa: {  	s5 =	sadd.s32 $0x3400, s0;
	s20 =	sadd.s32 s16, s2;
	s17 =	ssub.s32 s15, s10  }
0xb: {  	s10 =	simm.s32 $0x280;
	s15 =	simm.s32 $0x9;
	s16 =	simm.s32 $0x6  }
0xc: {  	s7 =	sshrl.u32 s6, $0x3;
	s18 =	sadd.s32 $0x7800, s20;
	[dreg:$0x3] =	wrdreg s20  }
0xd: {  	s6 =	sadd.s32 $0xE400, s0;
	s19 =	sadd.s32 $0xB400, s20;
	[dreg:$0x5] =	wrdreg s18  }
0xe: {  	s21 =	sadd.s32 $0xF000, s20;
	s22 =	sshrl.u32 s8, $0x3;
	[dreg:$0x6] =	wrdreg s19  }
0xf: {  	s23 =	sadd.s32 $0x12C00, s20;
	s30 =	smax.u32 s17, $0x1;
	[dreg:$0x7] =	wrdreg s21  }
0x10: {  	s17 =	simm.s32 $0xC;
	s0 =	sadd.s32 s7, s0;
	[dreg:$0x8] =	wrdreg s23  }
0x11: {  	s7 =	sadd.s32 $0x3C00, s20;
	s24 =	sadd.s32 s5, s22;
	[dreg:$0xf] =	wrdreg s30  }
0x12: {  	s25 =	sor.u32 $0x10, s22;
	s26 =	sadd.s32 s6, s22;
	[dreg:$0x4] =	wrdreg s7  }
0x13: {  	s21 =	simm.s32 $0x300;
	s22 =	simm.s32 $0xD;
	[dreg:$0x9] =	wrdreg s24  }
0x14: {  	s18 =	simm.s32 $0x0;
	s11 =	sadd.s32 s5, s25;
	[dreg:$0xc] =	wrdreg s26  }
0x15: {  	s7 =	sadd.s32 $0x20, s24;
	s28 =	sadd.s32 s6, s25;
	[dreg:$0xa] =	wrdreg s11  }
0x16: {  	s0 =	sadd.s32 $0x41400, s0;
	s24 =	simm.s32 $0x100;
	[dreg:$0xb] =	wrdreg s7  }
0x17: {  	s25 =	simm.s32 $0x180;
	s26 =	simm.s32 $0x200;
	[dreg:$0xd] =	wrdreg s28  }
0x18: {  	v0 =	vimm.f32 $0.0e+00;
	[dreg:$0xe] =	wrdreg s0;
	s0 =	simm.s32 $0x7;
	s11 =	simm.s32 $0x4  }
.LBB2_1:
0x19: {  	s19 =	simm.s32 $0x0;
	s23 =	simm.s32 $0x200  }
.LBB2_2:
0x1a: {  	p0 =	sne.s32 s23, $0xEE00;
	[tilespmem:s19+$0x370] =	vst v0  }
0x1b: {  	[tilespmem:s19+$0x300] =	vst v0  }
0x1c: {  	[tilespmem:s19+$0x310] =	vst v0  }
.Ltmp0:
0x1d: {  	[tilespmem:s19+$0x320] =	vst v0;
	(pc) =	sbr.rel @p0 .LBB2_2-.Ltmp0, $4  }
0x1e: {  	[tilespmem:s19+$0x330] =	vst v0  }
0x1f: {  	[tilespmem:s19+$0x340] =	vst v0  }
0x20: {  	[tilespmem:s19+$0x350] =	vst v0  }
0x21: {  	[tilespmem:s19+$0x360] =	vst v0;
	s19 =	sshra.s32 s23, $0x2;
	s23 =	sadd.s32 $0x200, s23  }
0x22: {  	[tilespmem:s19+$0x370] =	vst v0  }
0x23: {  	[tilespmem:s19+$0x300] =	vst v0  }
0x24: {  	[tilespmem:s19+$0x310] =	vst v0  }
0x25: {  	[tilespmem:s19+$0x320] =	vst v0  }
0x26: {  	[tilespmem:s19+$0x330] =	vst v0  }
0x27: {  	[tilespmem:s19+$0x340] =	vst v0  }
0x28: {  	[tilespmem:s19+$0x350] =	vst v0  }
0x29: {  	[tilespmem:s19+$0x360] =	vst v0  }
0x2a: {  	[spmem:s20] =	stream.linear.scatter [tilespmem:s21], [sflag:$0xD], $0x3C00, $0x38;
	[tilespmem:$0x1F700] =	vst v63  }
0x2b: {  	_ =	swait.ge [sflag:s22], $0x3C00  }
0x2c: {  	[sflag:s22] =	ssyncset.done $0x0  }
0x2d: {  	s7 =	rddreg [dreg:$0x4];
	[sflag:s22] =	ssyncadd.s32 $0xFFFFC400  }
0x2e: {  	[spmem:s7] =	stream.linear.scatter [tilespmem:s21], [sflag:$0xD], $0x3C00, $0x38;
	[tilespmem:$0x1F700] =	vst v63  }
0x2f: {  	_ =	swait.ge [sflag:s22], $0x3C00  }
0x30: {  	[sflag:s22] =	ssyncset.done $0x0  }
0x31: {  	s14 =	rddreg [dreg:$0x5];
	[sflag:s22] =	ssyncadd.s32 $0xFFFFC400  }
0x32: {  	[spmem:s14] =	stream.linear.scatter [tilespmem:s21], [sflag:$0xD], $0x3C00, $0x38;
	[tilespmem:$0x1F700] =	vst v63  }
0x33: {  	_ =	swait.ge [sflag:s22], $0x3C00  }
0x34: {  	[sflag:s22] =	ssyncset.done $0x0  }
0x35: {  	s19 =	rddreg [dreg:$0x6];
	[sflag:s22] =	ssyncadd.s32 $0xFFFFC400  }
0x36: {  	[spmem:s19] =	stream.linear.scatter [tilespmem:s21], [sflag:$0xD], $0x3C00, $0x38;
	[tilespmem:$0x1F700] =	vst v63  }
0x37: {  	_ =	swait.ge [sflag:s22], $0x3C00  }
0x38: {  	[sflag:s22] =	ssyncset.done $0x0  }
0x39: {  	s20 =	rddreg [dreg:$0x7];
	[sflag:s22] =	ssyncadd.s32 $0xFFFFC400  }
0x3a: {  	[spmem:s20] =	stream.linear.scatter [tilespmem:s21], [sflag:$0xD], $0x3C00, $0x38;
	[tilespmem:$0x1F700] =	vst v63  }
0x3b: {  	_ =	swait.ge [sflag:s22], $0x3C00  }
0x3c: {  	[sflag:s22] =	ssyncset.done $0x0  }
0x3d: {  	s23 =	rddreg [dreg:$0x8];
	[sflag:s22] =	ssyncadd.s32 $0xFFFFC400  }
0x3e: {  	[spmem:s23] =	stream.linear.scatter [tilespmem:s21], [sflag:$0xD], $0x1400, $0x38;
	[tilespmem:$0x1F700] =	vst v63  }
0x3f: {  	_ =	swait.ge [sflag:s22], $0x1400  }
0x40: {  	[sflag:s22] =	ssyncset.done $0x0  }
0x41: {  	[sflag:s22] =	ssyncadd.s32 $0xFFFFEC00  }
0x42: {  	[bflag:$0x0] =	sbarrier.arrive $0xFFFF  }
0x43: {  	s28 =	rddreg [dreg:$0x9]  }
0x44: {  	[tilespmem:s3], [sflag:$0x1] =	stream.linear.gather [hbm4b:s28+s3], $0x80, $0x38;
	[tilespmem:$0x1F700] =	vst v63  }
0x45: {  	s14 =	simm.s32 $0x80;
	s30 =	rddreg [dreg:$0xa]  }
0x46: {  	[tilespmem:s14], [sflag:$0x2] =	stream.linear.gather [hbm4b:s30+s3], $0x80, $0x38;
	[tilespmem:$0x1F700] =	vst v63  }
0x47: {  	s19 =	rddreg [dreg:$0xb]  }
0x48: {  	[tilespmem:s24], [sflag:$0x3] =	stream.linear.gather [hbm4b:s19+s3], $0x80, $0x38;
	[tilespmem:$0x1F700] =	vst v63  }
0x49: {  	s20 =	rddreg [dreg:$0xc]  }
0x4a: {  	[tilespmem:s25], [sflag:$0x4] =	stream.linear.gather [hbm4b:s20+s3], $0x80, $0x38;
	[tilespmem:$0x1F700] =	vst v63  }
0x4b: {  	s23 =	rddreg [dreg:$0xd];
	s28 =	simm.s32 $0x1  }
0x4c: {  	[tilespmem:s26], [sflag:$0x5] =	stream.linear.gather [hbm4b:s23+s3], $0x80, $0x38;
	[tilespmem:$0x1F700] =	vst v63  }
0x4d: {  	_ =	swait.ge [sflag:s28], $0x80  }
0x4e: {  	[sflag:s28] =	ssyncset.done $0x0  }
0x4f: {  	s30 =	simm.s32 $0x2;
	[sflag:s28] =	ssyncadd.s32 $0xFFFFFF80  }
0x50: {  	[tilespmem:s21], [sflag:$0x7] =	stream.indirect.gather [hbm4b:s4+s29], $0x80, s3, s29, $0xb8;
	[tilespmem:$0x1F700] =	vst v63  }
0x51: {  	_ =	swait.ge [sflag:s30], $0x80  }
0x52: {  	[sflag:s30] =	ssyncset.done $0x0  }
0x53: {  	s19 =	simm.s32 $0x280;
	[sflag:s30] =	ssyncadd.s32 $0xFFFFFF80  }
0x54: {  	[tilespmem:s31], [sflag:$0x8] =	stream.indirect.gather [hbm4b:s4+s29], $0x80, s14, s29, $0xb8;
	[tilespmem:$0x1F700] =	vst v63  }
.LBB2_4:
0x55: {  	p0 =	seq.s32 s19, $0x2B00  }
0x56: {  	s23 =	sadd.s32 @!p0 $0xFFFFFF00, s19  }
0x57: {  	s20 =	sand.u32 @!p0 $0x7C00, s23  }
0x58: {  	s23 =	sand.u32 @!p0 $0x380, s23;
	s20 =	sadd.s32 @!p0 s8, s20  }
0x59: {  	_ =	swait.ge [sflag:s0], $0x3C00;
	s20 =	sor.u32 @!p0 s23, s20  }
0x5a: {  	[sflag:s0] =	ssyncset.done $0x0;
	p1 =	seq.s32 @!p0 s19, $0x280;
	s20 =	sshrl.u32 @!p0 s20, $0x3  }
0x5b: {  	[sflag:s0] =	ssyncadd.s32 $0xFFFFC400;
	s23 =	simm.s32 @!p0 $0x0;
	s20 =	sadd.s32 @!p0 s5, s20  }
0x5c: {  	[tilespmem:s23], [sflag:$0x1] =	stream.linear.gather @!p0 [hbm4b:s20+s23], $0x80, $0x38;
	[tilespmem:$0x1F700] =	vst v63  }
0x5d: {  	p0 =	por p0, !p1  }
0x5e: {  	_ =	swait.ge @p0 [sflag:s17], $0x3C00  }
0x5f: {  	s28 =	sadd.s32 $0xFFFFFE80, s19;
	[sflag:s17] =	ssyncset.done @p0 $0x0  }
0x60: {  	s30 =	sand.u32 $0x7C00, s28;
	[sflag:s17] =	ssyncadd.s32 @p0 $0xFFFFC400  }
0x61: {  	s23 =	sadd.s32 s8, s30;
	s20 =	sand.u32 $0x380, s28;
	_ =	swait.ge [sflag:s1], $0x80  }
0x62: {  	s20 =	sor.u32 s20, s23;
	[sflag:s1] =	ssyncset.done $0x0  }
0x63: {  	s20 =	sshrl.u32 s20, $0x3;
	[sflag:s1] =	ssyncadd.s32 $0xFFFFFF80  }
0x64: {  	[tilespmem:s9], [sflag:$0x9] =	stream.indirect.gather [hbm4b:s4+s29], $0x80, s24, s29, $0xb8;
	[tilespmem:$0x1F700] =	vst v63  }
0x65: {  	s20 =	sadd.s32 s6, s20;
	p0 =	sne.s32 s19, $0x2B00  }
0x66: {  	[tilespmem:s10], [sflag:$0x6] =	stream.linear.gather [hbm4b:s20+s3], $0x80, $0x38;
	[tilespmem:$0x1F700] =	vst v63  }
0x67: {  	s20 =	sadd.s32 @p0 $0xFFFFFF80, s19;
	_ =	swait.ge [sflag:s11], $0x80  }
0x68: {  	s23 =	sand.u32 @p0 $0x7C00, s20;
	[sflag:s11] =	ssyncset.done $0x0  }
0x69: {  	s20 =	sand.u32 @p0 $0x380, s20;
	s23 =	sadd.s32 @p0 s8, s23;
	[sflag:s11] =	ssyncadd.s32 $0xFFFFFF80  }
0x6a: {  	[spmem:s2] =	stream.indirect.scatter.add.f32 [tilespmem:s21], [sflag:$0xA], $0x80, s25, s29, $0xb8;
	[tilespmem:$0x1F700] =	vst v63  }
0x6b: {  	s20 =	sor.u32 @p0 s20, s23;
	_ =	swait.ge [sflag:s12], $0x3C00  }
0x6c: {  	s14 =	simm.s32 @p0 $0x0;
	s20 =	sshrl.u32 @p0 s20, $0x3;
	[sflag:s12] =	ssyncset.done $0x0  }
0x6d: {  	s28 =	simm.s32 @p0 $0x80;
	s23 =	sadd.s32 @p0 s5, s20;
	[sflag:s12] =	ssyncadd.s32 $0xFFFFC400  }
0x6e: {  	[tilespmem:s28], [sflag:$0x2] =	stream.linear.gather @p0 [hbm4b:s23+s14], $0x80, $0x38;
	[tilespmem:$0x1F700] =	vst v63  }
0x6f: {  	s23 =	simm.s32 @p0 $0xA  }
0x70: {  	_ =	swait.ge @p0 [sflag:s23], $0x3C00  }
0x71: {  	[sflag:s23] =	ssyncset.done @p0 $0x0  }
0x72: {  	[sflag:s23] =	ssyncadd.s32 @p0 $0xFFFFC400;
	s23 =	simm.s32 @p0 $0x1  }
0x73: {  	_ =	swait.ge @p0 [sflag:s23], $0x80  }
0x74: {  	[sflag:s23] =	ssyncset.done @p0 $0x0  }
0x75: {  	s30 =	simm.s32 @p0 $0x300;
	[sflag:s23] =	ssyncadd.s32 @p0 $0xFFFFFF80;
	s23 =	simm.s32 @p0 $0x78  }
0x76: {  	[tilespmem:s30], [sflag:$0x7] =	stream.indirect.gather @p0 [hbm4b:s4+s23], $0x80, s14, s23, $0xb8;
	[tilespmem:$0x1F700] =	vst v63  }
0x77: {  	s30 =	sadd.s32 @p0 $0xFFFFFF00, s19  }
0x78: {  	s7 =	sand.u32 @p0 $0x7C00, s30  }
0x79: {  	s30 =	sand.u32 @p0 $0x380, s30;
	s7 =	sadd.s32 @p0 s8, s7  }
0x7a: {  	s7 =	sor.u32 @p0 s30, s7  }
0x7b: {  	s7 =	sshrl.u32 @p0 s7, $0x3  }
0x7c: {  	s30 =	simm.s32 @p0 $0x180;
	s7 =	sadd.s32 @p0 s6, s7  }
0x7d: {  	[tilespmem:s30], [sflag:$0x4] =	stream.linear.gather @p0 [hbm4b:s7+s14], $0x80, $0x38;
	[tilespmem:$0x1F700] =	vst v63  }
0x7e: {  	s7 =	simm.s32 @!p0 $0xA  }
0x7f: {  	_ =	swait.ge @!p0 [sflag:s7], $0x3C00  }
0x80: {  	[sflag:s7] =	ssyncset.done @!p0 $0x0  }
0x81: {  	[sflag:s7] =	ssyncadd.s32 @!p0 $0xFFFFC400  }
0x82: {  	_ =	swait.ge [sflag:s13], $0x80  }
0x83: {  	s7 =	sand.u32 @p0 $0x7C00, s19;
	[sflag:s13] =	ssyncset.done $0x0  }
0x84: {  	s30 =	sand.u32 @p0 $0x380, s19;
	s7 =	sadd.s32 @p0 s8, s7;
	[sflag:s13] =	ssyncadd.s32 $0xFFFFFF80  }
0x85: {  	[spmem:s2] =	stream.indirect.scatter.add.f32 [tilespmem:s31], [sflag:$0xB], $0x80, s26, s29, $0xb8;
	[tilespmem:$0x1F700] =	vst v63  }
0x86: {  	s7 =	sor.u32 @p0 s30, s7;
	_ =	swait.ge [sflag:s15], $0x3C00  }
0x87: {  	s7 =	sshrl.u32 @p0 s7, $0x3;
	[sflag:s15] =	ssyncset.done $0x0  }
0x88: {  	s30 =	simm.s32 @p0 $0x100;
	s7 =	sadd.s32 @p0 s5, s7;
	[sflag:s15] =	ssyncadd.s32 $0xFFFFC400  }
0x89: {  	[tilespmem:s30], [sflag:$0x3] =	stream.linear.gather @p0 [hbm4b:s7+s14], $0x80, $0x38;
	[tilespmem:$0x1F700] =	vst v63  }
0x8a: {  	s7 =	simm.s32 @p0 $0xB  }
0x8b: {  	_ =	swait.ge @p0 [sflag:s7], $0x3C00  }
0x8c: {  	[sflag:s7] =	ssyncset.done @p0 $0x0  }
0x8d: {  	[sflag:s7] =	ssyncadd.s32 @p0 $0xFFFFC400;
	s7 =	simm.s32 @p0 $0x2  }
0x8e: {  	_ =	swait.ge @p0 [sflag:s7], $0x80  }
0x8f: {  	[sflag:s7] =	ssyncset.done @p0 $0x0  }
0x90: {  	[sflag:s7] =	ssyncadd.s32 @p0 $0xFFFFFF80;
	s7 =	simm.s32 @p0 $0x3F00  }
0x91: {  	[tilespmem:s7], [sflag:$0x8] =	stream.indirect.gather @p0 [hbm4b:s4+s23], $0x80, s28, s23, $0xb8;
	[tilespmem:$0x1F700] =	vst v63  }
0x92: {  	s7 =	sadd.s32 @p0 s6, s20;
	s20 =	simm.s32 @p0 $0x200  }
0x93: {  	[tilespmem:s20], [sflag:$0x5] =	stream.linear.gather @p0 [hbm4b:s7+s14], $0x80, $0x38;
	[tilespmem:$0x1F700] =	vst v63  }
0x94: {  	s7 =	simm.s32 @!p0 $0xB  }
0x95: {  	_ =	swait.ge @!p0 [sflag:s7], $0x3C00  }
0x96: {  	s19 =	sadd.s32 $0x180, s19;
	[sflag:s7] =	ssyncset.done @!p0 $0x0  }
0x97: {  	[sflag:s7] =	ssyncadd.s32 @!p0 $0xFFFFC400;
	p0 =	sne.s32 s19, $0x2C80  }
.Ltmp1:
0x98: {  	_ = 	snop;
	(pc) =	sbr.rel @p0 .LBB2_4-.Ltmp1, $4  }
0x99: {  	_ =	swait.ge [sflag:s16], $0x80  }
0x9a: {  	[sflag:s16] =	ssyncset.done $0x0  }
0x9b: {  	[sflag:s16] =	ssyncadd.s32 $0xFFFFFF80  }
0x9c: {  	[spmem:s2] =	stream.indirect.scatter.add.f32 [tilespmem:s9], [sflag:$0xC], $0x80, s10, s29, $0xb8;
	[tilespmem:$0x1F700] =	vst v63  }
0x9d: {  	_ =	swait.ge [sflag:s17], $0x3C00  }
0x9e: {  	[sflag:s17] =	ssyncset.done $0x0  }
0x9f: {  	[sflag:s17] =	ssyncadd.s32 $0xFFFFC400  }
0xa0: {  	s7 =	stileid.u32;
	[bflag:$0x0] =	sbarrier.arrive $0xFFFF  }
0xa1: {  	s7 =	sshll.u32 s7, $0x6;
	s20 =	rddreg [dreg:$0x3]  }
0xa2: {  	s7 =	sor.u32 $0x1C0D, s7;
	s19 =	rddreg [dreg:$0xe];
	s14 =	sshrl.u32 s20, $0x3  }
0xa3: {  	[hbm:s19], [sflag:s7] =	dma.local [spmem:s14], $0x2800  }
0xa4: {  	_ =	swait.ge [sflag:s22], $0x2800  }
0xa5: {  	s18 =	sadd.s32 $0x1, s18;
	s30 =	rddreg [dreg:$0xf]  }
0xa6: {  	p0 =	sne.s32 s18, s30  }
.Ltmp2:
0xa7: {  	_ = 	snop;
	(pc) =	sbr.rel @p0 .LBB2_1-.Ltmp2, $3  }
0xa8: {  	_ =	sdelay $0x1  }
0xa9: {  	[sflag:s22] =	ssyncset.done $0x0  }
0xaa: {  	[sflag:s22] =	ssyncadd.s32 $0xFFFFD800  }
0xab: {  	_ =	sfence.sel $0x180000  }
0xac: {  	[bflag:$0x0] =	sbarrier.arrive $0xFFFF  }
0xad: {  	_ =	strace $0x9000004D  }
0xae: {  	s0 =	stileid.u32;
	[bflag:$0x2] =	sbarrier.arrive $0xFFFF  }
0xaf: {  	p0 =	sne.s32 s0, $0x0;
	s0 =	rddreg [dreg:$0x2]  }
0xb0: {  	s0 =	sadd.s32 @!p0 $0x100000, s0  }
0xb1: {  	[sflag:s0] =	ssyncadd.tile.s32 @!p0 $0x1;
	_ =	shalt  }
.Lfunc_end2:
_tile_overlayer_lowered:
.L_overlay_start_2:
0xb2: {  	(tag) =	ssettag $0x2  }
0xb3: {  	s0 =	rddreg [dreg:$0x0];
	s2 =	stileid.u32  }
0xb4: {  	s1 =	rddreg [dreg:$0x1];
	p0 =	sne.s32 s2, $0x0  }
0xb5: {  	s3 =	rddreg [dreg:$0x2];
	[bflag:$0x3] =	sbarrier.arrive $0xFFFF;
	s2 =	simm.s32 @!p0 $0x1C0D  }
0xb6: {  	[timem:s3], [sflag:s2] =	dma.local @!p0 [hbm:s0], s1  }
0xb7: {  	s0 =	simm.s32 @!p0 $0xD  }
0xb8: {  	_ =	swait.ge @!p0 [sflag:s0], s1  }
0xb9: {  	s1 =	ssub.s32 @!p0 $0x0, s1;
	[sflag:s0] =	ssyncset.done @!p0 $0x0  }
0xba: {  	[sflag:s0] =	ssyncadd.s32 @!p0 s1  }
0xbb: {  	[bflag:$0x3] =	sbarrier.arrive $0xFFFF  }
0xbc: {  	_ =	shalt  }

// kernel: kernel.9.cloned.1.call-start
scs
__scs_entry_jumppad:
0x0: {  	(pc) =	sbr.rel $0x88, $3  }
0x1: {  	(tag) =	ssettag $0x0;
	lr =	simm.s32 $0x1  }
0x2: {  	[smem:$0x3F95] =	sst lr;
	_ =	strace $0xD0000000  }
0x3: {  	_ = 	snop  }
0x4: {  	_ = 	snop  }
0x5: {  	_ = 	snop  }
0x6: {  	_ = 	snop  }
0x7: {  	_ = 	snop  }
__scs_overlays_trampoline_lowered:
0x8: {  	[smem:$0x3FA4] =	sst s0  }
0x9: {  	[smem:$0x3FA5] =	sst s1  }
0xa: {  	[smem:$0x3FA6] =	sst s2  }
0xb: {  	[smem:$0x3FA7] =	sst s3  }
0xc: {  	[smem:$0x3FA8] =	sst s4  }
0xd: {  	[smem:$0x3FA9] =	sst s5  }
0xe: {  	[smem:$0x3FAA] =	sst s6  }
0xf: {  	[smem:$0x3FAB] =	sst s7  }
0x10: {  	[smem:$0x3FAC] =	sst s8  }
0x11: {  	[smem:$0x3FAD] =	sst s9;
	s0 =	simm.s32 @!p0 $0x0  }
0x12: {  	s1 =	sld [smem:$0x3F93];
	s0 =	simm.s32 @p0 $0x1  }
0x13: {  	[smem:$0x3FAE] =	sst s0;
	s0 =	simm.s32 @!p1 $0x0  }
0x14: {  	s2 =	sld [smem:$0x3F92];
	s0 =	simm.s32 @p1 $0x1  }
0x15: {  	[smem:$0x3FAF] =	sst s0;
	s0 =	simm.s32 @!p2 $0x0  }
0x16: {  	s3 =	sld [smem:$0x3FDB];
	s0 =	simm.s32 @p2 $0x1  }
0x17: {  	s4 =	simm.s32 $0x1BF5;
	[smem:$0x3FB1] =	sst s0  }
0x18: {  	s0 =	sld [smem:$0x3F94];
	_ =	swait.ge [sflag:s4], $0x0  }
0x19: {  	s7 =	sld [smem:$0x3F95]  }
0x1a: {  	s8 =	sadd.s32 $0xFFFFE003, lr  }
0x1b: {  	s9 =	sadd.s32 $0xFFFFFEF7, lr;
	s5 =	simm.s32 $0xFFFFFFFF;
	p2 =	slt.u32 s8, $0xFFFFF086  }
0x1c: {  	p1 =	slt.u32 s9, $0xF7A;
	s5 =	simm.s32 @!p2 $0x0  }
0x1d: {  	s5 =	simm.s32 @p1 $0x1;
	p0 =	seq.s32 s7, s2  }
0x1e: {  	s7 =	smul.u32 @!p0 $0xF7A, s2;
	p2 =	seq.s32 @!p0 s5, $0x0  }
0x1f: {  	s9 =	smul.u32 $0xF7A, s1;
	s8 =	simm.s32 @!p0 $0x1BF5;
	p2 =	por !p2, p0  }
0x20: {  	[sflag:s8] =	ssyncset.s32 @!p0 $0xFFFFF086;
	s6 =	sadd.s32 @!p0 s3, s7;
	s7 =	simm.s32 @!p0 $0x108  }
0x21: {  	s3 =	sadd.s32 s3, s9;
	s6 =	sadd.s32 @!p0 $0x88, s6;
	s7 =	simm.s32 @p2 $0x1082  }
0x22: {  	[simem:s7], [sflag:s8] =	dma.local @!p0 [hbm:s6], $0xF7A  }
0x23: {  	s9 =	sor.u32 $0xD0000000, s2;
	s6 =	simm.s32 $0x108;
	_ =	swait.ge @!p0 [sflag:s8], $0x0  }
0x24: {  	s3 =	sadd.s32 $0x88, s3;
	s6 =	simm.s32 @!p1 $0x1082;
	[sflag:s4] =	ssyncset.s32 $0xFFFFF086  }
0x25: {  	[simem:s6], [sflag:s4] =	dma.local [hbm:s3], $0xF7A  }
0x26: {  	[smem:$0x3F95] =	sst s1;
	(tag) =	ssettag s2;
	_ =	strace s9  }
0x27: {  	s1 =	sld [smem:$0x3FA5]  }
0x28: {  	s2 =	sld [smem:$0x3FA6]  }
0x29: {  	s4 =	sld [smem:$0x3FA8]  }
0x2a: {  	p0 =	seq.s32 s5, $0x0;
	s5 =	sld [smem:$0x3FA9]  }
0x2b: {  	s6 =	sld [smem:$0x3FAA]  }
0x2c: {  	s7 =	sld [smem:$0x3FAB]  }
0x2d: {  	s3 =	simm.s32 $0x108;
	s8 =	sld [smem:$0x3FAC]  }
0x2e: {  	s3 =	simm.s32 @!p0 $0x1082;
	s9 =	sld [smem:$0x3FAD]  }
0x2f: {  	lr =	sadd.s32 s0, s3;
	s0 =	sld [smem:$0x3FA4]  }
0x30: {  	s3 =	sld [smem:$0x3FA7]  }
0x31: {  	[smem:$0x3FB0] =	sst s10  }
0x32: {  	s10 =	sld [smem:$0x3FAE];
	_ =	sdelay $0x3  }
0x33: {  	p0 =	seq.s32 s10, $0x1;
	s10 =	sld [smem:$0x3FB0];
	_ =	sdelay $0x3  }
0x34: {  	[smem:$0x3FB0] =	sst s10  }
0x35: {  	s10 =	sld [smem:$0x3FAF];
	_ =	sdelay $0x3  }
0x36: {  	p1 =	seq.s32 s10, $0x1;
	s10 =	sld [smem:$0x3FB0];
	_ =	sdelay $0x3  }
0x37: {  	[smem:$0x3FB0] =	sst s10  }
0x38: {  	s10 =	sld [smem:$0x3FB1]  }
0x39: {  	_ = 	snop;
	(pc) =	sbr.ind lr, $3  }
0x3a: {  	_ = 	snop  }
0x3b: {  	_ = 	snop  }
0x3c: {  	p2 =	seq.s32 s10, $0x1;
	s10 =	sld [smem:$0x3FB0]  }
0x3d: {  	_ =	shalt  }
0x3e: {  	_ =	shalt  }
0x3f: {  	_ =	shalt  }
0x40: {  	_ =	shalt  }
0x41: {  	_ =	shalt  }
0x42: {  	_ =	shalt  }
0x43: {  	_ =	shalt  }
0x44: {  	_ =	shalt  }
0x45: {  	_ =	shalt  }
0x46: {  	_ =	shalt  }
0x47: {  	_ =	shalt  }
0x48: {  	_ =	shalt  }
0x49: {  	_ =	shalt  }
0x4a: {  	_ =	shalt  }
0x4b: {  	_ =	shalt  }
0x4c: {  	_ =	shalt  }
0x4d: {  	_ =	shalt  }
0x4e: {  	_ =	shalt  }
0x4f: {  	_ =	shalt  }
0x50: {  	_ =	shalt  }
0x51: {  	_ =	shalt  }
0x52: {  	_ =	shalt  }
0x53: {  	_ =	shalt  }
0x54: {  	_ =	shalt  }
0x55: {  	_ =	shalt  }
0x56: {  	_ =	shalt  }
0x57: {  	_ =	shalt  }
0x58: {  	_ =	shalt  }
0x59: {  	_ =	shalt  }
0x5a: {  	_ =	shalt  }
0x5b: {  	_ =	shalt  }
0x5c: {  	_ =	shalt  }
0x5d: {  	_ =	shalt  }
0x5e: {  	_ =	shalt  }
0x5f: {  	_ =	shalt  }
0x60: {  	_ =	shalt  }
0x61: {  	_ =	shalt  }
0x62: {  	_ =	shalt  }
0x63: {  	_ =	shalt  }
0x64: {  	_ =	shalt  }
0x65: {  	_ =	shalt  }
0x66: {  	_ =	shalt  }
0x67: {  	_ =	shalt  }
0x68: {  	_ =	shalt  }
0x69: {  	_ =	shalt  }
0x6a: {  	_ =	shalt  }
0x6b: {  	_ =	shalt  }
0x6c: {  	_ =	shalt  }
0x6d: {  	_ =	shalt  }
0x6e: {  	_ =	shalt  }
0x6f: {  	_ =	shalt  }
0x70: {  	_ =	shalt  }
0x71: {  	_ =	shalt  }
0x72: {  	_ =	shalt  }
0x73: {  	_ =	shalt  }
0x74: {  	_ =	shalt  }
0x75: {  	_ =	shalt  }
0x76: {  	_ =	shalt  }
0x77: {  	_ =	shalt  }
0x78: {  	_ =	shalt  }
0x79: {  	_ =	shalt  }
0x7a: {  	_ =	shalt  }
0x7b: {  	_ =	shalt  }
0x7c: {  	_ =	shalt  }
0x7d: {  	_ =	shalt  }
0x7e: {  	_ =	shalt  }
0x7f: {  	_ =	shalt  }
0x80: {  	_ =	shalt  }
0x81: {  	_ =	shalt  }
0x82: {  	_ =	shalt  }
0x83: {  	_ =	shalt  }
0x84: {  	_ =	shalt  }
0x85: {  	_ =	shalt  }
0x86: {  	_ =	shalt  }
0x87: {  	_ =	shalt  }
.Lfunc_end0:
.L_simem_size_0:
called_computation_lowered:
.L_overlay_start_0:
0x88: {  	s2 =	sld [smem:$0x3FD9]  }
0x89: {  	s3 =	sld [smem:$0x3FFE];
	_ =	sdelay $0x1  }
0x8a: {  	s1 =	srdreg.scid  }
0x8b: {  	s0 =	sand.u32 $0x1, s1  }
0x8c: {  	s16 =	sshll.u32 s0, $0xA;
	s2 =	sadd.s32 s3, s2  }
0x8d: {  	s2 =	sadd.s32 s2, s16  }
0x8e: {  	[smem:$0x3FBC] =	sst s2  }
0x8f: {  	_ = 	snop  }
0x90: {  	(tm) =	ssettm $0x1  }
0x91: {  	s17 =	sld [smem:$0x3FFB];
	_ =	sdelay $0x3  }
0x92: {  	_ =	strace s17  }
0x93: {  	s2 =	sld [smem:$0x3FFC];
	_ =	sdelay $0x3  }
0x94: {  	_ =	strace s2  }
0x95: {  	s2 =	sld [smem:$0x3FFD];
	_ =	sdelay $0x3  }
0x96: {  	_ =	strace s2  }
0x97: {  	_ =	strace $0x8FFFFFFF  }
0x98: {  	s18 =	sld [smem:$0x3FDB];
	_ =	sdelay $0x1  }
0x99: {  	s19 =	simm.s32 $_scs_section_size  }
0x9a: {  	s4 =	simm.s32 $_size__tile_overlayer_lowered;
	s5 =	simm.s32 $_tile_overlayer_lowered  }
0x9b: {  	s22 =	simm.s32 $0x1BFF;
	s21 =	sshll.u32 s5, $0x1;
	s2 =	sadd.s32 s19, s18  }
0x9c: {  	s6 =	simm.s32 $0x0;
	s20 =	sshll.u32 s4, $0x1;
	s4 =	sadd.s32 s21, s2  }
0x9d: {  	[timem:s6], [sflag:s22] =	dma.local [hbm:s4], s20  }
0x9e: {  	_ =	swait.ge [sflag:s22], s20  }
0x9f: {  	s3 =	ssub.s32 $0x0, s20;
	[sflag:s22] =	ssyncset.done $0x0  }
0xa0: {  	[sflag:s22] =	ssyncadd.s32 s3;
	_ =	sdelay $0x1  }
0xa1: {  	s23 =	simm.s32 $0x1B8B  }
0xa2: {  	_ =	swait.ge [sflag:s23], $0x1  }
0xa3: {  	[sflag:s23] =	ssyncset.done $0x0  }
0xa4: {  	s25 =	simm.s32 $0x1B8E;
	s24 =	sld [smem:$0x3FFE];
	[sflag:s23] =	ssyncadd.s32 $0xFFFFFFFF  }
0xa5: {  	s26 =	simm.s32 $execute0_lowered;
	[smem:$0x3FD2] =	sst s25  }
0xa6: {  	s4 =	sshll.u32 s26, $0x1;
	_ =	strace $0x80000046;
	[dreg:$0x1] =	wrdreg $0xFFFFFFFF  }
0xa7: {  	s28 =	simm.s32 $_size_execute0_lowered;
	s2 =	sadd.s32 s2, s4;
	[dreg:$0x0] =	wrdreg $0x0  }
0xa8: {  	s4 =	sshll.u32 s28, $0x1;
	[dreg:$0x2] =	wrdreg s2  }
0xa9: {  	[dreg:$0x3] =	wrdreg s4  }
0xaa: {  	[dreg:$0x4] =	wrdreg $0xC0  }
0xab: {  	_ =	task [dreg:s6], $0x5FFFF  }
0xac: {  	[dreg:$0x1] =	wrdreg $0xFFFFFFFF  }
0xad: {  	[dreg:$0x0] =	wrdreg $0x60  }
0xae: {  	[dreg:$0x2] =	wrdreg s24  }
0xaf: {  	[dreg:$0x3] =	wrdreg $0x5B000  }
0xb0: {  	[dreg:$0x4] =	wrdreg $0x5D800  }
0xb1: {  	[dreg:$0x5] =	wrdreg $0x9  }
0xb2: {  	_ =	task.clear_ibuf [dreg:s6], $0x6FFFF;
	_ =	strace $0x90000046  }
0xb3: {  	s29 =	simm.s32 $0x9;
	_ =	strace $0x80000048  }
0xb4: {  	_ =	swait.ge [sflag:s29], $0x1  }
0xb5: {  	[sflag:s29] =	ssyncadd.s32 $0xFFFFFFFF  }
0xb6: {  	_ =	strace $0x90000048  }
0xb7: {  	_ =	sfence  }
0xb8: {  	s30 =	sld [smem:$0x0];
	_ =	sdelay $0x2  }
0xb9: {  	s31 =	sshll.u32 s1, $0xD;
	s1 =	sshrl.u32 s1, $0x2  }
0xba: {  	s3 =	sand.u32 $0x4000, s31;
	s1 =	sadd.s32 s1, s30  }
0xbb: {  	s0 =	sor.u32 s3, s0;
	s1 =	sshll.u32 s1, $0x11  }
0xbc: {  	s0 =	sor.u32 s1, s0  }
0xbd: {  	s0 =	sadd.s32 $0x8F2B, s0  }
0xbe: {  	[sflag:s0] =	ssyncadd.remote.s32 $0x1  }
0xbf: {  	_ =	sfence.sel $0xFFFF  }
0xc0: {  	[dreg:$0x0] =	wrdreg $0xFFFFFFFF;
	(pc) =	sbr.abs _section_cstart, $3  }
0xc1: {  	[dreg:$0x1] =	wrdreg $0xFFFFFFFF  }
0xc2: {  	_ =	task.clear_ibuf [dreg:s6], $0x2FFFF;
	_ =	strace $0x9FFFFFFF  }
0xc3: {  	(tm) =	ssettm $0x7FFFFFFF  }
tec
execute0_lowered:
.L_overlay_start_1:
0x0: {  	(tag) =	ssettag $0x1  }
0x1: {  	s5 =	rddreg [dreg:$0x0]  }
0x2: {  	s2 =	rddreg [dreg:$0x1]  }
0x3: {  	s3 =	rddreg [dreg:$0x2]  }
0x4: {  	s0 =	rddreg [dreg:$0x3];
	s4 =	srdreg.scid  }
0x5: {  	s1 =	stileid.u32;
	s13 =	simm.s32 $0x1;
	s14 =	simm.s32 $0x2C00  }
0x6: {  	s15 =	simm.s32 $0x78;
	s16 =	simm.s32 $0x5800;
	s17 =	simm.s32 $0x0  }
0x7: {  	s6 =	sand.u32 $0x1, s4;
	s7 =	sshll.u32 s1, $0x1;
	s8 =	smul.u32 $0x280, s1  }
0x8: {  	s4 =	simm.s32 $0x0;
	s7 =	sor.u32 s6, s7;
	s9 =	smul.u32 $0x2800, s6  }
0x9: {  	[smem:$0x7FF] =	sst s4;
	s6 =	ssub.s32 $0x2, s6;
	s7 =	smul.u32 $0x580, s7  }
0xa: {  	_ =	strace $0x80000047;
	s31 =	sshrl.u32 s6, $0x1;
	s9 =	sadd.s32 s8, s9  }
0xb: {  	s12 =	ssub.s32 s6, s31;
	s6 =	sadd.s32 s8, s3;
	s30 =	sshrl.u32 s9, $0x3  }
0xc: {  	s10 =	sadd.s32 s7, s5;
	s11 =	sadd.s32 s30, s5;
	s5 =	sadd.s32 s8, s2  }
0xd: {  	s7 =	sadd.s32 $0x3400, s10;
	s8 =	sadd.s32 $0xE400, s10;
	s9 =	sadd.s32 $0x19400, s11  }
0xe: {  	v0 =	vimm.f32 $1.000000000e+00;
	v1 =	vimm.f32 $0.0e+00;
	s10 =	sadd.s32 $0x19E00, s11;
	s11 =	smax.u32 s12, $0x1;
	s12 =	simm.s32 $0x5880  }
.LBB2_1:
0xf: {  	[tilespmem:$0x5800] =	vst v0  }
0x10: {  	[tilespmem:$0x5810] =	vst v0  }
0x11: {  	[tilespmem:$0x5820] =	vst v0  }
0x12: {  	[tilespmem:$0x5830] =	vst v0  }
0x13: {  	[tilespmem:$0x5840] =	vst v0  }
0x14: {  	[tilespmem:$0x5850] =	vst v0  }
0x15: {  	[tilespmem:$0x5860] =	vst v0  }
0x16: {  	[tilespmem:$0x5880] =	vst v1  }
0x17: {  	[tilespmem:$0x5890] =	vst v1  }
0x18: {  	[tilespmem:$0x58A0] =	vst v1  }
0x19: {  	[tilespmem:$0x58B0] =	vst v1  }
0x1a: {  	[tilespmem:$0x58C0] =	vst v1  }
0x1b: {  	[tilespmem:$0x58D0] =	vst v1  }
0x1c: {  	[tilespmem:$0x58E0] =	vst v1  }
0x1d: {  	[tilespmem:$0x58F0] =	vst v1  }
0x1e: {  	[tilespmem:$0x5900] =	vst v1  }
0x1f: {  	[tilespmem:$0x5910] =	vst v1  }
0x20: {  	[tilespmem:$0x5920] =	vst v1  }
0x21: {  	[tilespmem:$0x5930] =	vst v1  }
0x22: {  	[tilespmem:$0x5940] =	vst v1  }
0x23: {  	[tilespmem:$0x5950] =	vst v1  }
0x24: {  	[tilespmem:$0x5960] =	vst v1  }
0x25: {  	[tilespmem:$0x5970] =	vst v1  }
0x26: {  	[tilespmem:$0x5980] =	vst v1  }
0x27: {  	[tilespmem:$0x5990] =	vst v1  }
0x28: {  	[tilespmem:$0x59A0] =	vst v1  }
0x29: {  	[tilespmem:$0x59B0] =	vst v1  }
0x2a: {  	[tilespmem:$0x59C0] =	vst v1  }
0x2b: {  	[tilespmem:$0x59D0] =	vst v1  }
0x2c: {  	[tilespmem:$0x59E0] =	vst v1  }
0x2d: {  	[tilespmem:$0x59F0] =	vst v1  }
0x2e: {  	[tilespmem:$0x5A00] =	vst v1  }
0x2f: {  	[tilespmem:$0x5A10] =	vst v1  }
0x30: {  	[tilespmem:$0x5A20] =	vst v1  }
0x31: {  	[tilespmem:$0x5A30] =	vst v1  }
0x32: {  	[tilespmem:$0x5A40] =	vst v1  }
0x33: {  	[tilespmem:$0x5A50] =	vst v1  }
0x34: {  	[tilespmem:$0x5A60] =	vst v1  }
0x35: {  	[tilespmem:$0x5A70] =	vst v1  }
0x36: {  	[tilespmem:$0x5A80] =	vst v1  }
0x37: {  	[tilespmem:$0x5A90] =	vst v1  }
0x38: {  	[tilespmem:$0x5AA0] =	vst v1  }
0x39: {  	[tilespmem:$0x5AB0] =	vst v1  }
0x3a: {  	[tilespmem:$0x5AC0] =	vst v1  }
0x3b: {  	[tilespmem:$0x5AD0] =	vst v1  }
0x3c: {  	[tilespmem:$0x5AE0] =	vst v1  }
0x3d: {  	[tilespmem:$0x5AF0] =	vst v1  }
0x3e: {  	[tilespmem:$0x5868] =	vst v0  }
0x3f: {  	[spmem:s5] =	stream.linear.scatter [tilespmem:s12], [sflag:$0x1], $0x280, $0x38;
	[tilespmem:$0x6000] =	vst v63  }
0x40: {  	_ =	swait.ge [sflag:s13], $0x280  }
0x41: {  	[sflag:s13] =	ssyncset.done $0x0  }
0x42: {  	[sflag:s13] =	ssyncadd.s32 $0xFFFFFD80  }
0x43: {  	[spmem:s6] =	stream.linear.scatter [tilespmem:s12], [sflag:$0x1], $0x280, $0x38;
	[tilespmem:$0x6000] =	vst v63  }
0x44: {  	_ =	swait.ge [sflag:s13], $0x280  }
0x45: {  	[sflag:s13] =	ssyncset.done $0x0  }
0x46: {  	[sflag:s13] =	ssyncadd.s32 $0xFFFFFD80  }
0x47: {  	[tilespmem:s4], [sflag:$0x1] =	stream.linear.gather [hbm4b:s7+s4], $0x2A00, $0x38;
	[tilespmem:$0x6000] =	vst v63  }
0x48: {  	_ =	swait.ge [sflag:s13], $0x2A00  }
0x49: {  	[sflag:s13] =	ssyncset.done $0x0  }
0x4a: {  	[sflag:s13] =	ssyncadd.s32 $0xFFFFD600  }
0x4b: {  	[tilespmem:s14], [sflag:$0x1] =	stream.linear.gather [hbm4b:s8+s4], $0x2A00, $0x38;
	[tilespmem:$0x6000] =	vst v63  }
0x4c: {  	_ =	swait.ge [sflag:s13], $0x2A00  }
0x4d: {  	[sflag:s13] =	ssyncset.done $0x0  }
0x4e: {  	[sflag:s13] =	ssyncadd.s32 $0xFFFFD600  }
0x4f: {  	s18 =	simm.s32 $0x0;
	[bflag:$0x0] =	sbarrier.arrive $0xFFFF  }
0x50: {  	[spmem:s2] =	stream.indirect.scatter.add.f32 [tilespmem:s16], [sflag:$0x1], $0x1, s18, s15, $0xb8;
	[tilespmem:$0x6000] =	vst v63  }
0x51: {  	_ =	swait.ge [sflag:s13], $0x78  }
0x52: {  	[sflag:s13] =	ssyncset.done $0x0  }
0x53: {  	s31 =	simm.s32 $0x2C00;
	[sflag:s13] =	ssyncadd.s32 $0xFFFFFF88  }
0x54: {  	[spmem:s3] =	stream.indirect.scatter.add.f32 [tilespmem:s16], [sflag:$0x1], $0x1, s31, s15, $0xb8;
	[tilespmem:$0x6000] =	vst v63  }
0x55: {  	_ =	swait.ge [sflag:s13], $0x78  }
0x56: {  	s19 =	simm.s32 $0x400;
	s18 =	simm.s32 $0x200;
	[sflag:s13] =	ssyncset.done $0x0  }
.LBB2_2:
0x57: {  	s20 =	sshra.s32 s18, $0x2  }
0x58: {  	[sflag:s13] =	ssyncadd.s32 $0xFFFFFF88;
	s18 =	smov.u32 s19;
	s21 =	sadd.s32 $0x200, s19  }
0x59: {  	[spmem:s2] =	stream.indirect.scatter.add.f32 [tilespmem:s16], [sflag:$0x1], $0x1, s20, s15, $0xb8;
	[tilespmem:$0x6000] =	vst v63  }
0x5a: {  	p0 =	sne.s32 s19, $0xA600;
	_ =	swait.ge [sflag:s13], $0x78  }
.Ltmp0:
0x5b: {  	[sflag:s13] =	ssyncset.done $0x0;
	(pc) =	sbr.rel @p0 .LBB2_2-.Ltmp0, $4  }
0x5c: {  	s19 =	sadd.s32 $0x2C00, s20;
	[sflag:s13] =	ssyncadd.s32 $0xFFFFFF88  }
0x5d: {  	[spmem:s3] =	stream.indirect.scatter.add.f32 [tilespmem:s16], [sflag:$0x1], $0x1, s19, s15, $0xb8;
	[tilespmem:$0x6000] =	vst v63  }
0x5e: {  	_ =	swait.ge [sflag:s13], $0x78  }
0x5f: {  	s19 =	smov.u32 s21;
	[sflag:s13] =	ssyncset.done $0x0  }
0x60: {  	s18 =	sshra.s32 s18, $0x2;
	[sflag:s13] =	ssyncadd.s32 $0xFFFFFF88  }
0x61: {  	[spmem:s2] =	stream.indirect.scatter.add.f32 [tilespmem:s16], [sflag:$0x1], $0x1, s18, s15, $0xb8;
	[tilespmem:$0x6000] =	vst v63  }
0x62: {  	_ =	swait.ge [sflag:s13], $0x78  }
0x63: {  	[sflag:s13] =	ssyncset.done $0x0  }
0x64: {  	s18 =	sadd.s32 $0x2C00, s18;
	[sflag:s13] =	ssyncadd.s32 $0xFFFFFF88  }
0x65: {  	[spmem:s3] =	stream.indirect.scatter.add.f32 [tilespmem:s16], [sflag:$0x1], $0x1, s18, s15, $0xb8;
	[tilespmem:$0x6000] =	vst v63  }
0x66: {  	_ =	swait.ge [sflag:s13], $0x78  }
0x67: {  	[sflag:s13] =	ssyncset.done $0x0  }
0x68: {  	[sflag:s13] =	ssyncadd.s32 $0xFFFFFF88  }
0x69: {  	[bflag:$0x0] =	sbarrier.arrive $0xFFFF  }
0x6a: {  	[tilespmem:s12], [sflag:$0x1] =	stream.linear.gather [spmem:s5], $0x280, $0x38;
	[tilespmem:$0x6000] =	vst v63  }
0x6b: {  	_ =	swait.ge [sflag:s13], $0x280  }
0x6c: {  	[sflag:s13] =	ssyncset.done $0x0  }
0x6d: {  	[sflag:s13] =	ssyncadd.s32 $0xFFFFFD80  }
0x6e: {  	[hbm4b:s9+s4] =	stream.linear.scatter [tilespmem:s12], [sflag:$0x1], $0x280, $0x38;
	[tilespmem:$0x6000] =	vst v63  }
0x6f: {  	_ =	swait.ge [sflag:s13], $0x280  }
0x70: {  	[sflag:s13] =	ssyncset.done $0x0  }
0x71: {  	[sflag:s13] =	ssyncadd.s32 $0xFFFFFD80  }
0x72: {  	[tilespmem:s12], [sflag:$0x1] =	stream.linear.gather [spmem:s6], $0x280, $0x38;
	[tilespmem:$0x6000] =	vst v63  }
0x73: {  	s17 =	sadd.s32 $0x1, s17;
	_ =	swait.ge [sflag:s13], $0x280  }
0x74: {  	p0 =	sne.s32 s17, s11;
	[sflag:s13] =	ssyncset.done $0x0  }
.Ltmp1:
0x75: {  	[sflag:s13] =	ssyncadd.s32 $0xFFFFFD80;
	(pc) =	sbr.rel @p0 .LBB2_1-.Ltmp1, $4  }
0x76: {  	[hbm4b:s10+s4] =	stream.linear.scatter [tilespmem:s12], [sflag:$0x1], $0x280, $0x38;
	[tilespmem:$0x6000] =	vst v63  }
0x77: {  	_ =	swait.ge [sflag:s13], $0x280  }
0x78: {  	[sflag:s13] =	ssyncset.done $0x0  }
0x79: {  	[sflag:s13] =	ssyncadd.s32 $0xFFFFFD80  }
0x7a: {  	_ =	sfence.sel $0x180000  }
0x7b: {  	[bflag:$0x0] =	sbarrier.arrive $0xFFFF  }
0x7c: {  	p0 =	sne.s32 s1, $0x0;
	_ =	strace $0x90000047  }
0x7d: {  	s0 =	sadd.s32 @!p0 $0x100000, s0;
	[bflag:$0x2] =	sbarrier.arrive $0xFFFF  }
0x7e: {  	[sflag:s0] =	ssyncadd.tile.s32 @!p0 $0x1;
	_ =	shalt  }
.Lfunc_end2:
_tile_overlayer_lowered:
.L_overlay_start_2:
0x7f: {  	(tag) =	ssettag $0x2  }
0x80: {  	s0 =	rddreg [dreg:$0x0];
	s2 =	stileid.u32  }
0x81: {  	s1 =	rddreg [dreg:$0x1];
	p0 =	sne.s32 s2, $0x0  }
0x82: {  	s3 =	rddreg [dreg:$0x2];
	[bflag:$0x3] =	sbarrier.arrive $0xFFFF;
	s2 =	simm.s32 @!p0 $0x1C01  }
0x83: {  	[timem:s3], [sflag:s2] =	dma.local @!p0 [hbm:s0], s1  }
0x84: {  	s0 =	simm.s32 @!p0 $0x1  }
0x85: {  	_ =	swait.ge @!p0 [sflag:s0], s1  }
0x86: {  	s1 =	ssub.s32 @!p0 $0x0, s1;
	[sflag:s0] =	ssyncset.done @!p0 $0x0  }
0x87: {  	[sflag:s0] =	ssyncadd.s32 @!p0 s1  }
0x88: {  	[bflag:$0x3] =	sbarrier.arrive $0xFFFF  }
0x89: {  	_ =	shalt  }

</sc_bundles>
